<compile_context>
chip_gen: v7x
topology: tpu7x:2x2x1
jax: 0.10.2.dev20260603
libtpu: 0.0.44.dev20260713+nightly
codegen_flags: <defaults>
</compile_context>

<pallas_src>
import functools
import math

import jax
import jax.numpy as jnp
from jax import lax
from jax.experimental import pallas as pl

N = 20000
NPAD = 20480
NUM_CLASSES = 21
IMG_H, IMG_W = 800.0, 1216.0
SCORE_THRESH = 0.05
NMS_THRESH = 0.5
NUM_DETECTIONS = 100
MIN_SIZE = 1.0
K_PRE = 1000
KP = 1024
DETP = 128
BBOX_XFORM_CLIP = math.log(1000.0 / 16.0)
_HI = jax.lax.Precision.HIGHEST


def _score_decode_body(logit_ref, reg_ref, prop_ref, s_ref, box_ref):
    lg = logit_ref[...]
    m = jnp.max(lg, axis=0, keepdims=True)
    e = jnp.exp(lg - m)
    z = jnp.sum(e, axis=0, keepdims=True)
    prob = e / z

    pr = prop_ref[...]
    px1, py1 = pr[0:1], pr[1:2]
    px2, py2 = pr[2:3], pr[3:4]
    w = px2 - px1
    h = py2 - py1
    cx = px1 + 0.5 * w
    cy = py1 + 0.5 * h

    for c in range(NUM_CLASSES - 1):
        d = reg_ref[c + 1]
        dx = d[0:1] / 10.0
        dy = d[1:2] / 10.0
        dw = jnp.minimum(d[2:3] / 5.0, BBOX_XFORM_CLIP)
        dh = jnp.minimum(d[3:4] / 5.0, BBOX_XFORM_CLIP)
        pcx = dx * w + cx
        pcy = dy * h + cy
        pw = jnp.exp(dw) * w
        ph = jnp.exp(dh) * h
        x1 = jnp.clip(pcx - 0.5 * pw, 0.0, IMG_W)
        y1 = jnp.clip(pcy - 0.5 * ph, 0.0, IMG_H)
        x2 = jnp.clip(pcx + 0.5 * pw, 0.0, IMG_W)
        y2 = jnp.clip(pcy + 0.5 * ph, 0.0, IMG_H)
        bw = x2 - x1
        bh = y2 - y1
        sc = prob[c + 1:c + 2]
        valid = (sc >= SCORE_THRESH) & (bw >= MIN_SIZE) & (bh >= MIN_SIZE)
        s_ref[c, :] = jnp.where(valid, sc, -1.0)[0]
        box_ref[c] = jnp.concatenate([x1, y1, x2, y2], axis=0)


def _nms_body(boxc_ref, boxr_ref, s_ref, dbox_ref, ds_ref):
    bc = boxc_ref[0]
    br = boxr_ref[0]
    s_row = s_ref[0]

    x1c, y1c = bc[:, 0:1], bc[:, 1:2]
    x2c, y2c = bc[:, 2:3], bc[:, 3:4]
    x1r, y1r = br[0:1, :], br[1:2, :]
    x2r, y2r = br[2:3, :], br[3:4, :]

    area_c = (x2c - x1c) * (y2c - y1c)
    area_r = (x2r - x1r) * (y2r - y1r)
    wx = jnp.maximum(jnp.minimum(x2c, x2r) - jnp.maximum(x1c, x1r), 0.0)
    wy = jnp.maximum(jnp.minimum(y2c, y2r) - jnp.maximum(y1c, y1r), 0.0)
    inter = wx * wy
    union = area_c + area_r - inter
    iou = inter / jnp.maximum(union, 1e-9)

    im = lax.broadcasted_iota(jnp.int32, (KP, KP), 0)
    jm = lax.broadcasted_iota(jnp.int32, (KP, KP), 1)
    upper = im < jm
    sup_f = jnp.where((iou > NMS_THRESH) & upper, 1.0, 0.0)

    def cond(c):
        return c[1]

    def body(c):
        k = c[0]
        sup = lax.dot_general(k, sup_f, (((1,), (0,)), ((), ())),
                              precision=_HI)
        kn = jnp.where(sup > 0.5, 0.0, 1.0)
        return kn, jnp.any(kn != k)

    keep0 = jnp.ones((1, KP), jnp.float32)
    keep, _ = lax.while_loop(cond, body, (keep0, True))

    kv = (keep > 0.5) & (s_row > 0.0)
    s2 = jnp.where(kv, s_row, -1.0)

    eye = jnp.where(im == jm, 1.0, 0.0)
    s2_col = lax.dot_general(eye, s2, (((1,), (1,)), ((), ())),
                             precision=_HI)
    a_mat = jnp.where((s2_col > s2) | ((s2_col == s2) & upper), 1.0, 0.0)
    ones_row = jnp.ones((1, KP), jnp.float32)
    rank = lax.dot_general(ones_row, a_mat, (((1,), (0,)), ((), ())),
                           precision=_HI)
    ri = rank.astype(jnp.int32)
    p_col = lax.broadcasted_iota(jnp.int32, (DETP, KP), 0)
    perm = jnp.where(ri == p_col, 1.0, 0.0)

    det_box = lax.dot_general(perm, bc, (((1,), (0,)), ((), ())),
                              precision=_HI)
    det_s = lax.dot_general(perm, s2_col, (((1,), (0,)), ((), ())),
                            precision=_HI)
    dvalid = det_s > 0.0
    dbox_ref[0] = jnp.where(dvalid, det_box, 0.0)
    ds_ref[0] = jnp.where(dvalid, det_s, 0.0)


@jax.jit
def kernel(class_logit, box_regression, proposal):
    logit_t = jnp.pad(class_logit.T, ((0, 0), (0, NPAD - N)))
    reg_t = jnp.pad(
        jnp.transpose(box_regression.reshape(N, NUM_CLASSES, 4), (1, 2, 0)),
        ((0, 0), (0, 0), (0, NPAD - N)))
    prop_t = jnp.pad(proposal.T, ((0, 0), (0, NPAD - N)))

    blk = 2048
    grid_a = NPAD // blk
    s_all, box_all = pl.pallas_call(
        _score_decode_body,
        grid=(grid_a,),
        in_specs=[
            pl.BlockSpec((NUM_CLASSES, blk), lambda i: (0, i)),
            pl.BlockSpec((NUM_CLASSES, 4, blk), lambda i: (0, 0, i)),
            pl.BlockSpec((4, blk), lambda i: (0, i)),
        ],
        out_specs=[
            pl.BlockSpec((NUM_CLASSES - 1, blk), lambda i: (0, i)),
            pl.BlockSpec((NUM_CLASSES - 1, 4, blk), lambda i: (0, 0, i)),
        ],
        out_shape=[
            jax.ShapeDtypeStruct((NUM_CLASSES - 1, NPAD), jnp.float32),
            jax.ShapeDtypeStruct((NUM_CLASSES - 1, 4, NPAD), jnp.float32),
        ],
    )(logit_t, reg_t, prop_t)

    top_s, top_i = jax.vmap(functools.partial(lax.top_k, k=K_PRE))(s_all)
    tb = jnp.take_along_axis(box_all, top_i[:, None, :], axis=2)
    tb = jnp.pad(tb, ((0, 0), (0, 0), (0, KP - K_PRE)))
    ts = jnp.pad(top_s, ((0, 0), (0, KP - K_PRE)), constant_values=-1.0)
    tbt = jnp.swapaxes(tb, 1, 2)
    ts3 = ts[:, None, :]

    det_box, det_s = pl.pallas_call(
        _nms_body,
        grid=(NUM_CLASSES - 1,),
        in_specs=[
            pl.BlockSpec((1, KP, 4), lambda c: (c, 0, 0)),
            pl.BlockSpec((1, 4, KP), lambda c: (c, 0, 0)),
            pl.BlockSpec((1, 1, KP), lambda c: (c, 0, 0)),
        ],
        out_specs=[
            pl.BlockSpec((1, DETP, 4), lambda c: (c, 0, 0)),
            pl.BlockSpec((1, DETP, 1), lambda c: (c, 0, 0)),
        ],
        out_shape=[
            jax.ShapeDtypeStruct((NUM_CLASSES - 1, DETP, 4), jnp.float32),
            jax.ShapeDtypeStruct((NUM_CLASSES - 1, DETP, 1), jnp.float32),
        ],
    )(tbt, tb, ts3)

    db = det_box[:, :NUM_DETECTIONS, :]
    ds = det_s[:, :NUM_DETECTIONS, 0]
    labels = jnp.broadcast_to(
        jnp.arange(1, NUM_CLASSES, dtype=jnp.float32)[:, None],
        (NUM_CLASSES - 1, NUM_DETECTIONS))
    labels = jnp.where(ds > 0.0, labels, 0.0)
    det = jnp.concatenate(
        [db.reshape(-1, 4), ds.reshape(-1, 1), labels.reshape(-1, 1)], axis=1)
    return det

# --- scband reference (transcript-rebuilt; emitter-appended) ---
"""Pipeline reference for scband-ro-iheads-24807731102261 (READ-ONLY COPY).

The authoritative reference and input builder live on the scoring server;
editing this copy changes nothing except your own understanding.
"""

import jax, jax.numpy as jnp
import numpy as np
from jax import lax
import math

N = 20000
NUM_CLASSES = 21
IMG_H, IMG_W = 800.0, 1216.0
SCORE_THRESH = 0.05
NMS_THRESH = 0.5
NUM_DETECTIONS = 100
MIN_SIZE = 1.0
K_PRE = 1000
REG_WEIGHTS = (10.0, 10.0, 5.0, 5.0)
BBOX_XFORM_CLIP = math.log(1000.0 / 16.0)


def _decode(delta, boxes):
    wx, wy, ww, wh = REG_WEIGHTS
    widths = boxes[:, 2] - boxes[:, 0]
    heights = boxes[:, 3] - boxes[:, 1]
    ctr_x = boxes[:, 0] + 0.5 * widths
    ctr_y = boxes[:, 1] + 0.5 * heights
    dx = delta[:, 0] / wx
    dy = delta[:, 1] / wy
    dw = jnp.minimum(delta[:, 2] / ww, BBOX_XFORM_CLIP)
    dh = jnp.minimum(delta[:, 3] / wh, BBOX_XFORM_CLIP)
    pred_ctr_x = dx * widths + ctr_x
    pred_ctr_y = dy * heights + ctr_y
    pred_w = jnp.exp(dw) * widths
    pred_h = jnp.exp(dh) * heights
    x1 = pred_ctr_x - 0.5 * pred_w
    y1 = pred_ctr_y - 0.5 * pred_h
    x2 = pred_ctr_x + 0.5 * pred_w
    y2 = pred_ctr_y + 0.5 * pred_h
    return jnp.stack([x1, y1, x2, y2], axis=1)


def _box_iou(a, b):
    area_a = (a[:, 2] - a[:, 0]) * (a[:, 3] - a[:, 1])
    area_b = (b[:, 2] - b[:, 0]) * (b[:, 3] - b[:, 1])
    lt = jnp.maximum(a[:, None, :2], b[None, :, :2])
    rb = jnp.minimum(a[:, None, 2:], b[None, :, 2:])
    wh = jnp.clip(rb - lt, 0.0, None)
    inter = wh[..., 0] * wh[..., 1]
    union = area_a[:, None] + area_b[None, :] - inter
    return inter / jnp.maximum(union, 1e-9)


def _nms_keep(iou):
    K = iou.shape[0]
    idx = jnp.arange(K)

    def body(i, keep):
        cur = keep[i]
        suppress = (iou[i] > NMS_THRESH) & (idx > i) & cur
        return keep & jnp.logical_not(suppress)

    return lax.fori_loop(0, K, body, jnp.ones((K,), dtype=bool))


def _forward(class_logit, box_regression, proposal):
    pred_score = jax.nn.softmax(class_logit, axis=-1)
    box_reg = box_regression.reshape(class_logit.shape[0], NUM_CLASSES, 4)

    def per_class(score_l, delta_l):
        box = _decode(delta_l, proposal)
        x1 = jnp.clip(box[:, 0], 0.0, IMG_W)
        y1 = jnp.clip(box[:, 1], 0.0, IMG_H)
        x2 = jnp.clip(box[:, 2], 0.0, IMG_W)
        y2 = jnp.clip(box[:, 3], 0.0, IMG_H)
        box = jnp.stack([x1, y1, x2, y2], axis=1)
        w = x2 - x1
        h = y2 - y1
        valid = (score_l >= SCORE_THRESH) & (w >= MIN_SIZE) & (h >= MIN_SIZE)
        s = jnp.where(valid, score_l, -1.0)
        top_s, top_i = lax.top_k(s, K_PRE)
        top_box = box[top_i]
        iou = _box_iou(top_box, top_box)
        keep = _nms_keep(lax.stop_gradient(iou)) & (top_s > 0.0)
        s2 = jnp.where(keep, top_s, -1.0)
        det_s, det_i = lax.top_k(s2, NUM_DETECTIONS)
        det_box = top_box[det_i]
        det_valid = det_s > 0.0
        det_box = jnp.where(det_valid[:, None], det_box, 0.0)
        det_s = jnp.where(det_valid, det_s, 0.0)
        return det_box, det_s, det_valid

    scores_cl = jnp.swapaxes(pred_score[:, 1:], 0, 1)
    deltas_cl = jnp.swapaxes(box_reg[:, 1:, :], 0, 1)
    det_box, det_s, det_valid = jax.vmap(per_class)(scores_cl, deltas_cl)
    labels = jnp.broadcast_to(jnp.arange(1, NUM_CLASSES)[:, None], (NUM_CLASSES - 1, NUM_DETECTIONS))
    labels = jnp.where(det_valid, labels, 0).astype(jnp.float32)
    det = jnp.concatenate([det_box.reshape(-1, 4), det_s.reshape(-1, 1), labels.reshape(-1, 1)], axis=1)
    return det


def setup_inputs(seed: int = 0):
    key = jax.random.key(seed)
    k1, k2, k3 = jax.random.split(key, 3)
    class_logit = jax.random.normal(k1, (N, NUM_CLASSES), dtype=jnp.float32)
    box_regression = 0.5 * jax.random.normal(k2, (N, NUM_CLASSES * 4), dtype=jnp.float32)
    raw = jax.random.uniform(k3, (N, 4), dtype=jnp.float32)
    px1 = raw[:, 0] * (IMG_W - 1.0)
    py1 = raw[:, 1] * (IMG_H - 1.0)
    px2 = jnp.minimum(px1 + raw[:, 2] * 256.0 + 1.0, IMG_W)
    py2 = jnp.minimum(py1 + raw[:, 3] * 256.0 + 1.0, IMG_H)
    proposal = jnp.stack([px1, py1, px2, py2], axis=1)
    return {"class_logit": class_logit, "box_regression": box_regression, "proposal": proposal}


def reference(class_logit, box_regression, proposal):
    return _forward(class_logit, box_regression, proposal)

if __name__ == "__main__":
    import jax
    _d = setup_inputs()
    print(jax.jit(kernel)(*tuple(_d.values())))

</pallas_src>

<mosaic_0001>
module attributes {stable_mosaic.version = 14 : i64} {
  func.func @_score_decode_body(%arg0: i32, %arg1: memref<21x2048xf32, #tpu.memory_space<vmem>>, %arg2: memref<21x4x2048xf32, #tpu.memory_space<vmem>>, %arg3: memref<4x2048xf32, #tpu.memory_space<vmem>>, %arg4: memref<20x2048xf32, #tpu.memory_space<vmem>>, %arg5: memref<20x4x2048xf32, #tpu.memory_space<vmem>>) attributes {dimension_semantics = [#tpu.dimension_semantics<arbitrary>], iteration_bounds = array<i64: 10>, scalar_prefetch = 0 : i64, scratch_operands = 0 : i64, tpu.core_type = #tpu.core_type<tc>, window_params = [{transform_indices = @transform_0, window_bounds = array<i64: 21, 2048>}, {transform_indices = @transform_1, window_bounds = array<i64: 21, 4, 2048>}, {transform_indices = @transform_2, window_bounds = array<i64: 4, 2048>}, {transform_indices = @transform_3, window_bounds = array<i64: 20, 2048>}, {transform_indices = @transform_4, window_bounds = array<i64: 20, 4, 2048>}]} {
    %get3A = arith.constant 0 : index
    %get3A_0 = arith.constant 0 : index
    %get3A_1 = vector.load %arg1[%get3A, %get3A_0] : memref<21x2048xf32, #tpu.memory_space<vmem>>, vector<21x2048xf32>
    %reduce_max3A = arith.constant dense<0xFF800000> : vector<2048xf32>
    %reduce_max3A_2 = vector.multi_reduction <maximumf>, %get3A_1, %reduce_max3A [0] : vector<21x2048xf32> to vector<2048xf32>
    %broadcast_in_dim3A = vector.shape_cast %reduce_max3A_2 : vector<2048xf32> to vector<1x2048xf32>
    %sub3A = vector.broadcast %broadcast_in_dim3A : vector<1x2048xf32> to vector<21x2048xf32>
    %sub3A_3 = arith.subf %get3A_1, %sub3A : vector<21x2048xf32>
    %exp3A = math.exp %sub3A_3 : vector<21x2048xf32>
    %reduce_sum3A = arith.constant dense<0.000000e+00> : vector<2048xf32>
    %reduce_sum3A_4 = vector.multi_reduction <add>, %exp3A, %reduce_sum3A [0] : vector<21x2048xf32> to vector<2048xf32>
    %broadcast_in_dim3A_5 = vector.shape_cast %reduce_sum3A_4 : vector<2048xf32> to vector<1x2048xf32>
    %div3A = vector.broadcast %broadcast_in_dim3A_5 : vector<1x2048xf32> to vector<21x2048xf32>
    %div3A_6 = arith.divf %exp3A, %div3A : vector<21x2048xf32>
    %get3A_7 = arith.constant 0 : index
    %get3A_8 = arith.constant 0 : index
    %get3A_9 = vector.load %arg3[%get3A_7, %get3A_8] : memref<4x2048xf32, #tpu.memory_space<vmem>>, vector<4x2048xf32>
    %slice3A = vector.extract_strided_slice %get3A_9 {offsets = [0, 0], sizes = [1, 2048], strides = [1, 1]} : vector<4x2048xf32> to vector<1x2048xf32>
    %slice3A_10 = vector.extract_strided_slice %get3A_9 {offsets = [1, 0], sizes = [1, 2048], strides = [1, 1]} : vector<4x2048xf32> to vector<1x2048xf32>
    %slice3A_11 = vector.extract_strided_slice %get3A_9 {offsets = [2, 0], sizes = [1, 2048], strides = [1, 1]} : vector<4x2048xf32> to vector<1x2048xf32>
    %slice3A_12 = vector.extract_strided_slice %get3A_9 {offsets = [3, 0], sizes = [1, 2048], strides = [1, 1]} : vector<4x2048xf32> to vector<1x2048xf32>
    %sub3A_13 = arith.subf %slice3A_11, %slice3A : vector<1x2048xf32>
    %sub3A_14 = arith.subf %slice3A_12, %slice3A_10 : vector<1x2048xf32>
    %mul3A = arith.constant 5.000000e-01 : f32
    %mul3A_15 = vector.broadcast %mul3A : f32 to vector<1x2048xf32>
    %mul3A_16 = arith.mulf %mul3A_15, %sub3A_13 : vector<1x2048xf32>
    %add3A = arith.addf %slice3A, %mul3A_16 : vector<1x2048xf32>
    %mul3A_17 = arith.constant 5.000000e-01 : f32
    %mul3A_18 = vector.broadcast %mul3A_17 : f32 to vector<1x2048xf32>
    %mul3A_19 = arith.mulf %mul3A_18, %sub3A_14 : vector<1x2048xf32>
    %add3A_20 = arith.addf %slice3A_10, %mul3A_19 : vector<1x2048xf32>
    %get3A_21 = arith.constant 1 : index
    %get3A_22 = arith.constant 0 : index
    %get3A_23 = arith.constant 0 : index
    %get3A_24 = vector.load %arg2[%get3A_21, %get3A_22, %get3A_23] : memref<21x4x2048xf32, #tpu.memory_space<vmem>>, vector<1x4x2048xf32>
    %get3A_25 = vector.shape_cast %get3A_24 : vector<1x4x2048xf32> to vector<4x2048xf32>
    %slice3A_26 = vector.extract_strided_slice %get3A_25 {offsets = [0, 0], sizes = [1, 2048], strides = [1, 1]} : vector<4x2048xf32> to vector<1x2048xf32>
    %div3A_27 = arith.constant 1.000000e+01 : f32
    %div3A_28 = vector.broadcast %div3A_27 : f32 to vector<1x2048xf32>
    %div3A_29 = arith.divf %slice3A_26, %div3A_28 : vector<1x2048xf32>
    %slice3A_30 = vector.extract_strided_slice %get3A_25 {offsets = [1, 0], sizes = [1, 2048], strides = [1, 1]} : vector<4x2048xf32> to vector<1x2048xf32>
    %div3A_31 = arith.constant 1.000000e+01 : f32
    %div3A_32 = vector.broadcast %div3A_31 : f32 to vector<1x2048xf32>
    %div3A_33 = arith.divf %slice3A_30, %div3A_32 : vector<1x2048xf32>
    %slice3A_34 = vector.extract_strided_slice %get3A_25 {offsets = [2, 0], sizes = [1, 2048], strides = [1, 1]} : vector<4x2048xf32> to vector<1x2048xf32>
    %div3A_35 = arith.constant 5.000000e+00 : f32
    %div3A_36 = vector.broadcast %div3A_35 : f32 to vector<1x2048xf32>
    %div3A_37 = arith.divf %slice3A_34, %div3A_36 : vector<1x2048xf32>
    %min3A = arith.constant 4.13516665 : f32
    %min3A_38 = vector.broadcast %min3A : f32 to vector<1x2048xf32>
    %min3A_39 = arith.minimumf %div3A_37, %min3A_38 : vector<1x2048xf32>
    %slice3A_40 = vector.extract_strided_slice %get3A_25 {offsets = [3, 0], sizes = [1, 2048], strides = [1, 1]} : vector<4x2048xf32> to vector<1x2048xf32>
    %div3A_41 = arith.constant 5.000000e+00 : f32
    %div3A_42 = vector.broadcast %div3A_41 : f32 to vector<1x2048xf32>
    %div3A_43 = arith.divf %slice3A_40, %div3A_42 : vector<1x2048xf32>
    %min3A_44 = arith.constant 4.13516665 : f32
    %min3A_45 = vector.broadcast %min3A_44 : f32 to vector<1x2048xf32>
    %min3A_46 = arith.minimumf %div3A_43, %min3A_45 : vector<1x2048xf32>
    %mul3A_47 = arith.mulf %div3A_29, %sub3A_13 : vector<1x2048xf32>
    %add3A_48 = arith.addf %mul3A_47, %add3A : vector<1x2048xf32>
    %mul3A_49 = arith.mulf %div3A_33, %sub3A_14 : vector<1x2048xf32>
    %add3A_50 = arith.addf %mul3A_49, %add3A_20 : vector<1x2048xf32>
    %exp3A_51 = math.exp %min3A_39 : vector<1x2048xf32>
    %mul3A_52 = arith.mulf %exp3A_51, %sub3A_13 : vector<1x2048xf32>
    %exp3A_53 = math.exp %min3A_46 : vector<1x2048xf32>
    %mul3A_54 = arith.mulf %exp3A_53, %sub3A_14 : vector<1x2048xf32>
    %mul3A_55 = arith.constant 5.000000e-01 : f32
    %mul3A_56 = vector.broadcast %mul3A_55 : f32 to vector<1x2048xf32>
    %mul3A_57 = arith.mulf %mul3A_56, %mul3A_52 : vector<1x2048xf32>
    %sub3A_58 = arith.subf %add3A_48, %mul3A_57 : vector<1x2048xf32>
    %jit3A = arith.constant 0.000000e+00 : f32
    %jit3A_59 = arith.constant 1.216000e+03 : f32
    %max3A = vector.broadcast %jit3A : f32 to vector<1x2048xf32>
    %max3A_60 = arith.maximumf %max3A, %sub3A_58 : vector<1x2048xf32>
    %min3A_61 = vector.broadcast %jit3A_59 : f32 to vector<1x2048xf32>
    %min3A_62 = arith.minimumf %min3A_61, %max3A_60 : vector<1x2048xf32>
    %mul3A_63 = arith.constant 5.000000e-01 : f32
    %mul3A_64 = vector.broadcast %mul3A_63 : f32 to vector<1x2048xf32>
    %mul3A_65 = arith.mulf %mul3A_64, %mul3A_54 : vector<1x2048xf32>
    %sub3A_66 = arith.subf %add3A_50, %mul3A_65 : vector<1x2048xf32>
    %jit3A_67 = arith.constant 0.000000e+00 : f32
    %jit3A_68 = arith.constant 8.000000e+02 : f32
    %max3A_69 = vector.broadcast %jit3A_67 : f32 to vector<1x2048xf32>
    %max3A_70 = arith.maximumf %max3A_69, %sub3A_66 : vector<1x2048xf32>
    %min3A_71 = vector.broadcast %jit3A_68 : f32 to vector<1x2048xf32>
    %min3A_72 = arith.minimumf %min3A_71, %max3A_70 : vector<1x2048xf32>
    %mul3A_73 = arith.constant 5.000000e-01 : f32
    %mul3A_74 = vector.broadcast %mul3A_73 : f32 to vector<1x2048xf32>
    %mul3A_75 = arith.mulf %mul3A_74, %mul3A_52 : vector<1x2048xf32>
    %add3A_76 = arith.addf %add3A_48, %mul3A_75 : vector<1x2048xf32>
    %jit3A_77 = arith.constant 0.000000e+00 : f32
    %jit3A_78 = arith.constant 1.216000e+03 : f32
    %max3A_79 = vector.broadcast %jit3A_77 : f32 to vector<1x2048xf32>
    %max3A_80 = arith.maximumf %max3A_79, %add3A_76 : vector<1x2048xf32>
    %min3A_81 = vector.broadcast %jit3A_78 : f32 to vector<1x2048xf32>
    %min3A_82 = arith.minimumf %min3A_81, %max3A_80 : vector<1x2048xf32>
    %mul3A_83 = arith.constant 5.000000e-01 : f32
    %mul3A_84 = vector.broadcast %mul3A_83 : f32 to vector<1x2048xf32>
    %mul3A_85 = arith.mulf %mul3A_84, %mul3A_54 : vector<1x2048xf32>
    %add3A_86 = arith.addf %add3A_50, %mul3A_85 : vector<1x2048xf32>
    %jit3A_87 = arith.constant 0.000000e+00 : f32
    %jit3A_88 = arith.constant 8.000000e+02 : f32
    %max3A_89 = vector.broadcast %jit3A_87 : f32 to vector<1x2048xf32>
    %max3A_90 = arith.maximumf %max3A_89, %add3A_86 : vector<1x2048xf32>
    %min3A_91 = vector.broadcast %jit3A_88 : f32 to vector<1x2048xf32>
    %min3A_92 = arith.minimumf %min3A_91, %max3A_90 : vector<1x2048xf32>
    %sub3A_93 = arith.subf %min3A_82, %min3A_62 : vector<1x2048xf32>
    %sub3A_94 = arith.subf %min3A_92, %min3A_72 : vector<1x2048xf32>
    %slice3A_95 = vector.extract_strided_slice %div3A_6 {offsets = [1, 0], sizes = [1, 2048], strides = [1, 1]} : vector<21x2048xf32> to vector<1x2048xf32>
    %ge3A = arith.constant 5.000000e-02 : f32
    %ge3A_96 = vector.broadcast %ge3A : f32 to vector<1x2048xf32>
    %ge3A_97 = arith.cmpf oge, %slice3A_95, %ge3A_96 : vector<1x2048xf32>
    %ge3A_98 = arith.constant 1.000000e+00 : f32
    %ge3A_99 = vector.broadcast %ge3A_98 : f32 to vector<1x2048xf32>
    %ge3A_100 = arith.cmpf oge, %sub3A_93, %ge3A_99 : vector<1x2048xf32>
    %and3A = arith.andi %ge3A_97, %ge3A_100 : vector<1x2048xi1>
    %ge3A_101 = arith.constant 1.000000e+00 : f32
    %ge3A_102 = vector.broadcast %ge3A_101 : f32 to vector<1x2048xf32>
    %ge3A_103 = arith.cmpf oge, %sub3A_94, %ge3A_102 : vector<1x2048xf32>
    %and3A_104 = arith.andi %and3A, %ge3A_103 : vector<1x2048xi1>
    %jit3A_105 = arith.constant -1.000000e+00 : f32
    %broadcast_in_dim3A_106 = vector.broadcast %jit3A_105 : f32 to vector<1x2048xf32>
    %select_n3A = arith.select %and3A_104, %slice3A_95, %broadcast_in_dim3A_106 : vector<1x2048xi1>, vector<1x2048xf32>
    %squeeze3A = vector.shape_cast %select_n3A : vector<1x2048xf32> to vector<2048xf32>
    %swap3A = arith.constant 0 : index
    %swap3A_107 = arith.constant 0 : index
    %swap3A_108 = vector.load %arg4[%swap3A, %swap3A_107] : memref<20x2048xf32, #tpu.memory_space<vmem>>, vector<1x2048xf32>
    %swap3A_109 = vector.shape_cast %swap3A_108 : vector<1x2048xf32> to vector<2048xf32>
    %swap3A_110 = vector.shape_cast %squeeze3A : vector<2048xf32> to vector<1x2048xf32>
    tpu.vector_store %arg4[%swap3A, %swap3A_107], %swap3A_110 {strides = array<i32>} : memref<20x2048xf32, #tpu.memory_space<vmem>>, vector<1x2048xf32>,
    %concatenate3A = tpu.concatenate %min3A_62, %min3A_72, %min3A_82, %min3A_92 in 0 : vector<1x2048xf32>, vector<1x2048xf32>, vector<1x2048xf32>, vector<1x2048xf32> -> vector<4x2048xf32>
    %swap3A_111 = arith.constant 0 : index
    %swap3A_112 = arith.constant 0 : index
    %swap3A_113 = arith.constant 0 : index
    %swap3A_114 = vector.load %arg5[%swap3A_111, %swap3A_112, %swap3A_113] : memref<20x4x2048xf32, #tpu.memory_space<vmem>>, vector<1x4x2048xf32>
    %swap3A_115 = vector.shape_cast %swap3A_114 : vector<1x4x2048xf32> to vector<4x2048xf32>
    %swap3A_116 = vector.shape_cast %concatenate3A : vector<4x2048xf32> to vector<1x4x2048xf32>
    tpu.vector_store %arg5[%swap3A_111, %swap3A_112, %swap3A_113], %swap3A_116 {strides = array<i32>} : memref<20x4x2048xf32, #tpu.memory_space<vmem>>, vector<1x4x2048xf32>,
    %get3A_117 = arith.constant 2 : index
    %get3A_118 = arith.constant 0 : index
    %get3A_119 = arith.constant 0 : index
    %get3A_120 = vector.load %arg2[%get3A_117, %get3A_118, %get3A_119] : memref<21x4x2048xf32, #tpu.memory_space<vmem>>, vector<1x4x2048xf32>
    %get3A_121 = vector.shape_cast %get3A_120 : vector<1x4x2048xf32> to vector<4x2048xf32>
    %slice3A_122 = vector.extract_strided_slice %get3A_121 {offsets = [0, 0], sizes = [1, 2048], strides = [1, 1]} : vector<4x2048xf32> to vector<1x2048xf32>
    %div3A_123 = arith.constant 1.000000e+01 : f32
    %div3A_124 = vector.broadcast %div3A_123 : f32 to vector<1x2048xf32>
    %div3A_125 = arith.divf %slice3A_122, %div3A_124 : vector<1x2048xf32>
    %slice3A_126 = vector.extract_strided_slice %get3A_121 {offsets = [1, 0], sizes = [1, 2048], strides = [1, 1]} : vector<4x2048xf32> to vector<1x2048xf32>
    %div3A_127 = arith.constant 1.000000e+01 : f32
    %div3A_128 = vector.broadcast %div3A_127 : f32 to vector<1x2048xf32>
    %div3A_129 = arith.divf %slice3A_126, %div3A_128 : vector<1x2048xf32>
    %slice3A_130 = vector.extract_strided_slice %get3A_121 {offsets = [2, 0], sizes = [1, 2048], strides = [1, 1]} : vector<4x2048xf32> to vector<1x2048xf32>
    %div3A_131 = arith.constant 5.000000e+00 : f32
    %div3A_132 = vector.broadcast %div3A_131 : f32 to vector<1x2048xf32>
    %div3A_133 = arith.divf %slice3A_130, %div3A_132 : vector<1x2048xf32>
    %min3A_134 = arith.constant 4.13516665 : f32
    %min3A_135 = vector.broadcast %min3A_134 : f32 to vector<1x2048xf32>
    %min3A_136 = arith.minimumf %div3A_133, %min3A_135 : vector<1x2048xf32>
    %slice3A_137 = vector.extract_strided_slice %get3A_121 {offsets = [3, 0], sizes = [1, 2048], strides = [1, 1]} : vector<4x2048xf32> to vector<1x2048xf32>
    %div3A_138 = arith.constant 5.000000e+00 : f32
    %div3A_139 = vector.broadcast %div3A_138 : f32 to vector<1x2048xf32>
    %div3A_140 = arith.divf %slice3A_137, %div3A_139 : vector<1x2048xf32>
    %min3A_141 = arith.constant 4.13516665 : f32
    %min3A_142 = vector.broadcast %min3A_141 : f32 to vector<1x2048xf32>
    %min3A_143 = arith.minimumf %div3A_140, %min3A_142 : vector<1x2048xf32>
    %mul3A_144 = arith.mulf %div3A_125, %sub3A_13 : vector<1x2048xf32>
    %add3A_145 = arith.addf %mul3A_144, %add3A : vector<1x2048xf32>
    %mul3A_146 = arith.mulf %div3A_129, %sub3A_14 : vector<1x2048xf32>
    %add3A_147 = arith.addf %mul3A_146, %add3A_20 : vector<1x2048xf32>
    %exp3A_148 = math.exp %min3A_136 : vector<1x2048xf32>
    %mul3A_149 = arith.mulf %exp3A_148, %sub3A_13 : vector<1x2048xf32>
    %exp3A_150 = math.exp %min3A_143 : vector<1x2048xf32>
    %mul3A_151 = arith.mulf %exp3A_150, %sub3A_14 : vector<1x2048xf32>
    %mul3A_152 = arith.constant 5.000000e-01 : f32
    %mul3A_153 = vector.broadcast %mul3A_152 : f32 to vector<1x2048xf32>
    %mul3A_154 = arith.mulf %mul3A_153, %mul3A_149 : vector<1x2048xf32>
    %sub3A_155 = arith.subf %add3A_145, %mul3A_154 : vector<1x2048xf32>
    %jit3A_156 = arith.constant 0.000000e+00 : f32
    %jit3A_157 = arith.constant 1.216000e+03 : f32
    %max3A_158 = vector.broadcast %jit3A_156 : f32 to vector<1x2048xf32>
    %max3A_159 = arith.maximumf %max3A_158, %sub3A_155 : vector<1x2048xf32>
    %min3A_160 = vector.broadcast %jit3A_157 : f32 to vector<1x2048xf32>
    %min3A_161 = arith.minimumf %min3A_160, %max3A_159 : vector<1x2048xf32>
    %mul3A_162 = arith.constant 5.000000e-01 : f32
    %mul3A_163 = vector.broadcast %mul3A_162 : f32 to vector<1x2048xf32>
    %mul3A_164 = arith.mulf %mul3A_163, %mul3A_151 : vector<1x2048xf32>
    %sub3A_165 = arith.subf %add3A_147, %mul3A_164 : vector<1x2048xf32>
    %jit3A_166 = arith.constant 0.000000e+00 : f32
    %jit3A_167 = arith.constant 8.000000e+02 : f32
    %max3A_168 = vector.broadcast %jit3A_166 : f32 to vector<1x2048xf32>
    %max3A_169 = arith.maximumf %max3A_168, %sub3A_165 : vector<1x2048xf32>
    %min3A_170 = vector.broadcast %jit3A_167 : f32 to vector<1x2048xf32>
    %min3A_171 = arith.minimumf %min3A_170, %max3A_169 : vector<1x2048xf32>
    %mul3A_172 = arith.constant 5.000000e-01 : f32
    %mul3A_173 = vector.broadcast %mul3A_172 : f32 to vector<1x2048xf32>
    %mul3A_174 = arith.mulf %mul3A_173, %mul3A_149 : vector<1x2048xf32>
    %add3A_175 = arith.addf %add3A_145, %mul3A_174 : vector<1x2048xf32>
    %jit3A_176 = arith.constant 0.000000e+00 : f32
    %jit3A_177 = arith.constant 1.216000e+03 : f32
    %max3A_178 = vector.broadcast %jit3A_176 : f32 to vector<1x2048xf32>
    %max3A_179 = arith.maximumf %max3A_178, %add3A_175 : vector<1x2048xf32>
    %min3A_180 = vector.broadcast %jit3A_177 : f32 to vector<1x2048xf32>
    %min3A_181 = arith.minimumf %min3A_180, %max3A_179 : vector<1x2048xf32>
    %mul3A_182 = arith.constant 5.000000e-01 : f32
    %mul3A_183 = vector.broadcast %mul3A_182 : f32 to vector<1x2048xf32>
    %mul3A_184 = arith.mulf %mul3A_183, %mul3A_151 : vector<1x2048xf32>
    %add3A_185 = arith.addf %add3A_147, %mul3A_184 : vector<1x2048xf32>
    %jit3A_186 = arith.constant 0.000000e+00 : f32
    %jit3A_187 = arith.constant 8.000000e+02 : f32
    %max3A_188 = vector.broadcast %jit3A_186 : f32 to vector<1x2048xf32>
    %max3A_189 = arith.maximumf %max3A_188, %add3A_185 : vector<1x2048xf32>
    %min3A_190 = vector.broadcast %jit3A_187 : f32 to vector<1x2048xf32>
    %min3A_191 = arith.minimumf %min3A_190, %max3A_189 : vector<1x2048xf32>
    %sub3A_192 = arith.subf %min3A_181, %min3A_161 : vector<1x2048xf32>
    %sub3A_193 = arith.subf %min3A_191, %min3A_171 : vector<1x2048xf32>
    %slice3A_194 = vector.extract_strided_slice %div3A_6 {offsets = [2, 0], sizes = [1, 2048], strides = [1, 1]} : vector<21x2048xf32> to vector<1x2048xf32>
    %ge3A_195 = arith.constant 5.000000e-02 : f32
    %ge3A_196 = vector.broadcast %ge3A_195 : f32 to vector<1x2048xf32>
    %ge3A_197 = arith.cmpf oge, %slice3A_194, %ge3A_196 : vector<1x2048xf32>
    %ge3A_198 = arith.constant 1.000000e+00 : f32
    %ge3A_199 = vector.broadcast %ge3A_198 : f32 to vector<1x2048xf32>
    %ge3A_200 = arith.cmpf oge, %sub3A_192, %ge3A_199 : vector<1x2048xf32>
    %and3A_201 = arith.andi %ge3A_197, %ge3A_200 : vector<1x2048xi1>
    %ge3A_202 = arith.constant 1.000000e+00 : f32
    %ge3A_203 = vector.broadcast %ge3A_202 : f32 to vector<1x2048xf32>
    %ge3A_204 = arith.cmpf oge, %sub3A_193, %ge3A_203 : vector<1x2048xf32>
    %and3A_205 = arith.andi %and3A_201, %ge3A_204 : vector<1x2048xi1>
    %jit3A_206 = arith.constant -1.000000e+00 : f32
    %broadcast_in_dim3A_207 = vector.broadcast %jit3A_206 : f32 to vector<1x2048xf32>
    %select_n3A_208 = arith.select %and3A_205, %slice3A_194, %broadcast_in_dim3A_207 : vector<1x2048xi1>, vector<1x2048xf32>
    %squeeze3A_209 = vector.shape_cast %select_n3A_208 : vector<1x2048xf32> to vector<2048xf32>
    %swap3A_210 = arith.constant 1 : index
    %swap3A_211 = arith.constant 0 : index
    %swap3A_212 = vector.load %arg4[%swap3A_210, %swap3A_211] : memref<20x2048xf32, #tpu.memory_space<vmem>>, vector<1x2048xf32>
    %swap3A_213 = vector.shape_cast %swap3A_212 : vector<1x2048xf32> to vector<2048xf32>
    %swap3A_214 = vector.shape_cast %squeeze3A_209 : vector<2048xf32> to vector<1x2048xf32>
    tpu.vector_store %arg4[%swap3A_210, %swap3A_211], %swap3A_214 {strides = array<i32>} : memref<20x2048xf32, #tpu.memory_space<vmem>>, vector<1x2048xf32>,
    %concatenate3A_215 = tpu.concatenate %min3A_161, %min3A_171, %min3A_181, %min3A_191 in 0 : vector<1x2048xf32>, vector<1x2048xf32>, vector<1x2048xf32>, vector<1x2048xf32> -> vector<4x2048xf32>
    %swap3A_216 = arith.constant 1 : index
    %swap3A_217 = arith.constant 0 : index
    %swap3A_218 = arith.constant 0 : index
    %swap3A_219 = vector.load %arg5[%swap3A_216, %swap3A_217, %swap3A_218] : memref<20x4x2048xf32, #tpu.memory_space<vmem>>, vector<1x4x2048xf32>
    %swap3A_220 = vector.shape_cast %swap3A_219 : vector<1x4x2048xf32> to vector<4x2048xf32>
    %swap3A_221 = vector.shape_cast %concatenate3A_215 : vector<4x2048xf32> to vector<1x4x2048xf32>
    tpu.vector_store %arg5[%swap3A_216, %swap3A_217, %swap3A_218], %swap3A_221 {strides = array<i32>} : memref<20x4x2048xf32, #tpu.memory_space<vmem>>, vector<1x4x2048xf32>,
    %get3A_222 = arith.constant 3 : index
    %get3A_223 = arith.constant 0 : index
    %get3A_224 = arith.constant 0 : index
    %get3A_225 = vector.load %arg2[%get3A_222, %get3A_223, %get3A_224] : memref<21x4x2048xf32, #tpu.memory_space<vmem>>, vector<1x4x2048xf32>
    %get3A_226 = vector.shape_cast %get3A_225 : vector<1x4x2048xf32> to vector<4x2048xf32>
    %slice3A_227 = vector.extract_strided_slice %get3A_226 {offsets = [0, 0], sizes = [1, 2048], strides = [1, 1]} : vector<4x2048xf32> to vector<1x2048xf32>
    %div3A_228 = arith.constant 1.000000e+01 : f32
    %div3A_229 = vector.broadcast %div3A_228 : f32 to vector<1x2048xf32>
    %div3A_230 = arith.divf %slice3A_227, %div3A_229 : vector<1x2048xf32>
    %slice3A_231 = vector.extract_strided_slice %get3A_226 {offsets = [1, 0], sizes = [1, 2048], strides = [1, 1]} : vector<4x2048xf32> to vector<1x2048xf32>
    %div3A_232 = arith.constant 1.000000e+01 : f32
    %div3A_233 = vector.broadcast %div3A_232 : f32 to vector<1x2048xf32>
    %div3A_234 = arith.divf %slice3A_231, %div3A_233 : vector<1x2048xf32>
    %slice3A_235 = vector.extract_strided_slice %get3A_226 {offsets = [2, 0], sizes = [1, 2048], strides = [1, 1]} : vector<4x2048xf32> to vector<1x2048xf32>
    %div3A_236 = arith.constant 5.000000e+00 : f32
    %div3A_237 = vector.broadcast %div3A_236 : f32 to vector<1x2048xf32>
    %div3A_238 = arith.divf %slice3A_235, %div3A_237 : vector<1x2048xf32>
    %min3A_239 = arith.constant 4.13516665 : f32
    %min3A_240 = vector.broadcast %min3A_239 : f32 to vector<1x2048xf32>
    %min3A_241 = arith.minimumf %div3A_238, %min3A_240 : vector<1x2048xf32>
    %slice3A_242 = vector.extract_strided_slice %get3A_226 {offsets = [3, 0], sizes = [1, 2048], strides = [1, 1]} : vector<4x2048xf32> to vector<1x2048xf32>
    %div3A_243 = arith.constant 5.000000e+00 : f32
    %div3A_244 = vector.broadcast %div3A_243 : f32 to vector<1x2048xf32>
    %div3A_245 = arith.divf %slice3A_242, %div3A_244 : vector<1x2048xf32>
    %min3A_246 = arith.constant 4.13516665 : f32
    %min3A_247 = vector.broadcast %min3A_246 : f32 to vector<1x2048xf32>
    %min3A_248 = arith.minimumf %div3A_245, %min3A_247 : vector<1x2048xf32>
    %mul3A_249 = arith.mulf %div3A_230, %sub3A_13 : vector<1x2048xf32>
    %add3A_250 = arith.addf %mul3A_249, %add3A : vector<1x2048xf32>
    %mul3A_251 = arith.mulf %div3A_234, %sub3A_14 : vector<1x2048xf32>
    %add3A_252 = arith.addf %mul3A_251, %add3A_20 : vector<1x2048xf32>
    %exp3A_253 = math.exp %min3A_241 : vector<1x2048xf32>
    %mul3A_254 = arith.mulf %exp3A_253, %sub3A_13 : vector<1x2048xf32>
    %exp3A_255 = math.exp %min3A_248 : vector<1x2048xf32>
    %mul3A_256 = arith.mulf %exp3A_255, %sub3A_14 : vector<1x2048xf32>
    %mul3A_257 = arith.constant 5.000000e-01 : f32
    %mul3A_258 = vector.broadcast %mul3A_257 : f32 to vector<1x2048xf32>
    %mul3A_259 = arith.mulf %mul3A_258, %mul3A_254 : vector<1x2048xf32>
    %sub3A_260 = arith.subf %add3A_250, %mul3A_259 : vector<1x2048xf32>
    %jit3A_261 = arith.constant 0.000000e+00 : f32
    %jit3A_262 = arith.constant 1.216000e+03 : f32
    %max3A_263 = vector.broadcast %jit3A_261 : f32 to vector<1x2048xf32>
    %max3A_264 = arith.maximumf %max3A_263, %sub3A_260 : vector<1x2048xf32>
    %min3A_265 = vector.broadcast %jit3A_262 : f32 to vector<1x2048xf32>
    %min3A_266 = arith.minimumf %min3A_265, %max3A_264 : vector<1x2048xf32>
    %mul3A_267 = arith.constant 5.000000e-01 : f32
    %mul3A_268 = vector.broadcast %mul3A_267 : f32 to vector<1x2048xf32>
    %mul3A_269 = arith.mulf %mul3A_268, %mul3A_256 : vector<1x2048xf32>
    %sub3A_270 = arith.subf %add3A_252, %mul3A_269 : vector<1x2048xf32>
    %jit3A_271 = arith.constant 0.000000e+00 : f32
    %jit3A_272 = arith.constant 8.000000e+02 : f32
    %max3A_273 = vector.broadcast %jit3A_271 : f32 to vector<1x2048xf32>
    %max3A_274 = arith.maximumf %max3A_273, %sub3A_270 : vector<1x2048xf32>
    %min3A_275 = vector.broadcast %jit3A_272 : f32 to vector<1x2048xf32>
    %min3A_276 = arith.minimumf %min3A_275, %max3A_274 : vector<1x2048xf32>
    %mul3A_277 = arith.constant 5.000000e-01 : f32
    %mul3A_278 = vector.broadcast %mul3A_277 : f32 to vector<1x2048xf32>
    %mul3A_279 = arith.mulf %mul3A_278, %mul3A_254 : vector<1x2048xf32>
    %add3A_280 = arith.addf %add3A_250, %mul3A_279 : vector<1x2048xf32>
    %jit3A_281 = arith.constant 0.000000e+00 : f32
    %jit3A_282 = arith.constant 1.216000e+03 : f32
    %max3A_283 = vector.broadcast %jit3A_281 : f32 to vector<1x2048xf32>
    %max3A_284 = arith.maximumf %max3A_283, %add3A_280 : vector<1x2048xf32>
    %min3A_285 = vector.broadcast %jit3A_282 : f32 to vector<1x2048xf32>
    %min3A_286 = arith.minimumf %min3A_285, %max3A_284 : vector<1x2048xf32>
    %mul3A_287 = arith.constant 5.000000e-01 : f32
    %mul3A_288 = vector.broadcast %mul3A_287 : f32 to vector<1x2048xf32>
    %mul3A_289 = arith.mulf %mul3A_288, %mul3A_256 : vector<1x2048xf32>
    %add3A_290 = arith.addf %add3A_252, %mul3A_289 : vector<1x2048xf32>
    %jit3A_291 = arith.constant 0.000000e+00 : f32
    %jit3A_292 = arith.constant 8.000000e+02 : f32
    %max3A_293 = vector.broadcast %jit3A_291 : f32 to vector<1x2048xf32>
    %max3A_294 = arith.maximumf %max3A_293, %add3A_290 : vector<1x2048xf32>
    %min3A_295 = vector.broadcast %jit3A_292 : f32 to vector<1x2048xf32>
    %min3A_296 = arith.minimumf %min3A_295, %max3A_294 : vector<1x2048xf32>
    %sub3A_297 = arith.subf %min3A_286, %min3A_266 : vector<1x2048xf32>
    %sub3A_298 = arith.subf %min3A_296, %min3A_276 : vector<1x2048xf32>
    %slice3A_299 = vector.extract_strided_slice %div3A_6 {offsets = [3, 0], sizes = [1, 2048], strides = [1, 1]} : vector<21x2048xf32> to vector<1x2048xf32>
    %ge3A_300 = arith.constant 5.000000e-02 : f32
    %ge3A_301 = vector.broadcast %ge3A_300 : f32 to vector<1x2048xf32>
    %ge3A_302 = arith.cmpf oge, %slice3A_299, %ge3A_301 : vector<1x2048xf32>
    %ge3A_303 = arith.constant 1.000000e+00 : f32
    %ge3A_304 = vector.broadcast %ge3A_303 : f32 to vector<1x2048xf32>
    %ge3A_305 = arith.cmpf oge, %sub3A_297, %ge3A_304 : vector<1x2048xf32>
    %and3A_306 = arith.andi %ge3A_302, %ge3A_305 : vector<1x2048xi1>
    %ge3A_307 = arith.constant 1.000000e+00 : f32
    %ge3A_308 = vector.broadcast %ge3A_307 : f32 to vector<1x2048xf32>
    %ge3A_309 = arith.cmpf oge, %sub3A_298, %ge3A_308 : vector<1x2048xf32>
    %and3A_310 = arith.andi %and3A_306, %ge3A_309 : vector<1x2048xi1>
    %jit3A_311 = arith.constant -1.000000e+00 : f32
    %broadcast_in_dim3A_312 = vector.broadcast %jit3A_311 : f32 to vector<1x2048xf32>
    %select_n3A_313 = arith.select %and3A_310, %slice3A_299, %broadcast_in_dim3A_312 : vector<1x2048xi1>, vector<1x2048xf32>
    %squeeze3A_314 = vector.shape_cast %select_n3A_313 : vector<1x2048xf32> to vector<2048xf32>
    %swap3A_315 = arith.constant 2 : index
    %swap3A_316 = arith.constant 0 : index
    %swap3A_317 = vector.load %arg4[%swap3A_315, %swap3A_316] : memref<20x2048xf32, #tpu.memory_space<vmem>>, vector<1x2048xf32>
    %swap3A_318 = vector.shape_cast %swap3A_317 : vector<1x2048xf32> to vector<2048xf32>
    %swap3A_319 = vector.shape_cast %squeeze3A_314 : vector<2048xf32> to vector<1x2048xf32>
    tpu.vector_store %arg4[%swap3A_315, %swap3A_316], %swap3A_319 {strides = array<i32>} : memref<20x2048xf32, #tpu.memory_space<vmem>>, vector<1x2048xf32>,
    %concatenate3A_320 = tpu.concatenate %min3A_266, %min3A_276, %min3A_286, %min3A_296 in 0 : vector<1x2048xf32>, vector<1x2048xf32>, vector<1x2048xf32>, vector<1x2048xf32> -> vector<4x2048xf32>
    %swap3A_321 = arith.constant 2 : index
    %swap3A_322 = arith.constant 0 : index
    %swap3A_323 = arith.constant 0 : index
    %swap3A_324 = vector.load %arg5[%swap3A_321, %swap3A_322, %swap3A_323] : memref<20x4x2048xf32, #tpu.memory_space<vmem>>, vector<1x4x2048xf32>
    %swap3A_325 = vector.shape_cast %swap3A_324 : vector<1x4x2048xf32> to vector<4x2048xf32>
    %swap3A_326 = vector.shape_cast %concatenate3A_320 : vector<4x2048xf32> to vector<1x4x2048xf32>
    tpu.vector_store %arg5[%swap3A_321, %swap3A_322, %swap3A_323], %swap3A_326 {strides = array<i32>} : memref<20x4x2048xf32, #tpu.memory_space<vmem>>, vector<1x4x2048xf32>,
    %get3A_327 = arith.constant 4 : index
    %get3A_328 = arith.constant 0 : index
    %get3A_329 = arith.constant 0 : index
    %get3A_330 = vector.load %arg2[%get3A_327, %get3A_328, %get3A_329] : memref<21x4x2048xf32, #tpu.memory_space<vmem>>, vector<1x4x2048xf32>
    %get3A_331 = vector.shape_cast %get3A_330 : vector<1x4x2048xf32> to vector<4x2048xf32>
    %slice3A_332 = vector.extract_strided_slice %get3A_331 {offsets = [0, 0], sizes = [1, 2048], strides = [1, 1]} : vector<4x2048xf32> to vector<1x2048xf32>
    %div3A_333 = arith.constant 1.000000e+01 : f32
    %div3A_334 = vector.broadcast %div3A_333 : f32 to vector<1x2048xf32>
    %div3A_335 = arith.divf %slice3A_332, %div3A_334 : vector<1x2048xf32>
    %slice3A_336 = vector.extract_strided_slice %get3A_331 {offsets = [1, 0], sizes = [1, 2048], strides = [1, 1]} : vector<4x2048xf32> to vector<1x2048xf32>
    %div3A_337 = arith.constant 1.000000e+01 : f32
    %div3A_338 = vector.broadcast %div3A_337 : f32 to vector<1x2048xf32>
    %div3A_339 = arith.divf %slice3A_336, %div3A_338 : vector<1x2048xf32>
    %slice3A_340 = vector.extract_strided_slice %get3A_331 {offsets = [2, 0], sizes = [1, 2048], strides = [1, 1]} : vector<4x2048xf32> to vector<1x2048xf32>
    %div3A_341 = arith.constant 5.000000e+00 : f32
    %div3A_342 = vector.broadcast %div3A_341 : f32 to vector<1x2048xf32>
    %div3A_343 = arith.divf %slice3A_340, %div3A_342 : vector<1x2048xf32>
    %min3A_344 = arith.constant 4.13516665 : f32
    %min3A_345 = vector.broadcast %min3A_344 : f32 to vector<1x2048xf32>
    %min3A_346 = arith.minimumf %div3A_343, %min3A_345 : vector<1x2048xf32>
    %slice3A_347 = vector.extract_strided_slice %get3A_331 {offsets = [3, 0], sizes = [1, 2048], strides = [1, 1]} : vector<4x2048xf32> to vector<1x2048xf32>
    %div3A_348 = arith.constant 5.000000e+00 : f32
    %div3A_349 = vector.broadcast %div3A_348 : f32 to vector<1x2048xf32>
    %div3A_350 = arith.divf %slice3A_347, %div3A_349 : vector<1x2048xf32>
    %min3A_351 = arith.constant 4.13516665 : f32
    %min3A_352 = vector.broadcast %min3A_351 : f32 to vector<1x2048xf32>
    %min3A_353 = arith.minimumf %div3A_350, %min3A_352 : vector<1x2048xf32>
    %mul3A_354 = arith.mulf %div3A_335, %sub3A_13 : vector<1x2048xf32>
    %add3A_355 = arith.addf %mul3A_354, %add3A : vector<1x2048xf32>
    %mul3A_356 = arith.mulf %div3A_339, %sub3A_14 : vector<1x2048xf32>
    %add3A_357 = arith.addf %mul3A_356, %add3A_20 : vector<1x2048xf32>
    %exp3A_358 = math.exp %min3A_346 : vector<1x2048xf32>
    %mul3A_359 = arith.mulf %exp3A_358, %sub3A_13 : vector<1x2048xf32>
    %exp3A_360 = math.exp %min3A_353 : vector<1x2048xf32>
    %mul3A_361 = arith.mulf %exp3A_360, %sub3A_14 : vector<1x2048xf32>
    %mul3A_362 = arith.constant 5.000000e-01 : f32
    %mul3A_363 = vector.broadcast %mul3A_362 : f32 to vector<1x2048xf32>
    %mul3A_364 = arith.mulf %mul3A_363, %mul3A_359 : vector<1x2048xf32>
    %sub3A_365 = arith.subf %add3A_355, %mul3A_364 : vector<1x2048xf32>
    %jit3A_366 = arith.constant 0.000000e+00 : f32
    %jit3A_367 = arith.constant 1.216000e+03 : f32
    %max3A_368 = vector.broadcast %jit3A_366 : f32 to vector<1x2048xf32>
    %max3A_369 = arith.maximumf %max3A_368, %sub3A_365 : vector<1x2048xf32>
    %min3A_370 = vector.broadcast %jit3A_367 : f32 to vector<1x2048xf32>
    %min3A_371 = arith.minimumf %min3A_370, %max3A_369 : vector<1x2048xf32>
    %mul3A_372 = arith.constant 5.000000e-01 : f32
    %mul3A_373 = vector.broadcast %mul3A_372 : f32 to vector<1x2048xf32>
    %mul3A_374 = arith.mulf %mul3A_373, %mul3A_361 : vector<1x2048xf32>
    %sub3A_375 = arith.subf %add3A_357, %mul3A_374 : vector<1x2048xf32>
    %jit3A_376 = arith.constant 0.000000e+00 : f32
    %jit3A_377 = arith.constant 8.000000e+02 : f32
    %max3A_378 = vector.broadcast %jit3A_376 : f32 to vector<1x2048xf32>
    %max3A_379 = arith.maximumf %max3A_378, %sub3A_375 : vector<1x2048xf32>
    %min3A_380 = vector.broadcast %jit3A_377 : f32 to vector<1x2048xf32>
    %min3A_381 = arith.minimumf %min3A_380, %max3A_379 : vector<1x2048xf32>
    %mul3A_382 = arith.constant 5.000000e-01 : f32
    %mul3A_383 = vector.broadcast %mul3A_382 : f32 to vector<1x2048xf32>
    %mul3A_384 = arith.mulf %mul3A_383, %mul3A_359 : vector<1x2048xf32>
    %add3A_385 = arith.addf %add3A_355, %mul3A_384 : vector<1x2048xf32>
    %jit3A_386 = arith.constant 0.000000e+00 : f32
    %jit3A_387 = arith.constant 1.216000e+03 : f32
    %max3A_388 = vector.broadcast %jit3A_386 : f32 to vector<1x2048xf32>
    %max3A_389 = arith.maximumf %max3A_388, %add3A_385 : vector<1x2048xf32>
    %min3A_390 = vector.broadcast %jit3A_387 : f32 to vector<1x2048xf32>
    %min3A_391 = arith.minimumf %min3A_390, %max3A_389 : vector<1x2048xf32>
    %mul3A_392 = arith.constant 5.000000e-01 : f32
    %mul3A_393 = vector.broadcast %mul3A_392 : f32 to vector<1x2048xf32>
    %mul3A_394 = arith.mulf %mul3A_393, %mul3A_361 : vector<1x2048xf32>
    %add3A_395 = arith.addf %add3A_357, %mul3A_394 : vector<1x2048xf32>
    %jit3A_396 = arith.constant 0.000000e+00 : f32
    %jit3A_397 = arith.constant 8.000000e+02 : f32
    %max3A_398 = vector.broadcast %jit3A_396 : f32 to vector<1x2048xf32>
    %max3A_399 = arith.maximumf %max3A_398, %add3A_395 : vector<1x2048xf32>
    %min3A_400 = vector.broadcast %jit3A_397 : f32 to vector<1x2048xf32>
    %min3A_401 = arith.minimumf %min3A_400, %max3A_399 : vector<1x2048xf32>
    %sub3A_402 = arith.subf %min3A_391, %min3A_371 : vector<1x2048xf32>
    %sub3A_403 = arith.subf %min3A_401, %min3A_381 : vector<1x2048xf32>
    %slice3A_404 = vector.extract_strided_slice %div3A_6 {offsets = [4, 0], sizes = [1, 2048], strides = [1, 1]} : vector<21x2048xf32> to vector<1x2048xf32>
    %ge3A_405 = arith.constant 5.000000e-02 : f32
    %ge3A_406 = vector.broadcast %ge3A_405 : f32 to vector<1x2048xf32>
    %ge3A_407 = arith.cmpf oge, %slice3A_404, %ge3A_406 : vector<1x2048xf32>
    %ge3A_408 = arith.constant 1.000000e+00 : f32
    %ge3A_409 = vector.broadcast %ge3A_408 : f32 to vector<1x2048xf32>
    %ge3A_410 = arith.cmpf oge, %sub3A_402, %ge3A_409 : vector<1x2048xf32>
    %and3A_411 = arith.andi %ge3A_407, %ge3A_410 : vector<1x2048xi1>
    %ge3A_412 = arith.constant 1.000000e+00 : f32
    %ge3A_413 = vector.broadcast %ge3A_412 : f32 to vector<1x2048xf32>
    %ge3A_414 = arith.cmpf oge, %sub3A_403, %ge3A_413 : vector<1x2048xf32>
    %and3A_415 = arith.andi %and3A_411, %ge3A_414 : vector<1x2048xi1>
    %jit3A_416 = arith.constant -1.000000e+00 : f32
    %broadcast_in_dim3A_417 = vector.broadcast %jit3A_416 : f32 to vector<1x2048xf32>
    %select_n3A_418 = arith.select %and3A_415, %slice3A_404, %broadcast_in_dim3A_417 : vector<1x2048xi1>, vector<1x2048xf32>
    %squeeze3A_419 = vector.shape_cast %select_n3A_418 : vector<1x2048xf32> to vector<2048xf32>
    %swap3A_420 = arith.constant 3 : index
    %swap3A_421 = arith.constant 0 : index
    %swap3A_422 = vector.load %arg4[%swap3A_420, %swap3A_421] : memref<20x2048xf32, #tpu.memory_space<vmem>>, vector<1x2048xf32>
    %swap3A_423 = vector.shape_cast %swap3A_422 : vector<1x2048xf32> to vector<2048xf32>
    %swap3A_424 = vector.shape_cast %squeeze3A_419 : vector<2048xf32> to vector<1x2048xf32>
    tpu.vector_store %arg4[%swap3A_420, %swap3A_421], %swap3A_424 {strides = array<i32>} : memref<20x2048xf32, #tpu.memory_space<vmem>>, vector<1x2048xf32>,
    %concatenate3A_425 = tpu.concatenate %min3A_371, %min3A_381, %min3A_391, %min3A_401 in 0 : vector<1x2048xf32>, vector<1x2048xf32>, vector<1x2048xf32>, vector<1x2048xf32> -> vector<4x2048xf32>
    %swap3A_426 = arith.constant 3 : index
    %swap3A_427 = arith.constant 0 : index
    %swap3A_428 = arith.constant 0 : index
    %swap3A_429 = vector.load %arg5[%swap3A_426, %swap3A_427, %swap3A_428] : memref<20x4x2048xf32, #tpu.memory_space<vmem>>, vector<1x4x2048xf32>
    %swap3A_430 = vector.shape_cast %swap3A_429 : vector<1x4x2048xf32> to vector<4x2048xf32>
    %swap3A_431 = vector.shape_cast %concatenate3A_425 : vector<4x2048xf32> to vector<1x4x2048xf32>
    tpu.vector_store %arg5[%swap3A_426, %swap3A_427, %swap3A_428], %swap3A_431 {strides = array<i32>} : memref<20x4x2048xf32, #tpu.memory_space<vmem>>, vector<1x4x2048xf32>,
    %get3A_432 = arith.constant 5 : index
    %get3A_433 = arith.constant 0 : index
    %get3A_434 = arith.constant 0 : index
    %get3A_435 = vector.load %arg2[%get3A_432, %get3A_433, %get3A_434] : memref<21x4x2048xf32, #tpu.memory_space<vmem>>, vector<1x4x2048xf32>
    %get3A_436 = vector.shape_cast %get3A_435 : vector<1x4x2048xf32> to vector<4x2048xf32>
    %slice3A_437 = vector.extract_strided_slice %get3A_436 {offsets = [0, 0], sizes = [1, 2048], strides = [1, 1]} : vector<4x2048xf32> to vector<1x2048xf32>
    %div3A_438 = arith.constant 1.000000e+01 : f32
    %div3A_439 = vector.broadcast %div3A_438 : f32 to vector<1x2048xf32>
    %div3A_440 = arith.divf %slice3A_437, %div3A_439 : vector<1x2048xf32>
    %slice3A_441 = vector.extract_strided_slice %get3A_436 {offsets = [1, 0], sizes = [1, 2048], strides = [1, 1]} : vector<4x2048xf32> to vector<1x2048xf32>
    %div3A_442 = arith.constant 1.000000e+01 : f32
    %div3A_443 = vector.broadcast %div3A_442 : f32 to vector<1x2048xf32>
    %div3A_444 = arith.divf %slice3A_441, %div3A_443 : vector<1x2048xf32>
    %slice3A_445 = vector.extract_strided_slice %get3A_436 {offsets = [2, 0], sizes = [1, 2048], strides = [1, 1]} : vector<4x2048xf32> to vector<1x2048xf32>
    %div3A_446 = arith.constant 5.000000e+00 : f32
    %div3A_447 = vector.broadcast %div3A_446 : f32 to vector<1x2048xf32>
    %div3A_448 = arith.divf %slice3A_445, %div3A_447 : vector<1x2048xf32>
    %min3A_449 = arith.constant 4.13516665 : f32
    %min3A_450 = vector.broadcast %min3A_449 : f32 to vector<1x2048xf32>
    %min3A_451 = arith.minimumf %div3A_448, %min3A_450 : vector<1x2048xf32>
    %slice3A_452 = vector.extract_strided_slice %get3A_436 {offsets = [3, 0], sizes = [1, 2048], strides = [1, 1]} : vector<4x2048xf32> to vector<1x2048xf32>
    %div3A_453 = arith.constant 5.000000e+00 : f32
    %div3A_454 = vector.broadcast %div3A_453 : f32 to vector<1x2048xf32>
    %div3A_455 = arith.divf %slice3A_452, %div3A_454 : vector<1x2048xf32>
    %min3A_456 = arith.constant 4.13516665 : f32
    %min3A_457 = vector.broadcast %min3A_456 : f32 to vector<1x2048xf32>
    %min3A_458 = arith.minimumf %div3A_455, %min3A_457 : vector<1x2048xf32>
    %mul3A_459 = arith.mulf %div3A_440, %sub3A_13 : vector<1x2048xf32>
    %add3A_460 = arith.addf %mul3A_459, %add3A : vector<1x2048xf32>
    %mul3A_461 = arith.mulf %div3A_444, %sub3A_14 : vector<1x2048xf32>
    %add3A_462 = arith.addf %mul3A_461, %add3A_20 : vector<1x2048xf32>
    %exp3A_463 = math.exp %min3A_451 : vector<1x2048xf32>
    %mul3A_464 = arith.mulf %exp3A_463, %sub3A_13 : vector<1x2048xf32>
    %exp3A_465 = math.exp %min3A_458 : vector<1x2048xf32>
    %mul3A_466 = arith.mulf %exp3A_465, %sub3A_14 : vector<1x2048xf32>
    %mul3A_467 = arith.constant 5.000000e-01 : f32
    %mul3A_468 = vector.broadcast %mul3A_467 : f32 to vector<1x2048xf32>
    %mul3A_469 = arith.mulf %mul3A_468, %mul3A_464 : vector<1x2048xf32>
    %sub3A_470 = arith.subf %add3A_460, %mul3A_469 : vector<1x2048xf32>
    %jit3A_471 = arith.constant 0.000000e+00 : f32
    %jit3A_472 = arith.constant 1.216000e+03 : f32
    %max3A_473 = vector.broadcast %jit3A_471 : f32 to vector<1x2048xf32>
    %max3A_474 = arith.maximumf %max3A_473, %sub3A_470 : vector<1x2048xf32>
    %min3A_475 = vector.broadcast %jit3A_472 : f32 to vector<1x2048xf32>
    %min3A_476 = arith.minimumf %min3A_475, %max3A_474 : vector<1x2048xf32>
    %mul3A_477 = arith.constant 5.000000e-01 : f32
    %mul3A_478 = vector.broadcast %mul3A_477 : f32 to vector<1x2048xf32>
    %mul3A_479 = arith.mulf %mul3A_478, %mul3A_466 : vector<1x2048xf32>
    %sub3A_480 = arith.subf %add3A_462, %mul3A_479 : vector<1x2048xf32>
    %jit3A_481 = arith.constant 0.000000e+00 : f32
    %jit3A_482 = arith.constant 8.000000e+02 : f32
    %max3A_483 = vector.broadcast %jit3A_481 : f32 to vector<1x2048xf32>
    %max3A_484 = arith.maximumf %max3A_483, %sub3A_480 : vector<1x2048xf32>
    %min3A_485 = vector.broadcast %jit3A_482 : f32 to vector<1x2048xf32>
    %min3A_486 = arith.minimumf %min3A_485, %max3A_484 : vector<1x2048xf32>
    %mul3A_487 = arith.constant 5.000000e-01 : f32
    %mul3A_488 = vector.broadcast %mul3A_487 : f32 to vector<1x2048xf32>
    %mul3A_489 = arith.mulf %mul3A_488, %mul3A_464 : vector<1x2048xf32>
    %add3A_490 = arith.addf %add3A_460, %mul3A_489 : vector<1x2048xf32>
    %jit3A_491 = arith.constant 0.000000e+00 : f32
    %jit3A_492 = arith.constant 1.216000e+03 : f32
    %max3A_493 = vector.broadcast %jit3A_491 : f32 to vector<1x2048xf32>
    %max3A_494 = arith.maximumf %max3A_493, %add3A_490 : vector<1x2048xf32>
    %min3A_495 = vector.broadcast %jit3A_492 : f32 to vector<1x2048xf32>
    %min3A_496 = arith.minimumf %min3A_495, %max3A_494 : vector<1x2048xf32>
    %mul3A_497 = arith.constant 5.000000e-01 : f32
    %mul3A_498 = vector.broadcast %mul3A_497 : f32 to vector<1x2048xf32>
    %mul3A_499 = arith.mulf %mul3A_498, %mul3A_466 : vector<1x2048xf32>
    %add3A_500 = arith.addf %add3A_462, %mul3A_499 : vector<1x2048xf32>
    %jit3A_501 = arith.constant 0.000000e+00 : f32
    %jit3A_502 = arith.constant 8.000000e+02 : f32
    %max3A_503 = vector.broadcast %jit3A_501 : f32 to vector<1x2048xf32>
    %max3A_504 = arith.maximumf %max3A_503, %add3A_500 : vector<1x2048xf32>
    %min3A_505 = vector.broadcast %jit3A_502 : f32 to vector<1x2048xf32>
    %min3A_506 = arith.minimumf %min3A_505, %max3A_504 : vector<1x2048xf32>
    %sub3A_507 = arith.subf %min3A_496, %min3A_476 : vector<1x2048xf32>
    %sub3A_508 = arith.subf %min3A_506, %min3A_486 : vector<1x2048xf32>
    %slice3A_509 = vector.extract_strided_slice %div3A_6 {offsets = [5, 0], sizes = [1, 2048], strides = [1, 1]} : vector<21x2048xf32> to vector<1x2048xf32>
    %ge3A_510 = arith.constant 5.000000e-02 : f32
    %ge3A_511 = vector.broadcast %ge3A_510 : f32 to vector<1x2048xf32>
    %ge3A_512 = arith.cmpf oge, %slice3A_509, %ge3A_511 : vector<1x2048xf32>
    %ge3A_513 = arith.constant 1.000000e+00 : f32
    %ge3A_514 = vector.broadcast %ge3A_513 : f32 to vector<1x2048xf32>
    %ge3A_515 = arith.cmpf oge, %sub3A_507, %ge3A_514 : vector<1x2048xf32>
    %and3A_516 = arith.andi %ge3A_512, %ge3A_515 : vector<1x2048xi1>
    %ge3A_517 = arith.constant 1.000000e+00 : f32
    %ge3A_518 = vector.broadcast %ge3A_517 : f32 to vector<1x2048xf32>
    %ge3A_519 = arith.cmpf oge, %sub3A_508, %ge3A_518 : vector<1x2048xf32>
    %and3A_520 = arith.andi %and3A_516, %ge3A_519 : vector<1x2048xi1>
    %jit3A_521 = arith.constant -1.000000e+00 : f32
    %broadcast_in_dim3A_522 = vector.broadcast %jit3A_521 : f32 to vector<1x2048xf32>
    %select_n3A_523 = arith.select %and3A_520, %slice3A_509, %broadcast_in_dim3A_522 : vector<1x2048xi1>, vector<1x2048xf32>
    %squeeze3A_524 = vector.shape_cast %select_n3A_523 : vector<1x2048xf32> to vector<2048xf32>
    %swap3A_525 = arith.constant 4 : index
    %swap3A_526 = arith.constant 0 : index
    %swap3A_527 = vector.load %arg4[%swap3A_525, %swap3A_526] : memref<20x2048xf32, #tpu.memory_space<vmem>>, vector<1x2048xf32>
    %swap3A_528 = vector.shape_cast %swap3A_527 : vector<1x2048xf32> to vector<2048xf32>
    %swap3A_529 = vector.shape_cast %squeeze3A_524 : vector<2048xf32> to vector<1x2048xf32>
    tpu.vector_store %arg4[%swap3A_525, %swap3A_526], %swap3A_529 {strides = array<i32>} : memref<20x2048xf32, #tpu.memory_space<vmem>>, vector<1x2048xf32>,
    %concatenate3A_530 = tpu.concatenate %min3A_476, %min3A_486, %min3A_496, %min3A_506 in 0 : vector<1x2048xf32>, vector<1x2048xf32>, vector<1x2048xf32>, vector<1x2048xf32> -> vector<4x2048xf32>
    %swap3A_531 = arith.constant 4 : index
    %swap3A_532 = arith.constant 0 : index
    %swap3A_533 = arith.constant 0 : index
    %swap3A_534 = vector.load %arg5[%swap3A_531, %swap3A_532, %swap3A_533] : memref<20x4x2048xf32, #tpu.memory_space<vmem>>, vector<1x4x2048xf32>
    %swap3A_535 = vector.shape_cast %swap3A_534 : vector<1x4x2048xf32> to vector<4x2048xf32>
    %swap3A_536 = vector.shape_cast %concatenate3A_530 : vector<4x2048xf32> to vector<1x4x2048xf32>
    tpu.vector_store %arg5[%swap3A_531, %swap3A_532, %swap3A_533], %swap3A_536 {strides = array<i32>} : memref<20x4x2048xf32, #tpu.memory_space<vmem>>, vector<1x4x2048xf32>,
    %get3A_537 = arith.constant 6 : index
    %get3A_538 = arith.constant 0 : index
    %get3A_539 = arith.constant 0 : index
    %get3A_540 = vector.load %arg2[%get3A_537, %get3A_538, %get3A_539] : memref<21x4x2048xf32, #tpu.memory_space<vmem>>, vector<1x4x2048xf32>
    %get3A_541 = vector.shape_cast %get3A_540 : vector<1x4x2048xf32> to vector<4x2048xf32>
    %slice3A_542 = vector.extract_strided_slice %get3A_541 {offsets = [0, 0], sizes = [1, 2048], strides = [1, 1]} : vector<4x2048xf32> to vector<1x2048xf32>
    %div3A_543 = arith.constant 1.000000e+01 : f32
    %div3A_544 = vector.broadcast %div3A_543 : f32 to vector<1x2048xf32>
    %div3A_545 = arith.divf %slice3A_542, %div3A_544 : vector<1x2048xf32>
    %slice3A_546 = vector.extract_strided_slice %get3A_541 {offsets = [1, 0], sizes = [1, 2048], strides = [1, 1]} : vector<4x2048xf32> to vector<1x2048xf32>
    %div3A_547 = arith.constant 1.000000e+01 : f32
    %div3A_548 = vector.broadcast %div3A_547 : f32 to vector<1x2048xf32>
    %div3A_549 = arith.divf %slice3A_546, %div3A_548 : vector<1x2048xf32>
    %slice3A_550 = vector.extract_strided_slice %get3A_541 {offsets = [2, 0], sizes = [1, 2048], strides = [1, 1]} : vector<4x2048xf32> to vector<1x2048xf32>
    %div3A_551 = arith.constant 5.000000e+00 : f32
    %div3A_552 = vector.broadcast %div3A_551 : f32 to vector<1x2048xf32>
    %div3A_553 = arith.divf %slice3A_550, %div3A_552 : vector<1x2048xf32>
    %min3A_554 = arith.constant 4.13516665 : f32
    %min3A_555 = vector.broadcast %min3A_554 : f32 to vector<1x2048xf32>
    %min3A_556 = arith.minimumf %div3A_553, %min3A_555 : vector<1x2048xf32>
    %slice3A_557 = vector.extract_strided_slice %get3A_541 {offsets = [3, 0], sizes = [1, 2048], strides = [1, 1]} : vector<4x2048xf32> to vector<1x2048xf32>
    %div3A_558 = arith.constant 5.000000e+00 : f32
    %div3A_559 = vector.broadcast %div3A_558 : f32 to vector<1x2048xf32>
    %div3A_560 = arith.divf %slice3A_557, %div3A_559 : vector<1x2048xf32>
    %min3A_561 = arith.constant 4.13516665 : f32
    %min3A_562 = vector.broadcast %min3A_561 : f32 to vector<1x2048xf32>
    %min3A_563 = arith.minimumf %div3A_560, %min3A_562 : vector<1x2048xf32>
    %mul3A_564 = arith.mulf %div3A_545, %sub3A_13 : vector<1x2048xf32>
    %add3A_565 = arith.addf %mul3A_564, %add3A : vector<1x2048xf32>
    %mul3A_566 = arith.mulf %div3A_549, %sub3A_14 : vector<1x2048xf32>
    %add3A_567 = arith.addf %mul3A_566, %add3A_20 : vector<1x2048xf32>
    %exp3A_568 = math.exp %min3A_556 : vector<1x2048xf32>
    %mul3A_569 = arith.mulf %exp3A_568, %sub3A_13 : vector<1x2048xf32>
    %exp3A_570 = math.exp %min3A_563 : vector<1x2048xf32>
    %mul3A_571 = arith.mulf %exp3A_570, %sub3A_14 : vector<1x2048xf32>
    %mul3A_572 = arith.constant 5.000000e-01 : f32
    %mul3A_573 = vector.broadcast %mul3A_572 : f32 to vector<1x2048xf32>
    %mul3A_574 = arith.mulf %mul3A_573, %mul3A_569 : vector<1x2048xf32>
    %sub3A_575 = arith.subf %add3A_565, %mul3A_574 : vector<1x2048xf32>
    %jit3A_576 = arith.constant 0.000000e+00 : f32
    %jit3A_577 = arith.constant 1.216000e+03 : f32
    %max3A_578 = vector.broadcast %jit3A_576 : f32 to vector<1x2048xf32>
    %max3A_579 = arith.maximumf %max3A_578, %sub3A_575 : vector<1x2048xf32>
    %min3A_580 = vector.broadcast %jit3A_577 : f32 to vector<1x2048xf32>
    %min3A_581 = arith.minimumf %min3A_580, %max3A_579 : vector<1x2048xf32>
    %mul3A_582 = arith.constant 5.000000e-01 : f32
    %mul3A_583 = vector.broadcast %mul3A_582 : f32 to vector<1x2048xf32>
    %mul3A_584 = arith.mulf %mul3A_583, %mul3A_571 : vector<1x2048xf32>
    %sub3A_585 = arith.subf %add3A_567, %mul3A_584 : vector<1x2048xf32>
    %jit3A_586 = arith.constant 0.000000e+00 : f32
    %jit3A_587 = arith.constant 8.000000e+02 : f32
    %max3A_588 = vector.broadcast %jit3A_586 : f32 to vector<1x2048xf32>
    %max3A_589 = arith.maximumf %max3A_588, %sub3A_585 : vector<1x2048xf32>
    %min3A_590 = vector.broadcast %jit3A_587 : f32 to vector<1x2048xf32>
    %min3A_591 = arith.minimumf %min3A_590, %max3A_589 : vector<1x2048xf32>
    %mul3A_592 = arith.constant 5.000000e-01 : f32
    %mul3A_593 = vector.broadcast %mul3A_592 : f32 to vector<1x2048xf32>
    %mul3A_594 = arith.mulf %mul3A_593, %mul3A_569 : vector<1x2048xf32>
    %add3A_595 = arith.addf %add3A_565, %mul3A_594 : vector<1x2048xf32>
    %jit3A_596 = arith.constant 0.000000e+00 : f32
    %jit3A_597 = arith.constant 1.216000e+03 : f32
    %max3A_598 = vector.broadcast %jit3A_596 : f32 to vector<1x2048xf32>
    %max3A_599 = arith.maximumf %max3A_598, %add3A_595 : vector<1x2048xf32>
    %min3A_600 = vector.broadcast %jit3A_597 : f32 to vector<1x2048xf32>
    %min3A_601 = arith.minimumf %min3A_600, %max3A_599 : vector<1x2048xf32>
    %mul3A_602 = arith.constant 5.000000e-01 : f32
    %mul3A_603 = vector.broadcast %mul3A_602 : f32 to vector<1x2048xf32>
    %mul3A_604 = arith.mulf %mul3A_603, %mul3A_571 : vector<1x2048xf32>
    %add3A_605 = arith.addf %add3A_567, %mul3A_604 : vector<1x2048xf32>
    %jit3A_606 = arith.constant 0.000000e+00 : f32
    %jit3A_607 = arith.constant 8.000000e+02 : f32
    %max3A_608 = vector.broadcast %jit3A_606 : f32 to vector<1x2048xf32>
    %max3A_609 = arith.maximumf %max3A_608, %add3A_605 : vector<1x2048xf32>
    %min3A_610 = vector.broadcast %jit3A_607 : f32 to vector<1x2048xf32>
    %min3A_611 = arith.minimumf %min3A_610, %max3A_609 : vector<1x2048xf32>
    %sub3A_612 = arith.subf %min3A_601, %min3A_581 : vector<1x2048xf32>
    %sub3A_613 = arith.subf %min3A_611, %min3A_591 : vector<1x2048xf32>
    %slice3A_614 = vector.extract_strided_slice %div3A_6 {offsets = [6, 0], sizes = [1, 2048], strides = [1, 1]} : vector<21x2048xf32> to vector<1x2048xf32>
    %ge3A_615 = arith.constant 5.000000e-02 : f32
    %ge3A_616 = vector.broadcast %ge3A_615 : f32 to vector<1x2048xf32>
    %ge3A_617 = arith.cmpf oge, %slice3A_614, %ge3A_616 : vector<1x2048xf32>
    %ge3A_618 = arith.constant 1.000000e+00 : f32
    %ge3A_619 = vector.broadcast %ge3A_618 : f32 to vector<1x2048xf32>
    %ge3A_620 = arith.cmpf oge, %sub3A_612, %ge3A_619 : vector<1x2048xf32>
    %and3A_621 = arith.andi %ge3A_617, %ge3A_620 : vector<1x2048xi1>
    %ge3A_622 = arith.constant 1.000000e+00 : f32
    %ge3A_623 = vector.broadcast %ge3A_622 : f32 to vector<1x2048xf32>
    %ge3A_624 = arith.cmpf oge, %sub3A_613, %ge3A_623 : vector<1x2048xf32>
    %and3A_625 = arith.andi %and3A_621, %ge3A_624 : vector<1x2048xi1>
    %jit3A_626 = arith.constant -1.000000e+00 : f32
    %broadcast_in_dim3A_627 = vector.broadcast %jit3A_626 : f32 to vector<1x2048xf32>
    %select_n3A_628 = arith.select %and3A_625, %slice3A_614, %broadcast_in_dim3A_627 : vector<1x2048xi1>, vector<1x2048xf32>
    %squeeze3A_629 = vector.shape_cast %select_n3A_628 : vector<1x2048xf32> to vector<2048xf32>
    %swap3A_630 = arith.constant 5 : index
    %swap3A_631 = arith.constant 0 : index
    %swap3A_632 = vector.load %arg4[%swap3A_630, %swap3A_631] : memref<20x2048xf32, #tpu.memory_space<vmem>>, vector<1x2048xf32>
    %swap3A_633 = vector.shape_cast %swap3A_632 : vector<1x2048xf32> to vector<2048xf32>
    %swap3A_634 = vector.shape_cast %squeeze3A_629 : vector<2048xf32> to vector<1x2048xf32>
    tpu.vector_store %arg4[%swap3A_630, %swap3A_631], %swap3A_634 {strides = array<i32>} : memref<20x2048xf32, #tpu.memory_space<vmem>>, vector<1x2048xf32>,
    %concatenate3A_635 = tpu.concatenate %min3A_581, %min3A_591, %min3A_601, %min3A_611 in 0 : vector<1x2048xf32>, vector<1x2048xf32>, vector<1x2048xf32>, vector<1x2048xf32> -> vector<4x2048xf32>
    %swap3A_636 = arith.constant 5 : index
    %swap3A_637 = arith.constant 0 : index
    %swap3A_638 = arith.constant 0 : index
    %swap3A_639 = vector.load %arg5[%swap3A_636, %swap3A_637, %swap3A_638] : memref<20x4x2048xf32, #tpu.memory_space<vmem>>, vector<1x4x2048xf32>
    %swap3A_640 = vector.shape_cast %swap3A_639 : vector<1x4x2048xf32> to vector<4x2048xf32>
    %swap3A_641 = vector.shape_cast %concatenate3A_635 : vector<4x2048xf32> to vector<1x4x2048xf32>
    tpu.vector_store %arg5[%swap3A_636, %swap3A_637, %swap3A_638], %swap3A_641 {strides = array<i32>} : memref<20x4x2048xf32, #tpu.memory_space<vmem>>, vector<1x4x2048xf32>,
    %get3A_642 = arith.constant 7 : index
    %get3A_643 = arith.constant 0 : index
    %get3A_644 = arith.constant 0 : index
    %get3A_645 = vector.load %arg2[%get3A_642, %get3A_643, %get3A_644] : memref<21x4x2048xf32, #tpu.memory_space<vmem>>, vector<1x4x2048xf32>
    %get3A_646 = vector.shape_cast %get3A_645 : vector<1x4x2048xf32> to vector<4x2048xf32>
    %slice3A_647 = vector.extract_strided_slice %get3A_646 {offsets = [0, 0], sizes = [1, 2048], strides = [1, 1]} : vector<4x2048xf32> to vector<1x2048xf32>
    %div3A_648 = arith.constant 1.000000e+01 : f32
    %div3A_649 = vector.broadcast %div3A_648 : f32 to vector<1x2048xf32>
    %div3A_650 = arith.divf %slice3A_647, %div3A_649 : vector<1x2048xf32>
    %slice3A_651 = vector.extract_strided_slice %get3A_646 {offsets = [1, 0], sizes = [1, 2048], strides = [1, 1]} : vector<4x2048xf32> to vector<1x2048xf32>
    %div3A_652 = arith.constant 1.000000e+01 : f32
    %div3A_653 = vector.broadcast %div3A_652 : f32 to vector<1x2048xf32>
    %div3A_654 = arith.divf %slice3A_651, %div3A_653 : vector<1x2048xf32>
    %slice3A_655 = vector.extract_strided_slice %get3A_646 {offsets = [2, 0], sizes = [1, 2048], strides = [1, 1]} : vector<4x2048xf32> to vector<1x2048xf32>
    %div3A_656 = arith.constant 5.000000e+00 : f32
    %div3A_657 = vector.broadcast %div3A_656 : f32 to vector<1x2048xf32>
    %div3A_658 = arith.divf %slice3A_655, %div3A_657 : vector<1x2048xf32>
    %min3A_659 = arith.constant 4.13516665 : f32
    %min3A_660 = vector.broadcast %min3A_659 : f32 to vector<1x2048xf32>
    %min3A_661 = arith.minimumf %div3A_658, %min3A_660 : vector<1x2048xf32>
    %slice3A_662 = vector.extract_strided_slice %get3A_646 {offsets = [3, 0], sizes = [1, 2048], strides = [1, 1]} : vector<4x2048xf32> to vector<1x2048xf32>
    %div3A_663 = arith.constant 5.000000e+00 : f32
    %div3A_664 = vector.broadcast %div3A_663 : f32 to vector<1x2048xf32>
    %div3A_665 = arith.divf %slice3A_662, %div3A_664 : vector<1x2048xf32>
    %min3A_666 = arith.constant 4.13516665 : f32
    %min3A_667 = vector.broadcast %min3A_666 : f32 to vector<1x2048xf32>
    %min3A_668 = arith.minimumf %div3A_665, %min3A_667 : vector<1x2048xf32>
    %mul3A_669 = arith.mulf %div3A_650, %sub3A_13 : vector<1x2048xf32>
    %add3A_670 = arith.addf %mul3A_669, %add3A : vector<1x2048xf32>
    %mul3A_671 = arith.mulf %div3A_654, %sub3A_14 : vector<1x2048xf32>
    %add3A_672 = arith.addf %mul3A_671, %add3A_20 : vector<1x2048xf32>
    %exp3A_673 = math.exp %min3A_661 : vector<1x2048xf32>
    %mul3A_674 = arith.mulf %exp3A_673, %sub3A_13 : vector<1x2048xf32>
    %exp3A_675 = math.exp %min3A_668 : vector<1x2048xf32>
    %mul3A_676 = arith.mulf %exp3A_675, %sub3A_14 : vector<1x2048xf32>
    %mul3A_677 = arith.constant 5.000000e-01 : f32
    %mul3A_678 = vector.broadcast %mul3A_677 : f32 to vector<1x2048xf32>
    %mul3A_679 = arith.mulf %mul3A_678, %mul3A_674 : vector<1x2048xf32>
    %sub3A_680 = arith.subf %add3A_670, %mul3A_679 : vector<1x2048xf32>
    %jit3A_681 = arith.constant 0.000000e+00 : f32
    %jit3A_682 = arith.constant 1.216000e+03 : f32
    %max3A_683 = vector.broadcast %jit3A_681 : f32 to vector<1x2048xf32>
    %max3A_684 = arith.maximumf %max3A_683, %sub3A_680 : vector<1x2048xf32>
    %min3A_685 = vector.broadcast %jit3A_682 : f32 to vector<1x2048xf32>
    %min3A_686 = arith.minimumf %min3A_685, %max3A_684 : vector<1x2048xf32>
    %mul3A_687 = arith.constant 5.000000e-01 : f32
    %mul3A_688 = vector.broadcast %mul3A_687 : f32 to vector<1x2048xf32>
    %mul3A_689 = arith.mulf %mul3A_688, %mul3A_676 : vector<1x2048xf32>
    %sub3A_690 = arith.subf %add3A_672, %mul3A_689 : vector<1x2048xf32>
    %jit3A_691 = arith.constant 0.000000e+00 : f32
    %jit3A_692 = arith.constant 8.000000e+02 : f32
    %max3A_693 = vector.broadcast %jit3A_691 : f32 to vector<1x2048xf32>
    %max3A_694 = arith.maximumf %max3A_693, %sub3A_690 : vector<1x2048xf32>
    %min3A_695 = vector.broadcast %jit3A_692 : f32 to vector<1x2048xf32>
    %min3A_696 = arith.minimumf %min3A_695, %max3A_694 : vector<1x2048xf32>
    %mul3A_697 = arith.constant 5.000000e-01 : f32
    %mul3A_698 = vector.broadcast %mul3A_697 : f32 to vector<1x2048xf32>
    %mul3A_699 = arith.mulf %mul3A_698, %mul3A_674 : vector<1x2048xf32>
    %add3A_700 = arith.addf %add3A_670, %mul3A_699 : vector<1x2048xf32>
    %jit3A_701 = arith.constant 0.000000e+00 : f32
    %jit3A_702 = arith.constant 1.216000e+03 : f32
    %max3A_703 = vector.broadcast %jit3A_701 : f32 to vector<1x2048xf32>
    %max3A_704 = arith.maximumf %max3A_703, %add3A_700 : vector<1x2048xf32>
    %min3A_705 = vector.broadcast %jit3A_702 : f32 to vector<1x2048xf32>
    %min3A_706 = arith.minimumf %min3A_705, %max3A_704 : vector<1x2048xf32>
    %mul3A_707 = arith.constant 5.000000e-01 : f32
    %mul3A_708 = vector.broadcast %mul3A_707 : f32 to vector<1x2048xf32>
    %mul3A_709 = arith.mulf %mul3A_708, %mul3A_676 : vector<1x2048xf32>
    %add3A_710 = arith.addf %add3A_672, %mul3A_709 : vector<1x2048xf32>
    %jit3A_711 = arith.constant 0.000000e+00 : f32
    %jit3A_712 = arith.constant 8.000000e+02 : f32
    %max3A_713 = vector.broadcast %jit3A_711 : f32 to vector<1x2048xf32>
    %max3A_714 = arith.maximumf %max3A_713, %add3A_710 : vector<1x2048xf32>
    %min3A_715 = vector.broadcast %jit3A_712 : f32 to vector<1x2048xf32>
    %min3A_716 = arith.minimumf %min3A_715, %max3A_714 : vector<1x2048xf32>
    %sub3A_717 = arith.subf %min3A_706, %min3A_686 : vector<1x2048xf32>
    %sub3A_718 = arith.subf %min3A_716, %min3A_696 : vector<1x2048xf32>
    %slice3A_719 = vector.extract_strided_slice %div3A_6 {offsets = [7, 0], sizes = [1, 2048], strides = [1, 1]} : vector<21x2048xf32> to vector<1x2048xf32>
    %ge3A_720 = arith.constant 5.000000e-02 : f32
    %ge3A_721 = vector.broadcast %ge3A_720 : f32 to vector<1x2048xf32>
    %ge3A_722 = arith.cmpf oge, %slice3A_719, %ge3A_721 : vector<1x2048xf32>
    %ge3A_723 = arith.constant 1.000000e+00 : f32
    %ge3A_724 = vector.broadcast %ge3A_723 : f32 to vector<1x2048xf32>
    %ge3A_725 = arith.cmpf oge, %sub3A_717, %ge3A_724 : vector<1x2048xf32>
    %and3A_726 = arith.andi %ge3A_722, %ge3A_725 : vector<1x2048xi1>
    %ge3A_727 = arith.constant 1.000000e+00 : f32
    %ge3A_728 = vector.broadcast %ge3A_727 : f32 to vector<1x2048xf32>
    %ge3A_729 = arith.cmpf oge, %sub3A_718, %ge3A_728 : vector<1x2048xf32>
    %and3A_730 = arith.andi %and3A_726, %ge3A_729 : vector<1x2048xi1>
    %jit3A_731 = arith.constant -1.000000e+00 : f32
    %broadcast_in_dim3A_732 = vector.broadcast %jit3A_731 : f32 to vector<1x2048xf32>
    %select_n3A_733 = arith.select %and3A_730, %slice3A_719, %broadcast_in_dim3A_732 : vector<1x2048xi1>, vector<1x2048xf32>
    %squeeze3A_734 = vector.shape_cast %select_n3A_733 : vector<1x2048xf32> to vector<2048xf32>
    %swap3A_735 = arith.constant 6 : index
    %swap3A_736 = arith.constant 0 : index
    %swap3A_737 = vector.load %arg4[%swap3A_735, %swap3A_736] : memref<20x2048xf32, #tpu.memory_space<vmem>>, vector<1x2048xf32>
    %swap3A_738 = vector.shape_cast %swap3A_737 : vector<1x2048xf32> to vector<2048xf32>
    %swap3A_739 = vector.shape_cast %squeeze3A_734 : vector<2048xf32> to vector<1x2048xf32>
    tpu.vector_store %arg4[%swap3A_735, %swap3A_736], %swap3A_739 {strides = array<i32>} : memref<20x2048xf32, #tpu.memory_space<vmem>>, vector<1x2048xf32>,
    %concatenate3A_740 = tpu.concatenate %min3A_686, %min3A_696, %min3A_706, %min3A_716 in 0 : vector<1x2048xf32>, vector<1x2048xf32>, vector<1x2048xf32>, vector<1x2048xf32> -> vector<4x2048xf32>
    %swap3A_741 = arith.constant 6 : index
    %swap3A_742 = arith.constant 0 : index
    %swap3A_743 = arith.constant 0 : index
    %swap3A_744 = vector.load %arg5[%swap3A_741, %swap3A_742, %swap3A_743] : memref<20x4x2048xf32, #tpu.memory_space<vmem>>, vector<1x4x2048xf32>
    %swap3A_745 = vector.shape_cast %swap3A_744 : vector<1x4x2048xf32> to vector<4x2048xf32>
    %swap3A_746 = vector.shape_cast %concatenate3A_740 : vector<4x2048xf32> to vector<1x4x2048xf32>
    tpu.vector_store %arg5[%swap3A_741, %swap3A_742, %swap3A_743], %swap3A_746 {strides = array<i32>} : memref<20x4x2048xf32, #tpu.memory_space<vmem>>, vector<1x4x2048xf32>,
    %get3A_747 = arith.constant 8 : index
    %get3A_748 = arith.constant 0 : index
    %get3A_749 = arith.constant 0 : index
    %get3A_750 = vector.load %arg2[%get3A_747, %get3A_748, %get3A_749] : memref<21x4x2048xf32, #tpu.memory_space<vmem>>, vector<1x4x2048xf32>
    %get3A_751 = vector.shape_cast %get3A_750 : vector<1x4x2048xf32> to vector<4x2048xf32>
    %slice3A_752 = vector.extract_strided_slice %get3A_751 {offsets = [0, 0], sizes = [1, 2048], strides = [1, 1]} : vector<4x2048xf32> to vector<1x2048xf32>
    %div3A_753 = arith.constant 1.000000e+01 : f32
    %div3A_754 = vector.broadcast %div3A_753 : f32 to vector<1x2048xf32>
    %div3A_755 = arith.divf %slice3A_752, %div3A_754 : vector<1x2048xf32>
    %slice3A_756 = vector.extract_strided_slice %get3A_751 {offsets = [1, 0], sizes = [1, 2048], strides = [1, 1]} : vector<4x2048xf32> to vector<1x2048xf32>
    %div3A_757 = arith.constant 1.000000e+01 : f32
    %div3A_758 = vector.broadcast %div3A_757 : f32 to vector<1x2048xf32>
    %div3A_759 = arith.divf %slice3A_756, %div3A_758 : vector<1x2048xf32>
    %slice3A_760 = vector.extract_strided_slice %get3A_751 {offsets = [2, 0], sizes = [1, 2048], strides = [1, 1]} : vector<4x2048xf32> to vector<1x2048xf32>
    %div3A_761 = arith.constant 5.000000e+00 : f32
    %div3A_762 = vector.broadcast %div3A_761 : f32 to vector<1x2048xf32>
    %div3A_763 = arith.divf %slice3A_760, %div3A_762 : vector<1x2048xf32>
    %min3A_764 = arith.constant 4.13516665 : f32
    %min3A_765 = vector.broadcast %min3A_764 : f32 to vector<1x2048xf32>
    %min3A_766 = arith.minimumf %div3A_763, %min3A_765 : vector<1x2048xf32>
    %slice3A_767 = vector.extract_strided_slice %get3A_751 {offsets = [3, 0], sizes = [1, 2048], strides = [1, 1]} : vector<4x2048xf32> to vector<1x2048xf32>
    %div3A_768 = arith.constant 5.000000e+00 : f32
    %div3A_769 = vector.broadcast %div3A_768 : f32 to vector<1x2048xf32>
    %div3A_770 = arith.divf %slice3A_767, %div3A_769 : vector<1x2048xf32>
    %min3A_771 = arith.constant 4.13516665 : f32
    %min3A_772 = vector.broadcast %min3A_771 : f32 to vector<1x2048xf32>
    %min3A_773 = arith.minimumf %div3A_770, %min3A_772 : vector<1x2048xf32>
    %mul3A_774 = arith.mulf %div3A_755, %sub3A_13 : vector<1x2048xf32>
    %add3A_775 = arith.addf %mul3A_774, %add3A : vector<1x2048xf32>
    %mul3A_776 = arith.mulf %div3A_759, %sub3A_14 : vector<1x2048xf32>
    %add3A_777 = arith.addf %mul3A_776, %add3A_20 : vector<1x2048xf32>
    %exp3A_778 = math.exp %min3A_766 : vector<1x2048xf32>
    %mul3A_779 = arith.mulf %exp3A_778, %sub3A_13 : vector<1x2048xf32>
    %exp3A_780 = math.exp %min3A_773 : vector<1x2048xf32>
    %mul3A_781 = arith.mulf %exp3A_780, %sub3A_14 : vector<1x2048xf32>
    %mul3A_782 = arith.constant 5.000000e-01 : f32
    %mul3A_783 = vector.broadcast %mul3A_782 : f32 to vector<1x2048xf32>
    %mul3A_784 = arith.mulf %mul3A_783, %mul3A_779 : vector<1x2048xf32>
    %sub3A_785 = arith.subf %add3A_775, %mul3A_784 : vector<1x2048xf32>
    %jit3A_786 = arith.constant 0.000000e+00 : f32
    %jit3A_787 = arith.constant 1.216000e+03 : f32
    %max3A_788 = vector.broadcast %jit3A_786 : f32 to vector<1x2048xf32>
    %max3A_789 = arith.maximumf %max3A_788, %sub3A_785 : vector<1x2048xf32>
    %min3A_790 = vector.broadcast %jit3A_787 : f32 to vector<1x2048xf32>
    %min3A_791 = arith.minimumf %min3A_790, %max3A_789 : vector<1x2048xf32>
    %mul3A_792 = arith.constant 5.000000e-01 : f32
    %mul3A_793 = vector.broadcast %mul3A_792 : f32 to vector<1x2048xf32>
    %mul3A_794 = arith.mulf %mul3A_793, %mul3A_781 : vector<1x2048xf32>
    %sub3A_795 = arith.subf %add3A_777, %mul3A_794 : vector<1x2048xf32>
    %jit3A_796 = arith.constant 0.000000e+00 : f32
    %jit3A_797 = arith.constant 8.000000e+02 : f32
    %max3A_798 = vector.broadcast %jit3A_796 : f32 to vector<1x2048xf32>
    %max3A_799 = arith.maximumf %max3A_798, %sub3A_795 : vector<1x2048xf32>
    %min3A_800 = vector.broadcast %jit3A_797 : f32 to vector<1x2048xf32>
    %min3A_801 = arith.minimumf %min3A_800, %max3A_799 : vector<1x2048xf32>
    %mul3A_802 = arith.constant 5.000000e-01 : f32
    %mul3A_803 = vector.broadcast %mul3A_802 : f32 to vector<1x2048xf32>
    %mul3A_804 = arith.mulf %mul3A_803, %mul3A_779 : vector<1x2048xf32>
    %add3A_805 = arith.addf %add3A_775, %mul3A_804 : vector<1x2048xf32>
    %jit3A_806 = arith.constant 0.000000e+00 : f32
    %jit3A_807 = arith.constant 1.216000e+03 : f32
    %max3A_808 = vector.broadcast %jit3A_806 : f32 to vector<1x2048xf32>
    %max3A_809 = arith.maximumf %max3A_808, %add3A_805 : vector<1x2048xf32>
    %min3A_810 = vector.broadcast %jit3A_807 : f32 to vector<1x2048xf32>
    %min3A_811 = arith.minimumf %min3A_810, %max3A_809 : vector<1x2048xf32>
    %mul3A_812 = arith.constant 5.000000e-01 : f32
    %mul3A_813 = vector.broadcast %mul3A_812 : f32 to vector<1x2048xf32>
    %mul3A_814 = arith.mulf %mul3A_813, %mul3A_781 : vector<1x2048xf32>
    %add3A_815 = arith.addf %add3A_777, %mul3A_814 : vector<1x2048xf32>
    %jit3A_816 = arith.constant 0.000000e+00 : f32
    %jit3A_817 = arith.constant 8.000000e+02 : f32
    %max3A_818 = vector.broadcast %jit3A_816 : f32 to vector<1x2048xf32>
    %max3A_819 = arith.maximumf %max3A_818, %add3A_815 : vector<1x2048xf32>
    %min3A_820 = vector.broadcast %jit3A_817 : f32 to vector<1x2048xf32>
    %min3A_821 = arith.minimumf %min3A_820, %max3A_819 : vector<1x2048xf32>
    %sub3A_822 = arith.subf %min3A_811, %min3A_791 : vector<1x2048xf32>
    %sub3A_823 = arith.subf %min3A_821, %min3A_801 : vector<1x2048xf32>
    %slice3A_824 = vector.extract_strided_slice %div3A_6 {offsets = [8, 0], sizes = [1, 2048], strides = [1, 1]} : vector<21x2048xf32> to vector<1x2048xf32>
    %ge3A_825 = arith.constant 5.000000e-02 : f32
    %ge3A_826 = vector.broadcast %ge3A_825 : f32 to vector<1x2048xf32>
    %ge3A_827 = arith.cmpf oge, %slice3A_824, %ge3A_826 : vector<1x2048xf32>
    %ge3A_828 = arith.constant 1.000000e+00 : f32
    %ge3A_829 = vector.broadcast %ge3A_828 : f32 to vector<1x2048xf32>
    %ge3A_830 = arith.cmpf oge, %sub3A_822, %ge3A_829 : vector<1x2048xf32>
    %and3A_831 = arith.andi %ge3A_827, %ge3A_830 : vector<1x2048xi1>
    %ge3A_832 = arith.constant 1.000000e+00 : f32
    %ge3A_833 = vector.broadcast %ge3A_832 : f32 to vector<1x2048xf32>
    %ge3A_834 = arith.cmpf oge, %sub3A_823, %ge3A_833 : vector<1x2048xf32>
    %and3A_835 = arith.andi %and3A_831, %ge3A_834 : vector<1x2048xi1>
    %jit3A_836 = arith.constant -1.000000e+00 : f32
    %broadcast_in_dim3A_837 = vector.broadcast %jit3A_836 : f32 to vector<1x2048xf32>
    %select_n3A_838 = arith.select %and3A_835, %slice3A_824, %broadcast_in_dim3A_837 : vector<1x2048xi1>, vector<1x2048xf32>
    %squeeze3A_839 = vector.shape_cast %select_n3A_838 : vector<1x2048xf32> to vector<2048xf32>
    %swap3A_840 = arith.constant 7 : index
    %swap3A_841 = arith.constant 0 : index
    %swap3A_842 = vector.load %arg4[%swap3A_840, %swap3A_841] : memref<20x2048xf32, #tpu.memory_space<vmem>>, vector<1x2048xf32>
    %swap3A_843 = vector.shape_cast %swap3A_842 : vector<1x2048xf32> to vector<2048xf32>
    %swap3A_844 = vector.shape_cast %squeeze3A_839 : vector<2048xf32> to vector<1x2048xf32>
    tpu.vector_store %arg4[%swap3A_840, %swap3A_841], %swap3A_844 {strides = array<i32>} : memref<20x2048xf32, #tpu.memory_space<vmem>>, vector<1x2048xf32>,
    %concatenate3A_845 = tpu.concatenate %min3A_791, %min3A_801, %min3A_811, %min3A_821 in 0 : vector<1x2048xf32>, vector<1x2048xf32>, vector<1x2048xf32>, vector<1x2048xf32> -> vector<4x2048xf32>
    %swap3A_846 = arith.constant 7 : index
    %swap3A_847 = arith.constant 0 : index
    %swap3A_848 = arith.constant 0 : index
    %swap3A_849 = vector.load %arg5[%swap3A_846, %swap3A_847, %swap3A_848] : memref<20x4x2048xf32, #tpu.memory_space<vmem>>, vector<1x4x2048xf32>
    %swap3A_850 = vector.shape_cast %swap3A_849 : vector<1x4x2048xf32> to vector<4x2048xf32>
    %swap3A_851 = vector.shape_cast %concatenate3A_845 : vector<4x2048xf32> to vector<1x4x2048xf32>
    tpu.vector_store %arg5[%swap3A_846, %swap3A_847, %swap3A_848], %swap3A_851 {strides = array<i32>} : memref<20x4x2048xf32, #tpu.memory_space<vmem>>, vector<1x4x2048xf32>,
    %get3A_852 = arith.constant 9 : index
    %get3A_853 = arith.constant 0 : index
    %get3A_854 = arith.constant 0 : index
    %get3A_855 = vector.load %arg2[%get3A_852, %get3A_853, %get3A_854] : memref<21x4x2048xf32, #tpu.memory_space<vmem>>, vector<1x4x2048xf32>
    %get3A_856 = vector.shape_cast %get3A_855 : vector<1x4x2048xf32> to vector<4x2048xf32>
    %slice3A_857 = vector.extract_strided_slice %get3A_856 {offsets = [0, 0], sizes = [1, 2048], strides = [1, 1]} : vector<4x2048xf32> to vector<1x2048xf32>
    %div3A_858 = arith.constant 1.000000e+01 : f32
    %div3A_859 = vector.broadcast %div3A_858 : f32 to vector<1x2048xf32>
    %div3A_860 = arith.divf %slice3A_857, %div3A_859 : vector<1x2048xf32>
    %slice3A_861 = vector.extract_strided_slice %get3A_856 {offsets = [1, 0], sizes = [1, 2048], strides = [1, 1]} : vector<4x2048xf32> to vector<1x2048xf32>
    %div3A_862 = arith.constant 1.000000e+01 : f32
    %div3A_863 = vector.broadcast %div3A_862 : f32 to vector<1x2048xf32>
    %div3A_864 = arith.divf %slice3A_861, %div3A_863 : vector<1x2048xf32>
    %slice3A_865 = vector.extract_strided_slice %get3A_856 {offsets = [2, 0], sizes = [1, 2048], strides = [1, 1]} : vector<4x2048xf32> to vector<1x2048xf32>
    %div3A_866 = arith.constant 5.000000e+00 : f32
    %div3A_867 = vector.broadcast %div3A_866 : f32 to vector<1x2048xf32>
    %div3A_868 = arith.divf %slice3A_865, %div3A_867 : vector<1x2048xf32>
    %min3A_869 = arith.constant 4.13516665 : f32
    %min3A_870 = vector.broadcast %min3A_869 : f32 to vector<1x2048xf32>
    %min3A_871 = arith.minimumf %div3A_868, %min3A_870 : vector<1x2048xf32>
    %slice3A_872 = vector.extract_strided_slice %get3A_856 {offsets = [3, 0], sizes = [1, 2048], strides = [1, 1]} : vector<4x2048xf32> to vector<1x2048xf32>
    %div3A_873 = arith.constant 5.000000e+00 : f32
    %div3A_874 = vector.broadcast %div3A_873 : f32 to vector<1x2048xf32>
    %div3A_875 = arith.divf %slice3A_872, %div3A_874 : vector<1x2048xf32>
    %min3A_876 = arith.constant 4.13516665 : f32
    %min3A_877 = vector.broadcast %min3A_876 : f32 to vector<1x2048xf32>
    %min3A_878 = arith.minimumf %div3A_875, %min3A_877 : vector<1x2048xf32>
    %mul3A_879 = arith.mulf %div3A_860, %sub3A_13 : vector<1x2048xf32>
    %add3A_880 = arith.addf %mul3A_879, %add3A : vector<1x2048xf32>
    %mul3A_881 = arith.mulf %div3A_864, %sub3A_14 : vector<1x2048xf32>
    %add3A_882 = arith.addf %mul3A_881, %add3A_20 : vector<1x2048xf32>
    %exp3A_883 = math.exp %min3A_871 : vector<1x2048xf32>
    %mul3A_884 = arith.mulf %exp3A_883, %sub3A_13 : vector<1x2048xf32>
    %exp3A_885 = math.exp %min3A_878 : vector<1x2048xf32>
    %mul3A_886 = arith.mulf %exp3A_885, %sub3A_14 : vector<1x2048xf32>
    %mul3A_887 = arith.constant 5.000000e-01 : f32
    %mul3A_888 = vector.broadcast %mul3A_887 : f32 to vector<1x2048xf32>
    %mul3A_889 = arith.mulf %mul3A_888, %mul3A_884 : vector<1x2048xf32>
    %sub3A_890 = arith.subf %add3A_880, %mul3A_889 : vector<1x2048xf32>
    %jit3A_891 = arith.constant 0.000000e+00 : f32
    %jit3A_892 = arith.constant 1.216000e+03 : f32
    %max3A_893 = vector.broadcast %jit3A_891 : f32 to vector<1x2048xf32>
    %max3A_894 = arith.maximumf %max3A_893, %sub3A_890 : vector<1x2048xf32>
    %min3A_895 = vector.broadcast %jit3A_892 : f32 to vector<1x2048xf32>
    %min3A_896 = arith.minimumf %min3A_895, %max3A_894 : vector<1x2048xf32>
    %mul3A_897 = arith.constant 5.000000e-01 : f32
    %mul3A_898 = vector.broadcast %mul3A_897 : f32 to vector<1x2048xf32>
    %mul3A_899 = arith.mulf %mul3A_898, %mul3A_886 : vector<1x2048xf32>
    %sub3A_900 = arith.subf %add3A_882, %mul3A_899 : vector<1x2048xf32>
    %jit3A_901 = arith.constant 0.000000e+00 : f32
    %jit3A_902 = arith.constant 8.000000e+02 : f32
    %max3A_903 = vector.broadcast %jit3A_901 : f32 to vector<1x2048xf32>
    %max3A_904 = arith.maximumf %max3A_903, %sub3A_900 : vector<1x2048xf32>
    %min3A_905 = vector.broadcast %jit3A_902 : f32 to vector<1x2048xf32>
    %min3A_906 = arith.minimumf %min3A_905, %max3A_904 : vector<1x2048xf32>
    %mul3A_907 = arith.constant 5.000000e-01 : f32
    %mul3A_908 = vector.broadcast %mul3A_907 : f32 to vector<1x2048xf32>
    %mul3A_909 = arith.mulf %mul3A_908, %mul3A_884 : vector<1x2048xf32>
    %add3A_910 = arith.addf %add3A_880, %mul3A_909 : vector<1x2048xf32>
    %jit3A_911 = arith.constant 0.000000e+00 : f32
    %jit3A_912 = arith.constant 1.216000e+03 : f32
    %max3A_913 = vector.broadcast %jit3A_911 : f32 to vector<1x2048xf32>
    %max3A_914 = arith.maximumf %max3A_913, %add3A_910 : vector<1x2048xf32>
    %min3A_915 = vector.broadcast %jit3A_912 : f32 to vector<1x2048xf32>
    %min3A_916 = arith.minimumf %min3A_915, %max3A_914 : vector<1x2048xf32>
    %mul3A_917 = arith.constant 5.000000e-01 : f32
    %mul3A_918 = vector.broadcast %mul3A_917 : f32 to vector<1x2048xf32>
    %mul3A_919 = arith.mulf %mul3A_918, %mul3A_886 : vector<1x2048xf32>
    %add3A_920 = arith.addf %add3A_882, %mul3A_919 : vector<1x2048xf32>
    %jit3A_921 = arith.constant 0.000000e+00 : f32
    %jit3A_922 = arith.constant 8.000000e+02 : f32
    %max3A_923 = vector.broadcast %jit3A_921 : f32 to vector<1x2048xf32>
    %max3A_924 = arith.maximumf %max3A_923, %add3A_920 : vector<1x2048xf32>
    %min3A_925 = vector.broadcast %jit3A_922 : f32 to vector<1x2048xf32>
    %min3A_926 = arith.minimumf %min3A_925, %max3A_924 : vector<1x2048xf32>
    %sub3A_927 = arith.subf %min3A_916, %min3A_896 : vector<1x2048xf32>
    %sub3A_928 = arith.subf %min3A_926, %min3A_906 : vector<1x2048xf32>
    %slice3A_929 = vector.extract_strided_slice %div3A_6 {offsets = [9, 0], sizes = [1, 2048], strides = [1, 1]} : vector<21x2048xf32> to vector<1x2048xf32>
    %ge3A_930 = arith.constant 5.000000e-02 : f32
    %ge3A_931 = vector.broadcast %ge3A_930 : f32 to vector<1x2048xf32>
    %ge3A_932 = arith.cmpf oge, %slice3A_929, %ge3A_931 : vector<1x2048xf32>
    %ge3A_933 = arith.constant 1.000000e+00 : f32
    %ge3A_934 = vector.broadcast %ge3A_933 : f32 to vector<1x2048xf32>
    %ge3A_935 = arith.cmpf oge, %sub3A_927, %ge3A_934 : vector<1x2048xf32>
    %and3A_936 = arith.andi %ge3A_932, %ge3A_935 : vector<1x2048xi1>
    %ge3A_937 = arith.constant 1.000000e+00 : f32
    %ge3A_938 = vector.broadcast %ge3A_937 : f32 to vector<1x2048xf32>
    %ge3A_939 = arith.cmpf oge, %sub3A_928, %ge3A_938 : vector<1x2048xf32>
    %and3A_940 = arith.andi %and3A_936, %ge3A_939 : vector<1x2048xi1>
    %jit3A_941 = arith.constant -1.000000e+00 : f32
    %broadcast_in_dim3A_942 = vector.broadcast %jit3A_941 : f32 to vector<1x2048xf32>
    %select_n3A_943 = arith.select %and3A_940, %slice3A_929, %broadcast_in_dim3A_942 : vector<1x2048xi1>, vector<1x2048xf32>
    %squeeze3A_944 = vector.shape_cast %select_n3A_943 : vector<1x2048xf32> to vector<2048xf32>
    %swap3A_945 = arith.constant 8 : index
    %swap3A_946 = arith.constant 0 : index
    %swap3A_947 = vector.load %arg4[%swap3A_945, %swap3A_946] : memref<20x2048xf32, #tpu.memory_space<vmem>>, vector<1x2048xf32>
    %swap3A_948 = vector.shape_cast %swap3A_947 : vector<1x2048xf32> to vector<2048xf32>
    %swap3A_949 = vector.shape_cast %squeeze3A_944 : vector<2048xf32> to vector<1x2048xf32>
    tpu.vector_store %arg4[%swap3A_945, %swap3A_946], %swap3A_949 {strides = array<i32>} : memref<20x2048xf32, #tpu.memory_space<vmem>>, vector<1x2048xf32>,
    %concatenate3A_950 = tpu.concatenate %min3A_896, %min3A_906, %min3A_916, %min3A_926 in 0 : vector<1x2048xf32>, vector<1x2048xf32>, vector<1x2048xf32>, vector<1x2048xf32> -> vector<4x2048xf32>
    %swap3A_951 = arith.constant 8 : index
    %swap3A_952 = arith.constant 0 : index
    %swap3A_953 = arith.constant 0 : index
    %swap3A_954 = vector.load %arg5[%swap3A_951, %swap3A_952, %swap3A_953] : memref<20x4x2048xf32, #tpu.memory_space<vmem>>, vector<1x4x2048xf32>
    %swap3A_955 = vector.shape_cast %swap3A_954 : vector<1x4x2048xf32> to vector<4x2048xf32>
    %swap3A_956 = vector.shape_cast %concatenate3A_950 : vector<4x2048xf32> to vector<1x4x2048xf32>
    tpu.vector_store %arg5[%swap3A_951, %swap3A_952, %swap3A_953], %swap3A_956 {strides = array<i32>} : memref<20x4x2048xf32, #tpu.memory_space<vmem>>, vector<1x4x2048xf32>,
    %get3A_957 = arith.constant 10 : index
    %get3A_958 = arith.constant 0 : index
    %get3A_959 = arith.constant 0 : index
    %get3A_960 = vector.load %arg2[%get3A_957, %get3A_958, %get3A_959] : memref<21x4x2048xf32, #tpu.memory_space<vmem>>, vector<1x4x2048xf32>
    %get3A_961 = vector.shape_cast %get3A_960 : vector<1x4x2048xf32> to vector<4x2048xf32>
    %slice3A_962 = vector.extract_strided_slice %get3A_961 {offsets = [0, 0], sizes = [1, 2048], strides = [1, 1]} : vector<4x2048xf32> to vector<1x2048xf32>
    %div3A_963 = arith.constant 1.000000e+01 : f32
    %div3A_964 = vector.broadcast %div3A_963 : f32 to vector<1x2048xf32>
    %div3A_965 = arith.divf %slice3A_962, %div3A_964 : vector<1x2048xf32>
    %slice3A_966 = vector.extract_strided_slice %get3A_961 {offsets = [1, 0], sizes = [1, 2048], strides = [1, 1]} : vector<4x2048xf32> to vector<1x2048xf32>
    %div3A_967 = arith.constant 1.000000e+01 : f32
    %div3A_968 = vector.broadcast %div3A_967 : f32 to vector<1x2048xf32>
    %div3A_969 = arith.divf %slice3A_966, %div3A_968 : vector<1x2048xf32>
    %slice3A_970 = vector.extract_strided_slice %get3A_961 {offsets = [2, 0], sizes = [1, 2048], strides = [1, 1]} : vector<4x2048xf32> to vector<1x2048xf32>
    %div3A_971 = arith.constant 5.000000e+00 : f32
    %div3A_972 = vector.broadcast %div3A_971 : f32 to vector<1x2048xf32>
    %div3A_973 = arith.divf %slice3A_970, %div3A_972 : vector<1x2048xf32>
    %min3A_974 = arith.constant 4.13516665 : f32
    %min3A_975 = vector.broadcast %min3A_974 : f32 to vector<1x2048xf32>
    %min3A_976 = arith.minimumf %div3A_973, %min3A_975 : vector<1x2048xf32>
    %slice3A_977 = vector.extract_strided_slice %get3A_961 {offsets = [3, 0], sizes = [1, 2048], strides = [1, 1]} : vector<4x2048xf32> to vector<1x2048xf32>
    %div3A_978 = arith.constant 5.000000e+00 : f32
    %div3A_979 = vector.broadcast %div3A_978 : f32 to vector<1x2048xf32>
    %div3A_980 = arith.divf %slice3A_977, %div3A_979 : vector<1x2048xf32>
    %min3A_981 = arith.constant 4.13516665 : f32
    %min3A_982 = vector.broadcast %min3A_981 : f32 to vector<1x2048xf32>
    %min3A_983 = arith.minimumf %div3A_980, %min3A_982 : vector<1x2048xf32>
    %mul3A_984 = arith.mulf %div3A_965, %sub3A_13 : vector<1x2048xf32>
    %add3A_985 = arith.addf %mul3A_984, %add3A : vector<1x2048xf32>
    %mul3A_986 = arith.mulf %div3A_969, %sub3A_14 : vector<1x2048xf32>
    %add3A_987 = arith.addf %mul3A_986, %add3A_20 : vector<1x2048xf32>
    %exp3A_988 = math.exp %min3A_976 : vector<1x2048xf32>
    %mul3A_989 = arith.mulf %exp3A_988, %sub3A_13 : vector<1x2048xf32>
    %exp3A_990 = math.exp %min3A_983 : vector<1x2048xf32>
    %mul3A_991 = arith.mulf %exp3A_990, %sub3A_14 : vector<1x2048xf32>
    %mul3A_992 = arith.constant 5.000000e-01 : f32
    %mul3A_993 = vector.broadcast %mul3A_992 : f32 to vector<1x2048xf32>
    %mul3A_994 = arith.mulf %mul3A_993, %mul3A_989 : vector<1x2048xf32>
    %sub3A_995 = arith.subf %add3A_985, %mul3A_994 : vector<1x2048xf32>
    %jit3A_996 = arith.constant 0.000000e+00 : f32
    %jit3A_997 = arith.constant 1.216000e+03 : f32
    %max3A_998 = vector.broadcast %jit3A_996 : f32 to vector<1x2048xf32>
    %max3A_999 = arith.maximumf %max3A_998, %sub3A_995 : vector<1x2048xf32>
    %min3A_1000 = vector.broadcast %jit3A_997 : f32 to vector<1x2048xf32>
    %min3A_1001 = arith.minimumf %min3A_1000, %max3A_999 : vector<1x2048xf32>
    %mul3A_1002 = arith.constant 5.000000e-01 : f32
    %mul3A_1003 = vector.broadcast %mul3A_1002 : f32 to vector<1x2048xf32>
    %mul3A_1004 = arith.mulf %mul3A_1003, %mul3A_991 : vector<1x2048xf32>
    %sub3A_1005 = arith.subf %add3A_987, %mul3A_1004 : vector<1x2048xf32>
    %jit3A_1006 = arith.constant 0.000000e+00 : f32
    %jit3A_1007 = arith.constant 8.000000e+02 : f32
    %max3A_1008 = vector.broadcast %jit3A_1006 : f32 to vector<1x2048xf32>
    %max3A_1009 = arith.maximumf %max3A_1008, %sub3A_1005 : vector<1x2048xf32>
    %min3A_1010 = vector.broadcast %jit3A_1007 : f32 to vector<1x2048xf32>
    %min3A_1011 = arith.minimumf %min3A_1010, %max3A_1009 : vector<1x2048xf32>
    %mul3A_1012 = arith.constant 5.000000e-01 : f32
    %mul3A_1013 = vector.broadcast %mul3A_1012 : f32 to vector<1x2048xf32>
    %mul3A_1014 = arith.mulf %mul3A_1013, %mul3A_989 : vector<1x2048xf32>
    %add3A_1015 = arith.addf %add3A_985, %mul3A_1014 : vector<1x2048xf32>
    %jit3A_1016 = arith.constant 0.000000e+00 : f32
    %jit3A_1017 = arith.constant 1.216000e+03 : f32
    %max3A_1018 = vector.broadcast %jit3A_1016 : f32 to vector<1x2048xf32>
    %max3A_1019 = arith.maximumf %max3A_1018, %add3A_1015 : vector<1x2048xf32>
    %min3A_1020 = vector.broadcast %jit3A_1017 : f32 to vector<1x2048xf32>
    %min3A_1021 = arith.minimumf %min3A_1020, %max3A_1019 : vector<1x2048xf32>
    %mul3A_1022 = arith.constant 5.000000e-01 : f32
    %mul3A_1023 = vector.broadcast %mul3A_1022 : f32 to vector<1x2048xf32>
    %mul3A_1024 = arith.mulf %mul3A_1023, %mul3A_991 : vector<1x2048xf32>
    %add3A_1025 = arith.addf %add3A_987, %mul3A_1024 : vector<1x2048xf32>
    %jit3A_1026 = arith.constant 0.000000e+00 : f32
    %jit3A_1027 = arith.constant 8.000000e+02 : f32
    %max3A_1028 = vector.broadcast %jit3A_1026 : f32 to vector<1x2048xf32>
    %max3A_1029 = arith.maximumf %max3A_1028, %add3A_1025 : vector<1x2048xf32>
    %min3A_1030 = vector.broadcast %jit3A_1027 : f32 to vector<1x2048xf32>
    %min3A_1031 = arith.minimumf %min3A_1030, %max3A_1029 : vector<1x2048xf32>
    %sub3A_1032 = arith.subf %min3A_1021, %min3A_1001 : vector<1x2048xf32>
    %sub3A_1033 = arith.subf %min3A_1031, %min3A_1011 : vector<1x2048xf32>
    %slice3A_1034 = vector.extract_strided_slice %div3A_6 {offsets = [10, 0], sizes = [1, 2048], strides = [1, 1]} : vector<21x2048xf32> to vector<1x2048xf32>
    %ge3A_1035 = arith.constant 5.000000e-02 : f32
    %ge3A_1036 = vector.broadcast %ge3A_1035 : f32 to vector<1x2048xf32>
    %ge3A_1037 = arith.cmpf oge, %slice3A_1034, %ge3A_1036 : vector<1x2048xf32>
    %ge3A_1038 = arith.constant 1.000000e+00 : f32
    %ge3A_1039 = vector.broadcast %ge3A_1038 : f32 to vector<1x2048xf32>
    %ge3A_1040 = arith.cmpf oge, %sub3A_1032, %ge3A_1039 : vector<1x2048xf32>
    %and3A_1041 = arith.andi %ge3A_1037, %ge3A_1040 : vector<1x2048xi1>
    %ge3A_1042 = arith.constant 1.000000e+00 : f32
    %ge3A_1043 = vector.broadcast %ge3A_1042 : f32 to vector<1x2048xf32>
    %ge3A_1044 = arith.cmpf oge, %sub3A_1033, %ge3A_1043 : vector<1x2048xf32>
    %and3A_1045 = arith.andi %and3A_1041, %ge3A_1044 : vector<1x2048xi1>
    %jit3A_1046 = arith.constant -1.000000e+00 : f32
    %broadcast_in_dim3A_1047 = vector.broadcast %jit3A_1046 : f32 to vector<1x2048xf32>
    %select_n3A_1048 = arith.select %and3A_1045, %slice3A_1034, %broadcast_in_dim3A_1047 : vector<1x2048xi1>, vector<1x2048xf32>
    %squeeze3A_1049 = vector.shape_cast %select_n3A_1048 : vector<1x2048xf32> to vector<2048xf32>
    %swap3A_1050 = arith.constant 9 : index
    %swap3A_1051 = arith.constant 0 : index
    %swap3A_1052 = vector.load %arg4[%swap3A_1050, %swap3A_1051] : memref<20x2048xf32, #tpu.memory_space<vmem>>, vector<1x2048xf32>
    %swap3A_1053 = vector.shape_cast %swap3A_1052 : vector<1x2048xf32> to vector<2048xf32>
    %swap3A_1054 = vector.shape_cast %squeeze3A_1049 : vector<2048xf32> to vector<1x2048xf32>
    tpu.vector_store %arg4[%swap3A_1050, %swap3A_1051], %swap3A_1054 {strides = array<i32>} : memref<20x2048xf32, #tpu.memory_space<vmem>>, vector<1x2048xf32>,
    %concatenate3A_1055 = tpu.concatenate %min3A_1001, %min3A_1011, %min3A_1021, %min3A_1031 in 0 : vector<1x2048xf32>, vector<1x2048xf32>, vector<1x2048xf32>, vector<1x2048xf32> -> vector<4x2048xf32>
    %swap3A_1056 = arith.constant 9 : index
    %swap3A_1057 = arith.constant 0 : index
    %swap3A_1058 = arith.constant 0 : index
    %swap3A_1059 = vector.load %arg5[%swap3A_1056, %swap3A_1057, %swap3A_1058] : memref<20x4x2048xf32, #tpu.memory_space<vmem>>, vector<1x4x2048xf32>
    %swap3A_1060 = vector.shape_cast %swap3A_1059 : vector<1x4x2048xf32> to vector<4x2048xf32>
    %swap3A_1061 = vector.shape_cast %concatenate3A_1055 : vector<4x2048xf32> to vector<1x4x2048xf32>
    tpu.vector_store %arg5[%swap3A_1056, %swap3A_1057, %swap3A_1058], %swap3A_1061 {strides = array<i32>} : memref<20x4x2048xf32, #tpu.memory_space<vmem>>, vector<1x4x2048xf32>,
    %get3A_1062 = arith.constant 11 : index
    %get3A_1063 = arith.constant 0 : index
    %get3A_1064 = arith.constant 0 : index
    %get3A_1065 = vector.load %arg2[%get3A_1062, %get3A_1063, %get3A_1064] : memref<21x4x2048xf32, #tpu.memory_space<vmem>>, vector<1x4x2048xf32>
    %get3A_1066 = vector.shape_cast %get3A_1065 : vector<1x4x2048xf32> to vector<4x2048xf32>
    %slice3A_1067 = vector.extract_strided_slice %get3A_1066 {offsets = [0, 0], sizes = [1, 2048], strides = [1, 1]} : vector<4x2048xf32> to vector<1x2048xf32>
    %div3A_1068 = arith.constant 1.000000e+01 : f32
    %div3A_1069 = vector.broadcast %div3A_1068 : f32 to vector<1x2048xf32>
    %div3A_1070 = arith.divf %slice3A_1067, %div3A_1069 : vector<1x2048xf32>
    %slice3A_1071 = vector.extract_strided_slice %get3A_1066 {offsets = [1, 0], sizes = [1, 2048], strides = [1, 1]} : vector<4x2048xf32> to vector<1x2048xf32>
    %div3A_1072 = arith.constant 1.000000e+01 : f32
    %div3A_1073 = vector.broadcast %div3A_1072 : f32 to vector<1x2048xf32>
    %div3A_1074 = arith.divf %slice3A_1071, %div3A_1073 : vector<1x2048xf32>
    %slice3A_1075 = vector.extract_strided_slice %get3A_1066 {offsets = [2, 0], sizes = [1, 2048], strides = [1, 1]} : vector<4x2048xf32> to vector<1x2048xf32>
    %div3A_1076 = arith.constant 5.000000e+00 : f32
    %div3A_1077 = vector.broadcast %div3A_1076 : f32 to vector<1x2048xf32>
    %div3A_1078 = arith.divf %slice3A_1075, %div3A_1077 : vector<1x2048xf32>
    %min3A_1079 = arith.constant 4.13516665 : f32
    %min3A_1080 = vector.broadcast %min3A_1079 : f32 to vector<1x2048xf32>
    %min3A_1081 = arith.minimumf %div3A_1078, %min3A_1080 : vector<1x2048xf32>
    %slice3A_1082 = vector.extract_strided_slice %get3A_1066 {offsets = [3, 0], sizes = [1, 2048], strides = [1, 1]} : vector<4x2048xf32> to vector<1x2048xf32>
    %div3A_1083 = arith.constant 5.000000e+00 : f32
    %div3A_1084 = vector.broadcast %div3A_1083 : f32 to vector<1x2048xf32>
    %div3A_1085 = arith.divf %slice3A_1082, %div3A_1084 : vector<1x2048xf32>
    %min3A_1086 = arith.constant 4.13516665 : f32
    %min3A_1087 = vector.broadcast %min3A_1086 : f32 to vector<1x2048xf32>
    %min3A_1088 = arith.minimumf %div3A_1085, %min3A_1087 : vector<1x2048xf32>
    %mul3A_1089 = arith.mulf %div3A_1070, %sub3A_13 : vector<1x2048xf32>
    %add3A_1090 = arith.addf %mul3A_1089, %add3A : vector<1x2048xf32>
    %mul3A_1091 = arith.mulf %div3A_1074, %sub3A_14 : vector<1x2048xf32>
    %add3A_1092 = arith.addf %mul3A_1091, %add3A_20 : vector<1x2048xf32>
    %exp3A_1093 = math.exp %min3A_1081 : vector<1x2048xf32>
    %mul3A_1094 = arith.mulf %exp3A_1093, %sub3A_13 : vector<1x2048xf32>
    %exp3A_1095 = math.exp %min3A_1088 : vector<1x2048xf32>
    %mul3A_1096 = arith.mulf %exp3A_1095, %sub3A_14 : vector<1x2048xf32>
    %mul3A_1097 = arith.constant 5.000000e-01 : f32
    %mul3A_1098 = vector.broadcast %mul3A_1097 : f32 to vector<1x2048xf32>
    %mul3A_1099 = arith.mulf %mul3A_1098, %mul3A_1094 : vector<1x2048xf32>
    %sub3A_1100 = arith.subf %add3A_1090, %mul3A_1099 : vector<1x2048xf32>
    %jit3A_1101 = arith.constant 0.000000e+00 : f32
    %jit3A_1102 = arith.constant 1.216000e+03 : f32
    %max3A_1103 = vector.broadcast %jit3A_1101 : f32 to vector<1x2048xf32>
    %max3A_1104 = arith.maximumf %max3A_1103, %sub3A_1100 : vector<1x2048xf32>
    %min3A_1105 = vector.broadcast %jit3A_1102 : f32 to vector<1x2048xf32>
    %min3A_1106 = arith.minimumf %min3A_1105, %max3A_1104 : vector<1x2048xf32>
    %mul3A_1107 = arith.constant 5.000000e-01 : f32
    %mul3A_1108 = vector.broadcast %mul3A_1107 : f32 to vector<1x2048xf32>
    %mul3A_1109 = arith.mulf %mul3A_1108, %mul3A_1096 : vector<1x2048xf32>
    %sub3A_1110 = arith.subf %add3A_1092, %mul3A_1109 : vector<1x2048xf32>
    %jit3A_1111 = arith.constant 0.000000e+00 : f32
    %jit3A_1112 = arith.constant 8.000000e+02 : f32
    %max3A_1113 = vector.broadcast %jit3A_1111 : f32 to vector<1x2048xf32>
    %max3A_1114 = arith.maximumf %max3A_1113, %sub3A_1110 : vector<1x2048xf32>
    %min3A_1115 = vector.broadcast %jit3A_1112 : f32 to vector<1x2048xf32>
    %min3A_1116 = arith.minimumf %min3A_1115, %max3A_1114 : vector<1x2048xf32>
    %mul3A_1117 = arith.constant 5.000000e-01 : f32
    %mul3A_1118 = vector.broadcast %mul3A_1117 : f32 to vector<1x2048xf32>
    %mul3A_1119 = arith.mulf %mul3A_1118, %mul3A_1094 : vector<1x2048xf32>
    %add3A_1120 = arith.addf %add3A_1090, %mul3A_1119 : vector<1x2048xf32>
    %jit3A_1121 = arith.constant 0.000000e+00 : f32
    %jit3A_1122 = arith.constant 1.216000e+03 : f32
    %max3A_1123 = vector.broadcast %jit3A_1121 : f32 to vector<1x2048xf32>
    %max3A_1124 = arith.maximumf %max3A_1123, %add3A_1120 : vector<1x2048xf32>
    %min3A_1125 = vector.broadcast %jit3A_1122 : f32 to vector<1x2048xf32>
    %min3A_1126 = arith.minimumf %min3A_1125, %max3A_1124 : vector<1x2048xf32>
    %mul3A_1127 = arith.constant 5.000000e-01 : f32
    %mul3A_1128 = vector.broadcast %mul3A_1127 : f32 to vector<1x2048xf32>
    %mul3A_1129 = arith.mulf %mul3A_1128, %mul3A_1096 : vector<1x2048xf32>
    %add3A_1130 = arith.addf %add3A_1092, %mul3A_1129 : vector<1x2048xf32>
    %jit3A_1131 = arith.constant 0.000000e+00 : f32
    %jit3A_1132 = arith.constant 8.000000e+02 : f32
    %max3A_1133 = vector.broadcast %jit3A_1131 : f32 to vector<1x2048xf32>
    %max3A_1134 = arith.maximumf %max3A_1133, %add3A_1130 : vector<1x2048xf32>
    %min3A_1135 = vector.broadcast %jit3A_1132 : f32 to vector<1x2048xf32>
    %min3A_1136 = arith.minimumf %min3A_1135, %max3A_1134 : vector<1x2048xf32>
    %sub3A_1137 = arith.subf %min3A_1126, %min3A_1106 : vector<1x2048xf32>
    %sub3A_1138 = arith.subf %min3A_1136, %min3A_1116 : vector<1x2048xf32>
    %slice3A_1139 = vector.extract_strided_slice %div3A_6 {offsets = [11, 0], sizes = [1, 2048], strides = [1, 1]} : vector<21x2048xf32> to vector<1x2048xf32>
    %ge3A_1140 = arith.constant 5.000000e-02 : f32
    %ge3A_1141 = vector.broadcast %ge3A_1140 : f32 to vector<1x2048xf32>
    %ge3A_1142 = arith.cmpf oge, %slice3A_1139, %ge3A_1141 : vector<1x2048xf32>
    %ge3A_1143 = arith.constant 1.000000e+00 : f32
    %ge3A_1144 = vector.broadcast %ge3A_1143 : f32 to vector<1x2048xf32>
    %ge3A_1145 = arith.cmpf oge, %sub3A_1137, %ge3A_1144 : vector<1x2048xf32>
    %and3A_1146 = arith.andi %ge3A_1142, %ge3A_1145 : vector<1x2048xi1>
    %ge3A_1147 = arith.constant 1.000000e+00 : f32
    %ge3A_1148 = vector.broadcast %ge3A_1147 : f32 to vector<1x2048xf32>
    %ge3A_1149 = arith.cmpf oge, %sub3A_1138, %ge3A_1148 : vector<1x2048xf32>
    %and3A_1150 = arith.andi %and3A_1146, %ge3A_1149 : vector<1x2048xi1>
    %jit3A_1151 = arith.constant -1.000000e+00 : f32
    %broadcast_in_dim3A_1152 = vector.broadcast %jit3A_1151 : f32 to vector<1x2048xf32>
    %select_n3A_1153 = arith.select %and3A_1150, %slice3A_1139, %broadcast_in_dim3A_1152 : vector<1x2048xi1>, vector<1x2048xf32>
    %squeeze3A_1154 = vector.shape_cast %select_n3A_1153 : vector<1x2048xf32> to vector<2048xf32>
    %swap3A_1155 = arith.constant 10 : index
    %swap3A_1156 = arith.constant 0 : index
    %swap3A_1157 = vector.load %arg4[%swap3A_1155, %swap3A_1156] : memref<20x2048xf32, #tpu.memory_space<vmem>>, vector<1x2048xf32>
    %swap3A_1158 = vector.shape_cast %swap3A_1157 : vector<1x2048xf32> to vector<2048xf32>
    %swap3A_1159 = vector.shape_cast %squeeze3A_1154 : vector<2048xf32> to vector<1x2048xf32>
    tpu.vector_store %arg4[%swap3A_1155, %swap3A_1156], %swap3A_1159 {strides = array<i32>} : memref<20x2048xf32, #tpu.memory_space<vmem>>, vector<1x2048xf32>,
    %concatenate3A_1160 = tpu.concatenate %min3A_1106, %min3A_1116, %min3A_1126, %min3A_1136 in 0 : vector<1x2048xf32>, vector<1x2048xf32>, vector<1x2048xf32>, vector<1x2048xf32> -> vector<4x2048xf32>
    %swap3A_1161 = arith.constant 10 : index
    %swap3A_1162 = arith.constant 0 : index
    %swap3A_1163 = arith.constant 0 : index
    %swap3A_1164 = vector.load %arg5[%swap3A_1161, %swap3A_1162, %swap3A_1163] : memref<20x4x2048xf32, #tpu.memory_space<vmem>>, vector<1x4x2048xf32>
    %swap3A_1165 = vector.shape_cast %swap3A_1164 : vector<1x4x2048xf32> to vector<4x2048xf32>
    %swap3A_1166 = vector.shape_cast %concatenate3A_1160 : vector<4x2048xf32> to vector<1x4x2048xf32>
    tpu.vector_store %arg5[%swap3A_1161, %swap3A_1162, %swap3A_1163], %swap3A_1166 {strides = array<i32>} : memref<20x4x2048xf32, #tpu.memory_space<vmem>>, vector<1x4x2048xf32>,
    %get3A_1167 = arith.constant 12 : index
    %get3A_1168 = arith.constant 0 : index
    %get3A_1169 = arith.constant 0 : index
    %get3A_1170 = vector.load %arg2[%get3A_1167, %get3A_1168, %get3A_1169] : memref<21x4x2048xf32, #tpu.memory_space<vmem>>, vector<1x4x2048xf32>
    %get3A_1171 = vector.shape_cast %get3A_1170 : vector<1x4x2048xf32> to vector<4x2048xf32>
    %slice3A_1172 = vector.extract_strided_slice %get3A_1171 {offsets = [0, 0], sizes = [1, 2048], strides = [1, 1]} : vector<4x2048xf32> to vector<1x2048xf32>
    %div3A_1173 = arith.constant 1.000000e+01 : f32
    %div3A_1174 = vector.broadcast %div3A_1173 : f32 to vector<1x2048xf32>
    %div3A_1175 = arith.divf %slice3A_1172, %div3A_1174 : vector<1x2048xf32>
    %slice3A_1176 = vector.extract_strided_slice %get3A_1171 {offsets = [1, 0], sizes = [1, 2048], strides = [1, 1]} : vector<4x2048xf32> to vector<1x2048xf32>
    %div3A_1177 = arith.constant 1.000000e+01 : f32
    %div3A_1178 = vector.broadcast %div3A_1177 : f32 to vector<1x2048xf32>
    %div3A_1179 = arith.divf %slice3A_1176, %div3A_1178 : vector<1x2048xf32>
    %slice3A_1180 = vector.extract_strided_slice %get3A_1171 {offsets = [2, 0], sizes = [1, 2048], strides = [1, 1]} : vector<4x2048xf32> to vector<1x2048xf32>
    %div3A_1181 = arith.constant 5.000000e+00 : f32
    %div3A_1182 = vector.broadcast %div3A_1181 : f32 to vector<1x2048xf32>
    %div3A_1183 = arith.divf %slice3A_1180, %div3A_1182 : vector<1x2048xf32>
    %min3A_1184 = arith.constant 4.13516665 : f32
    %min3A_1185 = vector.broadcast %min3A_1184 : f32 to vector<1x2048xf32>
    %min3A_1186 = arith.minimumf %div3A_1183, %min3A_1185 : vector<1x2048xf32>
    %slice3A_1187 = vector.extract_strided_slice %get3A_1171 {offsets = [3, 0], sizes = [1, 2048], strides = [1, 1]} : vector<4x2048xf32> to vector<1x2048xf32>
    %div3A_1188 = arith.constant 5.000000e+00 : f32
    %div3A_1189 = vector.broadcast %div3A_1188 : f32 to vector<1x2048xf32>
    %div3A_1190 = arith.divf %slice3A_1187, %div3A_1189 : vector<1x2048xf32>
    %min3A_1191 = arith.constant 4.13516665 : f32
    %min3A_1192 = vector.broadcast %min3A_1191 : f32 to vector<1x2048xf32>
    %min3A_1193 = arith.minimumf %div3A_1190, %min3A_1192 : vector<1x2048xf32>
    %mul3A_1194 = arith.mulf %div3A_1175, %sub3A_13 : vector<1x2048xf32>
    %add3A_1195 = arith.addf %mul3A_1194, %add3A : vector<1x2048xf32>
    %mul3A_1196 = arith.mulf %div3A_1179, %sub3A_14 : vector<1x2048xf32>
    %add3A_1197 = arith.addf %mul3A_1196, %add3A_20 : vector<1x2048xf32>
    %exp3A_1198 = math.exp %min3A_1186 : vector<1x2048xf32>
    %mul3A_1199 = arith.mulf %exp3A_1198, %sub3A_13 : vector<1x2048xf32>
    %exp3A_1200 = math.exp %min3A_1193 : vector<1x2048xf32>
    %mul3A_1201 = arith.mulf %exp3A_1200, %sub3A_14 : vector<1x2048xf32>
    %mul3A_1202 = arith.constant 5.000000e-01 : f32
    %mul3A_1203 = vector.broadcast %mul3A_1202 : f32 to vector<1x2048xf32>
    %mul3A_1204 = arith.mulf %mul3A_1203, %mul3A_1199 : vector<1x2048xf32>
    %sub3A_1205 = arith.subf %add3A_1195, %mul3A_1204 : vector<1x2048xf32>
    %jit3A_1206 = arith.constant 0.000000e+00 : f32
    %jit3A_1207 = arith.constant 1.216000e+03 : f32
    %max3A_1208 = vector.broadcast %jit3A_1206 : f32 to vector<1x2048xf32>
    %max3A_1209 = arith.maximumf %max3A_1208, %sub3A_1205 : vector<1x2048xf32>
    %min3A_1210 = vector.broadcast %jit3A_1207 : f32 to vector<1x2048xf32>
    %min3A_1211 = arith.minimumf %min3A_1210, %max3A_1209 : vector<1x2048xf32>
    %mul3A_1212 = arith.constant 5.000000e-01 : f32
    %mul3A_1213 = vector.broadcast %mul3A_1212 : f32 to vector<1x2048xf32>
    %mul3A_1214 = arith.mulf %mul3A_1213, %mul3A_1201 : vector<1x2048xf32>
    %sub3A_1215 = arith.subf %add3A_1197, %mul3A_1214 : vector<1x2048xf32>
    %jit3A_1216 = arith.constant 0.000000e+00 : f32
    %jit3A_1217 = arith.constant 8.000000e+02 : f32
    %max3A_1218 = vector.broadcast %jit3A_1216 : f32 to vector<1x2048xf32>
    %max3A_1219 = arith.maximumf %max3A_1218, %sub3A_1215 : vector<1x2048xf32>
    %min3A_1220 = vector.broadcast %jit3A_1217 : f32 to vector<1x2048xf32>
    %min3A_1221 = arith.minimumf %min3A_1220, %max3A_1219 : vector<1x2048xf32>
    %mul3A_1222 = arith.constant 5.000000e-01 : f32
    %mul3A_1223 = vector.broadcast %mul3A_1222 : f32 to vector<1x2048xf32>
    %mul3A_1224 = arith.mulf %mul3A_1223, %mul3A_1199 : vector<1x2048xf32>
    %add3A_1225 = arith.addf %add3A_1195, %mul3A_1224 : vector<1x2048xf32>
    %jit3A_1226 = arith.constant 0.000000e+00 : f32
    %jit3A_1227 = arith.constant 1.216000e+03 : f32
    %max3A_1228 = vector.broadcast %jit3A_1226 : f32 to vector<1x2048xf32>
    %max3A_1229 = arith.maximumf %max3A_1228, %add3A_1225 : vector<1x2048xf32>
    %min3A_1230 = vector.broadcast %jit3A_1227 : f32 to vector<1x2048xf32>
    %min3A_1231 = arith.minimumf %min3A_1230, %max3A_1229 : vector<1x2048xf32>
    %mul3A_1232 = arith.constant 5.000000e-01 : f32
    %mul3A_1233 = vector.broadcast %mul3A_1232 : f32 to vector<1x2048xf32>
    %mul3A_1234 = arith.mulf %mul3A_1233, %mul3A_1201 : vector<1x2048xf32>
    %add3A_1235 = arith.addf %add3A_1197, %mul3A_1234 : vector<1x2048xf32>
    %jit3A_1236 = arith.constant 0.000000e+00 : f32
    %jit3A_1237 = arith.constant 8.000000e+02 : f32
    %max3A_1238 = vector.broadcast %jit3A_1236 : f32 to vector<1x2048xf32>
    %max3A_1239 = arith.maximumf %max3A_1238, %add3A_1235 : vector<1x2048xf32>
    %min3A_1240 = vector.broadcast %jit3A_1237 : f32 to vector<1x2048xf32>
    %min3A_1241 = arith.minimumf %min3A_1240, %max3A_1239 : vector<1x2048xf32>
    %sub3A_1242 = arith.subf %min3A_1231, %min3A_1211 : vector<1x2048xf32>
    %sub3A_1243 = arith.subf %min3A_1241, %min3A_1221 : vector<1x2048xf32>
    %slice3A_1244 = vector.extract_strided_slice %div3A_6 {offsets = [12, 0], sizes = [1, 2048], strides = [1, 1]} : vector<21x2048xf32> to vector<1x2048xf32>
    %ge3A_1245 = arith.constant 5.000000e-02 : f32
    %ge3A_1246 = vector.broadcast %ge3A_1245 : f32 to vector<1x2048xf32>
    %ge3A_1247 = arith.cmpf oge, %slice3A_1244, %ge3A_1246 : vector<1x2048xf32>
    %ge3A_1248 = arith.constant 1.000000e+00 : f32
    %ge3A_1249 = vector.broadcast %ge3A_1248 : f32 to vector<1x2048xf32>
    %ge3A_1250 = arith.cmpf oge, %sub3A_1242, %ge3A_1249 : vector<1x2048xf32>
    %and3A_1251 = arith.andi %ge3A_1247, %ge3A_1250 : vector<1x2048xi1>
    %ge3A_1252 = arith.constant 1.000000e+00 : f32
    %ge3A_1253 = vector.broadcast %ge3A_1252 : f32 to vector<1x2048xf32>
    %ge3A_1254 = arith.cmpf oge, %sub3A_1243, %ge3A_1253 : vector<1x2048xf32>
    %and3A_1255 = arith.andi %and3A_1251, %ge3A_1254 : vector<1x2048xi1>
    %jit3A_1256 = arith.constant -1.000000e+00 : f32
    %broadcast_in_dim3A_1257 = vector.broadcast %jit3A_1256 : f32 to vector<1x2048xf32>
    %select_n3A_1258 = arith.select %and3A_1255, %slice3A_1244, %broadcast_in_dim3A_1257 : vector<1x2048xi1>, vector<1x2048xf32>
    %squeeze3A_1259 = vector.shape_cast %select_n3A_1258 : vector<1x2048xf32> to vector<2048xf32>
    %swap3A_1260 = arith.constant 11 : index
    %swap3A_1261 = arith.constant 0 : index
    %swap3A_1262 = vector.load %arg4[%swap3A_1260, %swap3A_1261] : memref<20x2048xf32, #tpu.memory_space<vmem>>, vector<1x2048xf32>
    %swap3A_1263 = vector.shape_cast %swap3A_1262 : vector<1x2048xf32> to vector<2048xf32>
    %swap3A_1264 = vector.shape_cast %squeeze3A_1259 : vector<2048xf32> to vector<1x2048xf32>
    tpu.vector_store %arg4[%swap3A_1260, %swap3A_1261], %swap3A_1264 {strides = array<i32>} : memref<20x2048xf32, #tpu.memory_space<vmem>>, vector<1x2048xf32>,
    %concatenate3A_1265 = tpu.concatenate %min3A_1211, %min3A_1221, %min3A_1231, %min3A_1241 in 0 : vector<1x2048xf32>, vector<1x2048xf32>, vector<1x2048xf32>, vector<1x2048xf32> -> vector<4x2048xf32>
    %swap3A_1266 = arith.constant 11 : index
    %swap3A_1267 = arith.constant 0 : index
    %swap3A_1268 = arith.constant 0 : index
    %swap3A_1269 = vector.load %arg5[%swap3A_1266, %swap3A_1267, %swap3A_1268] : memref<20x4x2048xf32, #tpu.memory_space<vmem>>, vector<1x4x2048xf32>
    %swap3A_1270 = vector.shape_cast %swap3A_1269 : vector<1x4x2048xf32> to vector<4x2048xf32>
    %swap3A_1271 = vector.shape_cast %concatenate3A_1265 : vector<4x2048xf32> to vector<1x4x2048xf32>
    tpu.vector_store %arg5[%swap3A_1266, %swap3A_1267, %swap3A_1268], %swap3A_1271 {strides = array<i32>} : memref<20x4x2048xf32, #tpu.memory_space<vmem>>, vector<1x4x2048xf32>,
    %get3A_1272 = arith.constant 13 : index
    %get3A_1273 = arith.constant 0 : index
    %get3A_1274 = arith.constant 0 : index
    %get3A_1275 = vector.load %arg2[%get3A_1272, %get3A_1273, %get3A_1274] : memref<21x4x2048xf32, #tpu.memory_space<vmem>>, vector<1x4x2048xf32>
    %get3A_1276 = vector.shape_cast %get3A_1275 : vector<1x4x2048xf32> to vector<4x2048xf32>
    %slice3A_1277 = vector.extract_strided_slice %get3A_1276 {offsets = [0, 0], sizes = [1, 2048], strides = [1, 1]} : vector<4x2048xf32> to vector<1x2048xf32>
    %div3A_1278 = arith.constant 1.000000e+01 : f32
    %div3A_1279 = vector.broadcast %div3A_1278 : f32 to vector<1x2048xf32>
    %div3A_1280 = arith.divf %slice3A_1277, %div3A_1279 : vector<1x2048xf32>
    %slice3A_1281 = vector.extract_strided_slice %get3A_1276 {offsets = [1, 0], sizes = [1, 2048], strides = [1, 1]} : vector<4x2048xf32> to vector<1x2048xf32>
    %div3A_1282 = arith.constant 1.000000e+01 : f32
    %div3A_1283 = vector.broadcast %div3A_1282 : f32 to vector<1x2048xf32>
    %div3A_1284 = arith.divf %slice3A_1281, %div3A_1283 : vector<1x2048xf32>
    %slice3A_1285 = vector.extract_strided_slice %get3A_1276 {offsets = [2, 0], sizes = [1, 2048], strides = [1, 1]} : vector<4x2048xf32> to vector<1x2048xf32>
    %div3A_1286 = arith.constant 5.000000e+00 : f32
    %div3A_1287 = vector.broadcast %div3A_1286 : f32 to vector<1x2048xf32>
    %div3A_1288 = arith.divf %slice3A_1285, %div3A_1287 : vector<1x2048xf32>
    %min3A_1289 = arith.constant 4.13516665 : f32
    %min3A_1290 = vector.broadcast %min3A_1289 : f32 to vector<1x2048xf32>
    %min3A_1291 = arith.minimumf %div3A_1288, %min3A_1290 : vector<1x2048xf32>
    %slice3A_1292 = vector.extract_strided_slice %get3A_1276 {offsets = [3, 0], sizes = [1, 2048], strides = [1, 1]} : vector<4x2048xf32> to vector<1x2048xf32>
    %div3A_1293 = arith.constant 5.000000e+00 : f32
    %div3A_1294 = vector.broadcast %div3A_1293 : f32 to vector<1x2048xf32>
    %div3A_1295 = arith.divf %slice3A_1292, %div3A_1294 : vector<1x2048xf32>
    %min3A_1296 = arith.constant 4.13516665 : f32
    %min3A_1297 = vector.broadcast %min3A_1296 : f32 to vector<1x2048xf32>
    %min3A_1298 = arith.minimumf %div3A_1295, %min3A_1297 : vector<1x2048xf32>
    %mul3A_1299 = arith.mulf %div3A_1280, %sub3A_13 : vector<1x2048xf32>
    %add3A_1300 = arith.addf %mul3A_1299, %add3A : vector<1x2048xf32>
    %mul3A_1301 = arith.mulf %div3A_1284, %sub3A_14 : vector<1x2048xf32>
    %add3A_1302 = arith.addf %mul3A_1301, %add3A_20 : vector<1x2048xf32>
    %exp3A_1303 = math.exp %min3A_1291 : vector<1x2048xf32>
    %mul3A_1304 = arith.mulf %exp3A_1303, %sub3A_13 : vector<1x2048xf32>
    %exp3A_1305 = math.exp %min3A_1298 : vector<1x2048xf32>
    %mul3A_1306 = arith.mulf %exp3A_1305, %sub3A_14 : vector<1x2048xf32>
    %mul3A_1307 = arith.constant 5.000000e-01 : f32
    %mul3A_1308 = vector.broadcast %mul3A_1307 : f32 to vector<1x2048xf32>
    %mul3A_1309 = arith.mulf %mul3A_1308, %mul3A_1304 : vector<1x2048xf32>
    %sub3A_1310 = arith.subf %add3A_1300, %mul3A_1309 : vector<1x2048xf32>
    %jit3A_1311 = arith.constant 0.000000e+00 : f32
    %jit3A_1312 = arith.constant 1.216000e+03 : f32
    %max3A_1313 = vector.broadcast %jit3A_1311 : f32 to vector<1x2048xf32>
    %max3A_1314 = arith.maximumf %max3A_1313, %sub3A_1310 : vector<1x2048xf32>
    %min3A_1315 = vector.broadcast %jit3A_1312 : f32 to vector<1x2048xf32>
    %min3A_1316 = arith.minimumf %min3A_1315, %max3A_1314 : vector<1x2048xf32>
    %mul3A_1317 = arith.constant 5.000000e-01 : f32
    %mul3A_1318 = vector.broadcast %mul3A_1317 : f32 to vector<1x2048xf32>
    %mul3A_1319 = arith.mulf %mul3A_1318, %mul3A_1306 : vector<1x2048xf32>
    %sub3A_1320 = arith.subf %add3A_1302, %mul3A_1319 : vector<1x2048xf32>
    %jit3A_1321 = arith.constant 0.000000e+00 : f32
    %jit3A_1322 = arith.constant 8.000000e+02 : f32
    %max3A_1323 = vector.broadcast %jit3A_1321 : f32 to vector<1x2048xf32>
    %max3A_1324 = arith.maximumf %max3A_1323, %sub3A_1320 : vector<1x2048xf32>
    %min3A_1325 = vector.broadcast %jit3A_1322 : f32 to vector<1x2048xf32>
    %min3A_1326 = arith.minimumf %min3A_1325, %max3A_1324 : vector<1x2048xf32>
    %mul3A_1327 = arith.constant 5.000000e-01 : f32
    %mul3A_1328 = vector.broadcast %mul3A_1327 : f32 to vector<1x2048xf32>
    %mul3A_1329 = arith.mulf %mul3A_1328, %mul3A_1304 : vector<1x2048xf32>
    %add3A_1330 = arith.addf %add3A_1300, %mul3A_1329 : vector<1x2048xf32>
    %jit3A_1331 = arith.constant 0.000000e+00 : f32
    %jit3A_1332 = arith.constant 1.216000e+03 : f32
    %max3A_1333 = vector.broadcast %jit3A_1331 : f32 to vector<1x2048xf32>
    %max3A_1334 = arith.maximumf %max3A_1333, %add3A_1330 : vector<1x2048xf32>
    %min3A_1335 = vector.broadcast %jit3A_1332 : f32 to vector<1x2048xf32>
    %min3A_1336 = arith.minimumf %min3A_1335, %max3A_1334 : vector<1x2048xf32>
    %mul3A_1337 = arith.constant 5.000000e-01 : f32
    %mul3A_1338 = vector.broadcast %mul3A_1337 : f32 to vector<1x2048xf32>
    %mul3A_1339 = arith.mulf %mul3A_1338, %mul3A_1306 : vector<1x2048xf32>
    %add3A_1340 = arith.addf %add3A_1302, %mul3A_1339 : vector<1x2048xf32>
    %jit3A_1341 = arith.constant 0.000000e+00 : f32
    %jit3A_1342 = arith.constant 8.000000e+02 : f32
    %max3A_1343 = vector.broadcast %jit3A_1341 : f32 to vector<1x2048xf32>
    %max3A_1344 = arith.maximumf %max3A_1343, %add3A_1340 : vector<1x2048xf32>
    %min3A_1345 = vector.broadcast %jit3A_1342 : f32 to vector<1x2048xf32>
    %min3A_1346 = arith.minimumf %min3A_1345, %max3A_1344 : vector<1x2048xf32>
    %sub3A_1347 = arith.subf %min3A_1336, %min3A_1316 : vector<1x2048xf32>
    %sub3A_1348 = arith.subf %min3A_1346, %min3A_1326 : vector<1x2048xf32>
    %slice3A_1349 = vector.extract_strided_slice %div3A_6 {offsets = [13, 0], sizes = [1, 2048], strides = [1, 1]} : vector<21x2048xf32> to vector<1x2048xf32>
    %ge3A_1350 = arith.constant 5.000000e-02 : f32
    %ge3A_1351 = vector.broadcast %ge3A_1350 : f32 to vector<1x2048xf32>
    %ge3A_1352 = arith.cmpf oge, %slice3A_1349, %ge3A_1351 : vector<1x2048xf32>
    %ge3A_1353 = arith.constant 1.000000e+00 : f32
    %ge3A_1354 = vector.broadcast %ge3A_1353 : f32 to vector<1x2048xf32>
    %ge3A_1355 = arith.cmpf oge, %sub3A_1347, %ge3A_1354 : vector<1x2048xf32>
    %and3A_1356 = arith.andi %ge3A_1352, %ge3A_1355 : vector<1x2048xi1>
    %ge3A_1357 = arith.constant 1.000000e+00 : f32
    %ge3A_1358 = vector.broadcast %ge3A_1357 : f32 to vector<1x2048xf32>
    %ge3A_1359 = arith.cmpf oge, %sub3A_1348, %ge3A_1358 : vector<1x2048xf32>
    %and3A_1360 = arith.andi %and3A_1356, %ge3A_1359 : vector<1x2048xi1>
    %jit3A_1361 = arith.constant -1.000000e+00 : f32
    %broadcast_in_dim3A_1362 = vector.broadcast %jit3A_1361 : f32 to vector<1x2048xf32>
    %select_n3A_1363 = arith.select %and3A_1360, %slice3A_1349, %broadcast_in_dim3A_1362 : vector<1x2048xi1>, vector<1x2048xf32>
    %squeeze3A_1364 = vector.shape_cast %select_n3A_1363 : vector<1x2048xf32> to vector<2048xf32>
    %swap3A_1365 = arith.constant 12 : index
    %swap3A_1366 = arith.constant 0 : index
    %swap3A_1367 = vector.load %arg4[%swap3A_1365, %swap3A_1366] : memref<20x2048xf32, #tpu.memory_space<vmem>>, vector<1x2048xf32>
    %swap3A_1368 = vector.shape_cast %swap3A_1367 : vector<1x2048xf32> to vector<2048xf32>
    %swap3A_1369 = vector.shape_cast %squeeze3A_1364 : vector<2048xf32> to vector<1x2048xf32>
    tpu.vector_store %arg4[%swap3A_1365, %swap3A_1366], %swap3A_1369 {strides = array<i32>} : memref<20x2048xf32, #tpu.memory_space<vmem>>, vector<1x2048xf32>,
    %concatenate3A_1370 = tpu.concatenate %min3A_1316, %min3A_1326, %min3A_1336, %min3A_1346 in 0 : vector<1x2048xf32>, vector<1x2048xf32>, vector<1x2048xf32>, vector<1x2048xf32> -> vector<4x2048xf32>
    %swap3A_1371 = arith.constant 12 : index
    %swap3A_1372 = arith.constant 0 : index
    %swap3A_1373 = arith.constant 0 : index
    %swap3A_1374 = vector.load %arg5[%swap3A_1371, %swap3A_1372, %swap3A_1373] : memref<20x4x2048xf32, #tpu.memory_space<vmem>>, vector<1x4x2048xf32>
    %swap3A_1375 = vector.shape_cast %swap3A_1374 : vector<1x4x2048xf32> to vector<4x2048xf32>
    %swap3A_1376 = vector.shape_cast %concatenate3A_1370 : vector<4x2048xf32> to vector<1x4x2048xf32>
    tpu.vector_store %arg5[%swap3A_1371, %swap3A_1372, %swap3A_1373], %swap3A_1376 {strides = array<i32>} : memref<20x4x2048xf32, #tpu.memory_space<vmem>>, vector<1x4x2048xf32>,
    %get3A_1377 = arith.constant 14 : index
    %get3A_1378 = arith.constant 0 : index
    %get3A_1379 = arith.constant 0 : index
    %get3A_1380 = vector.load %arg2[%get3A_1377, %get3A_1378, %get3A_1379] : memref<21x4x2048xf32, #tpu.memory_space<vmem>>, vector<1x4x2048xf32>
    %get3A_1381 = vector.shape_cast %get3A_1380 : vector<1x4x2048xf32> to vector<4x2048xf32>
    %slice3A_1382 = vector.extract_strided_slice %get3A_1381 {offsets = [0, 0], sizes = [1, 2048], strides = [1, 1]} : vector<4x2048xf32> to vector<1x2048xf32>
    %div3A_1383 = arith.constant 1.000000e+01 : f32
    %div3A_1384 = vector.broadcast %div3A_1383 : f32 to vector<1x2048xf32>
    %div3A_1385 = arith.divf %slice3A_1382, %div3A_1384 : vector<1x2048xf32>
    %slice3A_1386 = vector.extract_strided_slice %get3A_1381 {offsets = [1, 0], sizes = [1, 2048], strides = [1, 1]} : vector<4x2048xf32> to vector<1x2048xf32>
    %div3A_1387 = arith.constant 1.000000e+01 : f32
    %div3A_1388 = vector.broadcast %div3A_1387 : f32 to vector<1x2048xf32>
    %div3A_1389 = arith.divf %slice3A_1386, %div3A_1388 : vector<1x2048xf32>
    %slice3A_1390 = vector.extract_strided_slice %get3A_1381 {offsets = [2, 0], sizes = [1, 2048], strides = [1, 1]} : vector<4x2048xf32> to vector<1x2048xf32>
    %div3A_1391 = arith.constant 5.000000e+00 : f32
    %div3A_1392 = vector.broadcast %div3A_1391 : f32 to vector<1x2048xf32>
    %div3A_1393 = arith.divf %slice3A_1390, %div3A_1392 : vector<1x2048xf32>
    %min3A_1394 = arith.constant 4.13516665 : f32
    %min3A_1395 = vector.broadcast %min3A_1394 : f32 to vector<1x2048xf32>
    %min3A_1396 = arith.minimumf %div3A_1393, %min3A_1395 : vector<1x2048xf32>
    %slice3A_1397 = vector.extract_strided_slice %get3A_1381 {offsets = [3, 0], sizes = [1, 2048], strides = [1, 1]} : vector<4x2048xf32> to vector<1x2048xf32>
    %div3A_1398 = arith.constant 5.000000e+00 : f32
    %div3A_1399 = vector.broadcast %div3A_1398 : f32 to vector<1x2048xf32>
    %div3A_1400 = arith.divf %slice3A_1397, %div3A_1399 : vector<1x2048xf32>
    %min3A_1401 = arith.constant 4.13516665 : f32
    %min3A_1402 = vector.broadcast %min3A_1401 : f32 to vector<1x2048xf32>
    %min3A_1403 = arith.minimumf %div3A_1400, %min3A_1402 : vector<1x2048xf32>
    %mul3A_1404 = arith.mulf %div3A_1385, %sub3A_13 : vector<1x2048xf32>
    %add3A_1405 = arith.addf %mul3A_1404, %add3A : vector<1x2048xf32>
    %mul3A_1406 = arith.mulf %div3A_1389, %sub3A_14 : vector<1x2048xf32>
    %add3A_1407 = arith.addf %mul3A_1406, %add3A_20 : vector<1x2048xf32>
    %exp3A_1408 = math.exp %min3A_1396 : vector<1x2048xf32>
    %mul3A_1409 = arith.mulf %exp3A_1408, %sub3A_13 : vector<1x2048xf32>
    %exp3A_1410 = math.exp %min3A_1403 : vector<1x2048xf32>
    %mul3A_1411 = arith.mulf %exp3A_1410, %sub3A_14 : vector<1x2048xf32>
    %mul3A_1412 = arith.constant 5.000000e-01 : f32
    %mul3A_1413 = vector.broadcast %mul3A_1412 : f32 to vector<1x2048xf32>
    %mul3A_1414 = arith.mulf %mul3A_1413, %mul3A_1409 : vector<1x2048xf32>
    %sub3A_1415 = arith.subf %add3A_1405, %mul3A_1414 : vector<1x2048xf32>
    %jit3A_1416 = arith.constant 0.000000e+00 : f32
    %jit3A_1417 = arith.constant 1.216000e+03 : f32
    %max3A_1418 = vector.broadcast %jit3A_1416 : f32 to vector<1x2048xf32>
    %max3A_1419 = arith.maximumf %max3A_1418, %sub3A_1415 : vector<1x2048xf32>
    %min3A_1420 = vector.broadcast %jit3A_1417 : f32 to vector<1x2048xf32>
    %min3A_1421 = arith.minimumf %min3A_1420, %max3A_1419 : vector<1x2048xf32>
    %mul3A_1422 = arith.constant 5.000000e-01 : f32
    %mul3A_1423 = vector.broadcast %mul3A_1422 : f32 to vector<1x2048xf32>
    %mul3A_1424 = arith.mulf %mul3A_1423, %mul3A_1411 : vector<1x2048xf32>
    %sub3A_1425 = arith.subf %add3A_1407, %mul3A_1424 : vector<1x2048xf32>
    %jit3A_1426 = arith.constant 0.000000e+00 : f32
    %jit3A_1427 = arith.constant 8.000000e+02 : f32
    %max3A_1428 = vector.broadcast %jit3A_1426 : f32 to vector<1x2048xf32>
    %max3A_1429 = arith.maximumf %max3A_1428, %sub3A_1425 : vector<1x2048xf32>
    %min3A_1430 = vector.broadcast %jit3A_1427 : f32 to vector<1x2048xf32>
    %min3A_1431 = arith.minimumf %min3A_1430, %max3A_1429 : vector<1x2048xf32>
    %mul3A_1432 = arith.constant 5.000000e-01 : f32
    %mul3A_1433 = vector.broadcast %mul3A_1432 : f32 to vector<1x2048xf32>
    %mul3A_1434 = arith.mulf %mul3A_1433, %mul3A_1409 : vector<1x2048xf32>
    %add3A_1435 = arith.addf %add3A_1405, %mul3A_1434 : vector<1x2048xf32>
    %jit3A_1436 = arith.constant 0.000000e+00 : f32
    %jit3A_1437 = arith.constant 1.216000e+03 : f32
    %max3A_1438 = vector.broadcast %jit3A_1436 : f32 to vector<1x2048xf32>
    %max3A_1439 = arith.maximumf %max3A_1438, %add3A_1435 : vector<1x2048xf32>
    %min3A_1440 = vector.broadcast %jit3A_1437 : f32 to vector<1x2048xf32>
    %min3A_1441 = arith.minimumf %min3A_1440, %max3A_1439 : vector<1x2048xf32>
    %mul3A_1442 = arith.constant 5.000000e-01 : f32
    %mul3A_1443 = vector.broadcast %mul3A_1442 : f32 to vector<1x2048xf32>
    %mul3A_1444 = arith.mulf %mul3A_1443, %mul3A_1411 : vector<1x2048xf32>
    %add3A_1445 = arith.addf %add3A_1407, %mul3A_1444 : vector<1x2048xf32>
    %jit3A_1446 = arith.constant 0.000000e+00 : f32
    %jit3A_1447 = arith.constant 8.000000e+02 : f32
    %max3A_1448 = vector.broadcast %jit3A_1446 : f32 to vector<1x2048xf32>
    %max3A_1449 = arith.maximumf %max3A_1448, %add3A_1445 : vector<1x2048xf32>
    %min3A_1450 = vector.broadcast %jit3A_1447 : f32 to vector<1x2048xf32>
    %min3A_1451 = arith.minimumf %min3A_1450, %max3A_1449 : vector<1x2048xf32>
    %sub3A_1452 = arith.subf %min3A_1441, %min3A_1421 : vector<1x2048xf32>
    %sub3A_1453 = arith.subf %min3A_1451, %min3A_1431 : vector<1x2048xf32>
    %slice3A_1454 = vector.extract_strided_slice %div3A_6 {offsets = [14, 0], sizes = [1, 2048], strides = [1, 1]} : vector<21x2048xf32> to vector<1x2048xf32>
    %ge3A_1455 = arith.constant 5.000000e-02 : f32
    %ge3A_1456 = vector.broadcast %ge3A_1455 : f32 to vector<1x2048xf32>
    %ge3A_1457 = arith.cmpf oge, %slice3A_1454, %ge3A_1456 : vector<1x2048xf32>
    %ge3A_1458 = arith.constant 1.000000e+00 : f32
    %ge3A_1459 = vector.broadcast %ge3A_1458 : f32 to vector<1x2048xf32>
    %ge3A_1460 = arith.cmpf oge, %sub3A_1452, %ge3A_1459 : vector<1x2048xf32>
    %and3A_1461 = arith.andi %ge3A_1457, %ge3A_1460 : vector<1x2048xi1>
    %ge3A_1462 = arith.constant 1.000000e+00 : f32
    %ge3A_1463 = vector.broadcast %ge3A_1462 : f32 to vector<1x2048xf32>
    %ge3A_1464 = arith.cmpf oge, %sub3A_1453, %ge3A_1463 : vector<1x2048xf32>
    %and3A_1465 = arith.andi %and3A_1461, %ge3A_1464 : vector<1x2048xi1>
    %jit3A_1466 = arith.constant -1.000000e+00 : f32
    %broadcast_in_dim3A_1467 = vector.broadcast %jit3A_1466 : f32 to vector<1x2048xf32>
    %select_n3A_1468 = arith.select %and3A_1465, %slice3A_1454, %broadcast_in_dim3A_1467 : vector<1x2048xi1>, vector<1x2048xf32>
    %squeeze3A_1469 = vector.shape_cast %select_n3A_1468 : vector<1x2048xf32> to vector<2048xf32>
    %swap3A_1470 = arith.constant 13 : index
    %swap3A_1471 = arith.constant 0 : index
    %swap3A_1472 = vector.load %arg4[%swap3A_1470, %swap3A_1471] : memref<20x2048xf32, #tpu.memory_space<vmem>>, vector<1x2048xf32>
    %swap3A_1473 = vector.shape_cast %swap3A_1472 : vector<1x2048xf32> to vector<2048xf32>
    %swap3A_1474 = vector.shape_cast %squeeze3A_1469 : vector<2048xf32> to vector<1x2048xf32>
    tpu.vector_store %arg4[%swap3A_1470, %swap3A_1471], %swap3A_1474 {strides = array<i32>} : memref<20x2048xf32, #tpu.memory_space<vmem>>, vector<1x2048xf32>,
    %concatenate3A_1475 = tpu.concatenate %min3A_1421, %min3A_1431, %min3A_1441, %min3A_1451 in 0 : vector<1x2048xf32>, vector<1x2048xf32>, vector<1x2048xf32>, vector<1x2048xf32> -> vector<4x2048xf32>
    %swap3A_1476 = arith.constant 13 : index
    %swap3A_1477 = arith.constant 0 : index
    %swap3A_1478 = arith.constant 0 : index
    %swap3A_1479 = vector.load %arg5[%swap3A_1476, %swap3A_1477, %swap3A_1478] : memref<20x4x2048xf32, #tpu.memory_space<vmem>>, vector<1x4x2048xf32>
    %swap3A_1480 = vector.shape_cast %swap3A_1479 : vector<1x4x2048xf32> to vector<4x2048xf32>
    %swap3A_1481 = vector.shape_cast %concatenate3A_1475 : vector<4x2048xf32> to vector<1x4x2048xf32>
    tpu.vector_store %arg5[%swap3A_1476, %swap3A_1477, %swap3A_1478], %swap3A_1481 {strides = array<i32>} : memref<20x4x2048xf32, #tpu.memory_space<vmem>>, vector<1x4x2048xf32>,
    %get3A_1482 = arith.constant 15 : index
    %get3A_1483 = arith.constant 0 : index
    %get3A_1484 = arith.constant 0 : index
    %get3A_1485 = vector.load %arg2[%get3A_1482, %get3A_1483, %get3A_1484] : memref<21x4x2048xf32, #tpu.memory_space<vmem>>, vector<1x4x2048xf32>
    %get3A_1486 = vector.shape_cast %get3A_1485 : vector<1x4x2048xf32> to vector<4x2048xf32>
    %slice3A_1487 = vector.extract_strided_slice %get3A_1486 {offsets = [0, 0], sizes = [1, 2048], strides = [1, 1]} : vector<4x2048xf32> to vector<1x2048xf32>
    %div3A_1488 = arith.constant 1.000000e+01 : f32
    %div3A_1489 = vector.broadcast %div3A_1488 : f32 to vector<1x2048xf32>
    %div3A_1490 = arith.divf %slice3A_1487, %div3A_1489 : vector<1x2048xf32>
    %slice3A_1491 = vector.extract_strided_slice %get3A_1486 {offsets = [1, 0], sizes = [1, 2048], strides = [1, 1]} : vector<4x2048xf32> to vector<1x2048xf32>
    %div3A_1492 = arith.constant 1.000000e+01 : f32
    %div3A_1493 = vector.broadcast %div3A_1492 : f32 to vector<1x2048xf32>
    %div3A_1494 = arith.divf %slice3A_1491, %div3A_1493 : vector<1x2048xf32>
    %slice3A_1495 = vector.extract_strided_slice %get3A_1486 {offsets = [2, 0], sizes = [1, 2048], strides = [1, 1]} : vector<4x2048xf32> to vector<1x2048xf32>
    %div3A_1496 = arith.constant 5.000000e+00 : f32
    %div3A_1497 = vector.broadcast %div3A_1496 : f32 to vector<1x2048xf32>
    %div3A_1498 = arith.divf %slice3A_1495, %div3A_1497 : vector<1x2048xf32>
    %min3A_1499 = arith.constant 4.13516665 : f32
    %min3A_1500 = vector.broadcast %min3A_1499 : f32 to vector<1x2048xf32>
    %min3A_1501 = arith.minimumf %div3A_1498, %min3A_1500 : vector<1x2048xf32>
    %slice3A_1502 = vector.extract_strided_slice %get3A_1486 {offsets = [3, 0], sizes = [1, 2048], strides = [1, 1]} : vector<4x2048xf32> to vector<1x2048xf32>
    %div3A_1503 = arith.constant 5.000000e+00 : f32
    %div3A_1504 = vector.broadcast %div3A_1503 : f32 to vector<1x2048xf32>
    %div3A_1505 = arith.divf %slice3A_1502, %div3A_1504 : vector<1x2048xf32>
    %min3A_1506 = arith.constant 4.13516665 : f32
    %min3A_1507 = vector.broadcast %min3A_1506 : f32 to vector<1x2048xf32>
    %min3A_1508 = arith.minimumf %div3A_1505, %min3A_1507 : vector<1x2048xf32>
    %mul3A_1509 = arith.mulf %div3A_1490, %sub3A_13 : vector<1x2048xf32>
    %add3A_1510 = arith.addf %mul3A_1509, %add3A : vector<1x2048xf32>
    %mul3A_1511 = arith.mulf %div3A_1494, %sub3A_14 : vector<1x2048xf32>
    %add3A_1512 = arith.addf %mul3A_1511, %add3A_20 : vector<1x2048xf32>
    %exp3A_1513 = math.exp %min3A_1501 : vector<1x2048xf32>
    %mul3A_1514 = arith.mulf %exp3A_1513, %sub3A_13 : vector<1x2048xf32>
    %exp3A_1515 = math.exp %min3A_1508 : vector<1x2048xf32>
    %mul3A_1516 = arith.mulf %exp3A_1515, %sub3A_14 : vector<1x2048xf32>
    %mul3A_1517 = arith.constant 5.000000e-01 : f32
    %mul3A_1518 = vector.broadcast %mul3A_1517 : f32 to vector<1x2048xf32>
    %mul3A_1519 = arith.mulf %mul3A_1518, %mul3A_1514 : vector<1x2048xf32>
    %sub3A_1520 = arith.subf %add3A_1510, %mul3A_1519 : vector<1x2048xf32>
    %jit3A_1521 = arith.constant 0.000000e+00 : f32
    %jit3A_1522 = arith.constant 1.216000e+03 : f32
    %max3A_1523 = vector.broadcast %jit3A_1521 : f32 to vector<1x2048xf32>
    %max3A_1524 = arith.maximumf %max3A_1523, %sub3A_1520 : vector<1x2048xf32>
    %min3A_1525 = vector.broadcast %jit3A_1522 : f32 to vector<1x2048xf32>
    %min3A_1526 = arith.minimumf %min3A_1525, %max3A_1524 : vector<1x2048xf32>
    %mul3A_1527 = arith.constant 5.000000e-01 : f32
    %mul3A_1528 = vector.broadcast %mul3A_1527 : f32 to vector<1x2048xf32>
    %mul3A_1529 = arith.mulf %mul3A_1528, %mul3A_1516 : vector<1x2048xf32>
    %sub3A_1530 = arith.subf %add3A_1512, %mul3A_1529 : vector<1x2048xf32>
    %jit3A_1531 = arith.constant 0.000000e+00 : f32
    %jit3A_1532 = arith.constant 8.000000e+02 : f32
    %max3A_1533 = vector.broadcast %jit3A_1531 : f32 to vector<1x2048xf32>
    %max3A_1534 = arith.maximumf %max3A_1533, %sub3A_1530 : vector<1x2048xf32>
    %min3A_1535 = vector.broadcast %jit3A_1532 : f32 to vector<1x2048xf32>
    %min3A_1536 = arith.minimumf %min3A_1535, %max3A_1534 : vector<1x2048xf32>
    %mul3A_1537 = arith.constant 5.000000e-01 : f32
    %mul3A_1538 = vector.broadcast %mul3A_1537 : f32 to vector<1x2048xf32>
    %mul3A_1539 = arith.mulf %mul3A_1538, %mul3A_1514 : vector<1x2048xf32>
    %add3A_1540 = arith.addf %add3A_1510, %mul3A_1539 : vector<1x2048xf32>
    %jit3A_1541 = arith.constant 0.000000e+00 : f32
    %jit3A_1542 = arith.constant 1.216000e+03 : f32
    %max3A_1543 = vector.broadcast %jit3A_1541 : f32 to vector<1x2048xf32>
    %max3A_1544 = arith.maximumf %max3A_1543, %add3A_1540 : vector<1x2048xf32>
    %min3A_1545 = vector.broadcast %jit3A_1542 : f32 to vector<1x2048xf32>
    %min3A_1546 = arith.minimumf %min3A_1545, %max3A_1544 : vector<1x2048xf32>
    %mul3A_1547 = arith.constant 5.000000e-01 : f32
    %mul3A_1548 = vector.broadcast %mul3A_1547 : f32 to vector<1x2048xf32>
    %mul3A_1549 = arith.mulf %mul3A_1548, %mul3A_1516 : vector<1x2048xf32>
    %add3A_1550 = arith.addf %add3A_1512, %mul3A_1549 : vector<1x2048xf32>
    %jit3A_1551 = arith.constant 0.000000e+00 : f32
    %jit3A_1552 = arith.constant 8.000000e+02 : f32
    %max3A_1553 = vector.broadcast %jit3A_1551 : f32 to vector<1x2048xf32>
    %max3A_1554 = arith.maximumf %max3A_1553, %add3A_1550 : vector<1x2048xf32>
    %min3A_1555 = vector.broadcast %jit3A_1552 : f32 to vector<1x2048xf32>
    %min3A_1556 = arith.minimumf %min3A_1555, %max3A_1554 : vector<1x2048xf32>
    %sub3A_1557 = arith.subf %min3A_1546, %min3A_1526 : vector<1x2048xf32>
    %sub3A_1558 = arith.subf %min3A_1556, %min3A_1536 : vector<1x2048xf32>
    %slice3A_1559 = vector.extract_strided_slice %div3A_6 {offsets = [15, 0], sizes = [1, 2048], strides = [1, 1]} : vector<21x2048xf32> to vector<1x2048xf32>
    %ge3A_1560 = arith.constant 5.000000e-02 : f32
    %ge3A_1561 = vector.broadcast %ge3A_1560 : f32 to vector<1x2048xf32>
    %ge3A_1562 = arith.cmpf oge, %slice3A_1559, %ge3A_1561 : vector<1x2048xf32>
    %ge3A_1563 = arith.constant 1.000000e+00 : f32
    %ge3A_1564 = vector.broadcast %ge3A_1563 : f32 to vector<1x2048xf32>
    %ge3A_1565 = arith.cmpf oge, %sub3A_1557, %ge3A_1564 : vector<1x2048xf32>
    %and3A_1566 = arith.andi %ge3A_1562, %ge3A_1565 : vector<1x2048xi1>
    %ge3A_1567 = arith.constant 1.000000e+00 : f32
    %ge3A_1568 = vector.broadcast %ge3A_1567 : f32 to vector<1x2048xf32>
    %ge3A_1569 = arith.cmpf oge, %sub3A_1558, %ge3A_1568 : vector<1x2048xf32>
    %and3A_1570 = arith.andi %and3A_1566, %ge3A_1569 : vector<1x2048xi1>
    %jit3A_1571 = arith.constant -1.000000e+00 : f32
    %broadcast_in_dim3A_1572 = vector.broadcast %jit3A_1571 : f32 to vector<1x2048xf32>
    %select_n3A_1573 = arith.select %and3A_1570, %slice3A_1559, %broadcast_in_dim3A_1572 : vector<1x2048xi1>, vector<1x2048xf32>
    %squeeze3A_1574 = vector.shape_cast %select_n3A_1573 : vector<1x2048xf32> to vector<2048xf32>
    %swap3A_1575 = arith.constant 14 : index
    %swap3A_1576 = arith.constant 0 : index
    %swap3A_1577 = vector.load %arg4[%swap3A_1575, %swap3A_1576] : memref<20x2048xf32, #tpu.memory_space<vmem>>, vector<1x2048xf32>
    %swap3A_1578 = vector.shape_cast %swap3A_1577 : vector<1x2048xf32> to vector<2048xf32>
    %swap3A_1579 = vector.shape_cast %squeeze3A_1574 : vector<2048xf32> to vector<1x2048xf32>
    tpu.vector_store %arg4[%swap3A_1575, %swap3A_1576], %swap3A_1579 {strides = array<i32>} : memref<20x2048xf32, #tpu.memory_space<vmem>>, vector<1x2048xf32>,
    %concatenate3A_1580 = tpu.concatenate %min3A_1526, %min3A_1536, %min3A_1546, %min3A_1556 in 0 : vector<1x2048xf32>, vector<1x2048xf32>, vector<1x2048xf32>, vector<1x2048xf32> -> vector<4x2048xf32>
    %swap3A_1581 = arith.constant 14 : index
    %swap3A_1582 = arith.constant 0 : index
    %swap3A_1583 = arith.constant 0 : index
    %swap3A_1584 = vector.load %arg5[%swap3A_1581, %swap3A_1582, %swap3A_1583] : memref<20x4x2048xf32, #tpu.memory_space<vmem>>, vector<1x4x2048xf32>
    %swap3A_1585 = vector.shape_cast %swap3A_1584 : vector<1x4x2048xf32> to vector<4x2048xf32>
    %swap3A_1586 = vector.shape_cast %concatenate3A_1580 : vector<4x2048xf32> to vector<1x4x2048xf32>
    tpu.vector_store %arg5[%swap3A_1581, %swap3A_1582, %swap3A_1583], %swap3A_1586 {strides = array<i32>} : memref<20x4x2048xf32, #tpu.memory_space<vmem>>, vector<1x4x2048xf32>,
    %get3A_1587 = arith.constant 16 : index
    %get3A_1588 = arith.constant 0 : index
    %get3A_1589 = arith.constant 0 : index
    %get3A_1590 = vector.load %arg2[%get3A_1587, %get3A_1588, %get3A_1589] : memref<21x4x2048xf32, #tpu.memory_space<vmem>>, vector<1x4x2048xf32>
    %get3A_1591 = vector.shape_cast %get3A_1590 : vector<1x4x2048xf32> to vector<4x2048xf32>
    %slice3A_1592 = vector.extract_strided_slice %get3A_1591 {offsets = [0, 0], sizes = [1, 2048], strides = [1, 1]} : vector<4x2048xf32> to vector<1x2048xf32>
    %div3A_1593 = arith.constant 1.000000e+01 : f32
    %div3A_1594 = vector.broadcast %div3A_1593 : f32 to vector<1x2048xf32>
    %div3A_1595 = arith.divf %slice3A_1592, %div3A_1594 : vector<1x2048xf32>
    %slice3A_1596 = vector.extract_strided_slice %get3A_1591 {offsets = [1, 0], sizes = [1, 2048], strides = [1, 1]} : vector<4x2048xf32> to vector<1x2048xf32>
    %div3A_1597 = arith.constant 1.000000e+01 : f32
    %div3A_1598 = vector.broadcast %div3A_1597 : f32 to vector<1x2048xf32>
    %div3A_1599 = arith.divf %slice3A_1596, %div3A_1598 : vector<1x2048xf32>
    %slice3A_1600 = vector.extract_strided_slice %get3A_1591 {offsets = [2, 0], sizes = [1, 2048], strides = [1, 1]} : vector<4x2048xf32> to vector<1x2048xf32>
    %div3A_1601 = arith.constant 5.000000e+00 : f32
    %div3A_1602 = vector.broadcast %div3A_1601 : f32 to vector<1x2048xf32>
    %div3A_1603 = arith.divf %slice3A_1600, %div3A_1602 : vector<1x2048xf32>
    %min3A_1604 = arith.constant 4.13516665 : f32
    %min3A_1605 = vector.broadcast %min3A_1604 : f32 to vector<1x2048xf32>
    %min3A_1606 = arith.minimumf %div3A_1603, %min3A_1605 : vector<1x2048xf32>
    %slice3A_1607 = vector.extract_strided_slice %get3A_1591 {offsets = [3, 0], sizes = [1, 2048], strides = [1, 1]} : vector<4x2048xf32> to vector<1x2048xf32>
    %div3A_1608 = arith.constant 5.000000e+00 : f32
    %div3A_1609 = vector.broadcast %div3A_1608 : f32 to vector<1x2048xf32>
    %div3A_1610 = arith.divf %slice3A_1607, %div3A_1609 : vector<1x2048xf32>
    %min3A_1611 = arith.constant 4.13516665 : f32
    %min3A_1612 = vector.broadcast %min3A_1611 : f32 to vector<1x2048xf32>
    %min3A_1613 = arith.minimumf %div3A_1610, %min3A_1612 : vector<1x2048xf32>
    %mul3A_1614 = arith.mulf %div3A_1595, %sub3A_13 : vector<1x2048xf32>
    %add3A_1615 = arith.addf %mul3A_1614, %add3A : vector<1x2048xf32>
    %mul3A_1616 = arith.mulf %div3A_1599, %sub3A_14 : vector<1x2048xf32>
    %add3A_1617 = arith.addf %mul3A_1616, %add3A_20 : vector<1x2048xf32>
    %exp3A_1618 = math.exp %min3A_1606 : vector<1x2048xf32>
    %mul3A_1619 = arith.mulf %exp3A_1618, %sub3A_13 : vector<1x2048xf32>
    %exp3A_1620 = math.exp %min3A_1613 : vector<1x2048xf32>
    %mul3A_1621 = arith.mulf %exp3A_1620, %sub3A_14 : vector<1x2048xf32>
    %mul3A_1622 = arith.constant 5.000000e-01 : f32
    %mul3A_1623 = vector.broadcast %mul3A_1622 : f32 to vector<1x2048xf32>
    %mul3A_1624 = arith.mulf %mul3A_1623, %mul3A_1619 : vector<1x2048xf32>
    %sub3A_1625 = arith.subf %add3A_1615, %mul3A_1624 : vector<1x2048xf32>
    %jit3A_1626 = arith.constant 0.000000e+00 : f32
    %jit3A_1627 = arith.constant 1.216000e+03 : f32
    %max3A_1628 = vector.broadcast %jit3A_1626 : f32 to vector<1x2048xf32>
    %max3A_1629 = arith.maximumf %max3A_1628, %sub3A_1625 : vector<1x2048xf32>
    %min3A_1630 = vector.broadcast %jit3A_1627 : f32 to vector<1x2048xf32>
    %min3A_1631 = arith.minimumf %min3A_1630, %max3A_1629 : vector<1x2048xf32>
    %mul3A_1632 = arith.constant 5.000000e-01 : f32
    %mul3A_1633 = vector.broadcast %mul3A_1632 : f32 to vector<1x2048xf32>
    %mul3A_1634 = arith.mulf %mul3A_1633, %mul3A_1621 : vector<1x2048xf32>
    %sub3A_1635 = arith.subf %add3A_1617, %mul3A_1634 : vector<1x2048xf32>
    %jit3A_1636 = arith.constant 0.000000e+00 : f32
    %jit3A_1637 = arith.constant 8.000000e+02 : f32
    %max3A_1638 = vector.broadcast %jit3A_1636 : f32 to vector<1x2048xf32>
    %max3A_1639 = arith.maximumf %max3A_1638, %sub3A_1635 : vector<1x2048xf32>
    %min3A_1640 = vector.broadcast %jit3A_1637 : f32 to vector<1x2048xf32>
    %min3A_1641 = arith.minimumf %min3A_1640, %max3A_1639 : vector<1x2048xf32>
    %mul3A_1642 = arith.constant 5.000000e-01 : f32
    %mul3A_1643 = vector.broadcast %mul3A_1642 : f32 to vector<1x2048xf32>
    %mul3A_1644 = arith.mulf %mul3A_1643, %mul3A_1619 : vector<1x2048xf32>
    %add3A_1645 = arith.addf %add3A_1615, %mul3A_1644 : vector<1x2048xf32>
    %jit3A_1646 = arith.constant 0.000000e+00 : f32
    %jit3A_1647 = arith.constant 1.216000e+03 : f32
    %max3A_1648 = vector.broadcast %jit3A_1646 : f32 to vector<1x2048xf32>
    %max3A_1649 = arith.maximumf %max3A_1648, %add3A_1645 : vector<1x2048xf32>
    %min3A_1650 = vector.broadcast %jit3A_1647 : f32 to vector<1x2048xf32>
    %min3A_1651 = arith.minimumf %min3A_1650, %max3A_1649 : vector<1x2048xf32>
    %mul3A_1652 = arith.constant 5.000000e-01 : f32
    %mul3A_1653 = vector.broadcast %mul3A_1652 : f32 to vector<1x2048xf32>
    %mul3A_1654 = arith.mulf %mul3A_1653, %mul3A_1621 : vector<1x2048xf32>
    %add3A_1655 = arith.addf %add3A_1617, %mul3A_1654 : vector<1x2048xf32>
    %jit3A_1656 = arith.constant 0.000000e+00 : f32
    %jit3A_1657 = arith.constant 8.000000e+02 : f32
    %max3A_1658 = vector.broadcast %jit3A_1656 : f32 to vector<1x2048xf32>
    %max3A_1659 = arith.maximumf %max3A_1658, %add3A_1655 : vector<1x2048xf32>
    %min3A_1660 = vector.broadcast %jit3A_1657 : f32 to vector<1x2048xf32>
    %min3A_1661 = arith.minimumf %min3A_1660, %max3A_1659 : vector<1x2048xf32>
    %sub3A_1662 = arith.subf %min3A_1651, %min3A_1631 : vector<1x2048xf32>
    %sub3A_1663 = arith.subf %min3A_1661, %min3A_1641 : vector<1x2048xf32>
    %slice3A_1664 = vector.extract_strided_slice %div3A_6 {offsets = [16, 0], sizes = [1, 2048], strides = [1, 1]} : vector<21x2048xf32> to vector<1x2048xf32>
    %ge3A_1665 = arith.constant 5.000000e-02 : f32
    %ge3A_1666 = vector.broadcast %ge3A_1665 : f32 to vector<1x2048xf32>
    %ge3A_1667 = arith.cmpf oge, %slice3A_1664, %ge3A_1666 : vector<1x2048xf32>
    %ge3A_1668 = arith.constant 1.000000e+00 : f32
    %ge3A_1669 = vector.broadcast %ge3A_1668 : f32 to vector<1x2048xf32>
    %ge3A_1670 = arith.cmpf oge, %sub3A_1662, %ge3A_1669 : vector<1x2048xf32>
    %and3A_1671 = arith.andi %ge3A_1667, %ge3A_1670 : vector<1x2048xi1>
    %ge3A_1672 = arith.constant 1.000000e+00 : f32
    %ge3A_1673 = vector.broadcast %ge3A_1672 : f32 to vector<1x2048xf32>
    %ge3A_1674 = arith.cmpf oge, %sub3A_1663, %ge3A_1673 : vector<1x2048xf32>
    %and3A_1675 = arith.andi %and3A_1671, %ge3A_1674 : vector<1x2048xi1>
    %jit3A_1676 = arith.constant -1.000000e+00 : f32
    %broadcast_in_dim3A_1677 = vector.broadcast %jit3A_1676 : f32 to vector<1x2048xf32>
    %select_n3A_1678 = arith.select %and3A_1675, %slice3A_1664, %broadcast_in_dim3A_1677 : vector<1x2048xi1>, vector<1x2048xf32>
    %squeeze3A_1679 = vector.shape_cast %select_n3A_1678 : vector<1x2048xf32> to vector<2048xf32>
    %swap3A_1680 = arith.constant 15 : index
    %swap3A_1681 = arith.constant 0 : index
    %swap3A_1682 = vector.load %arg4[%swap3A_1680, %swap3A_1681] : memref<20x2048xf32, #tpu.memory_space<vmem>>, vector<1x2048xf32>
    %swap3A_1683 = vector.shape_cast %swap3A_1682 : vector<1x2048xf32> to vector<2048xf32>
    %swap3A_1684 = vector.shape_cast %squeeze3A_1679 : vector<2048xf32> to vector<1x2048xf32>
    tpu.vector_store %arg4[%swap3A_1680, %swap3A_1681], %swap3A_1684 {strides = array<i32>} : memref<20x2048xf32, #tpu.memory_space<vmem>>, vector<1x2048xf32>,
    %concatenate3A_1685 = tpu.concatenate %min3A_1631, %min3A_1641, %min3A_1651, %min3A_1661 in 0 : vector<1x2048xf32>, vector<1x2048xf32>, vector<1x2048xf32>, vector<1x2048xf32> -> vector<4x2048xf32>
    %swap3A_1686 = arith.constant 15 : index
    %swap3A_1687 = arith.constant 0 : index
    %swap3A_1688 = arith.constant 0 : index
    %swap3A_1689 = vector.load %arg5[%swap3A_1686, %swap3A_1687, %swap3A_1688] : memref<20x4x2048xf32, #tpu.memory_space<vmem>>, vector<1x4x2048xf32>
    %swap3A_1690 = vector.shape_cast %swap3A_1689 : vector<1x4x2048xf32> to vector<4x2048xf32>
    %swap3A_1691 = vector.shape_cast %concatenate3A_1685 : vector<4x2048xf32> to vector<1x4x2048xf32>
    tpu.vector_store %arg5[%swap3A_1686, %swap3A_1687, %swap3A_1688], %swap3A_1691 {strides = array<i32>} : memref<20x4x2048xf32, #tpu.memory_space<vmem>>, vector<1x4x2048xf32>,
    %get3A_1692 = arith.constant 17 : index
    %get3A_1693 = arith.constant 0 : index
    %get3A_1694 = arith.constant 0 : index
    %get3A_1695 = vector.load %arg2[%get3A_1692, %get3A_1693, %get3A_1694] : memref<21x4x2048xf32, #tpu.memory_space<vmem>>, vector<1x4x2048xf32>
    %get3A_1696 = vector.shape_cast %get3A_1695 : vector<1x4x2048xf32> to vector<4x2048xf32>
    %slice3A_1697 = vector.extract_strided_slice %get3A_1696 {offsets = [0, 0], sizes = [1, 2048], strides = [1, 1]} : vector<4x2048xf32> to vector<1x2048xf32>
    %div3A_1698 = arith.constant 1.000000e+01 : f32
    %div3A_1699 = vector.broadcast %div3A_1698 : f32 to vector<1x2048xf32>
    %div3A_1700 = arith.divf %slice3A_1697, %div3A_1699 : vector<1x2048xf32>
    %slice3A_1701 = vector.extract_strided_slice %get3A_1696 {offsets = [1, 0], sizes = [1, 2048], strides = [1, 1]} : vector<4x2048xf32> to vector<1x2048xf32>
    %div3A_1702 = arith.constant 1.000000e+01 : f32
    %div3A_1703 = vector.broadcast %div3A_1702 : f32 to vector<1x2048xf32>
    %div3A_1704 = arith.divf %slice3A_1701, %div3A_1703 : vector<1x2048xf32>
    %slice3A_1705 = vector.extract_strided_slice %get3A_1696 {offsets = [2, 0], sizes = [1, 2048], strides = [1, 1]} : vector<4x2048xf32> to vector<1x2048xf32>
    %div3A_1706 = arith.constant 5.000000e+00 : f32
    %div3A_1707 = vector.broadcast %div3A_1706 : f32 to vector<1x2048xf32>
    %div3A_1708 = arith.divf %slice3A_1705, %div3A_1707 : vector<1x2048xf32>
    %min3A_1709 = arith.constant 4.13516665 : f32
    %min3A_1710 = vector.broadcast %min3A_1709 : f32 to vector<1x2048xf32>
    %min3A_1711 = arith.minimumf %div3A_1708, %min3A_1710 : vector<1x2048xf32>
    %slice3A_1712 = vector.extract_strided_slice %get3A_1696 {offsets = [3, 0], sizes = [1, 2048], strides = [1, 1]} : vector<4x2048xf32> to vector<1x2048xf32>
    %div3A_1713 = arith.constant 5.000000e+00 : f32
    %div3A_1714 = vector.broadcast %div3A_1713 : f32 to vector<1x2048xf32>
    %div3A_1715 = arith.divf %slice3A_1712, %div3A_1714 : vector<1x2048xf32>
    %min3A_1716 = arith.constant 4.13516665 : f32
    %min3A_1717 = vector.broadcast %min3A_1716 : f32 to vector<1x2048xf32>
    %min3A_1718 = arith.minimumf %div3A_1715, %min3A_1717 : vector<1x2048xf32>
    %mul3A_1719 = arith.mulf %div3A_1700, %sub3A_13 : vector<1x2048xf32>
    %add3A_1720 = arith.addf %mul3A_1719, %add3A : vector<1x2048xf32>
    %mul3A_1721 = arith.mulf %div3A_1704, %sub3A_14 : vector<1x2048xf32>
    %add3A_1722 = arith.addf %mul3A_1721, %add3A_20 : vector<1x2048xf32>
    %exp3A_1723 = math.exp %min3A_1711 : vector<1x2048xf32>
    %mul3A_1724 = arith.mulf %exp3A_1723, %sub3A_13 : vector<1x2048xf32>
    %exp3A_1725 = math.exp %min3A_1718 : vector<1x2048xf32>
    %mul3A_1726 = arith.mulf %exp3A_1725, %sub3A_14 : vector<1x2048xf32>
    %mul3A_1727 = arith.constant 5.000000e-01 : f32
    %mul3A_1728 = vector.broadcast %mul3A_1727 : f32 to vector<1x2048xf32>
    %mul3A_1729 = arith.mulf %mul3A_1728, %mul3A_1724 : vector<1x2048xf32>
    %sub3A_1730 = arith.subf %add3A_1720, %mul3A_1729 : vector<1x2048xf32>
    %jit3A_1731 = arith.constant 0.000000e+00 : f32
    %jit3A_1732 = arith.constant 1.216000e+03 : f32
    %max3A_1733 = vector.broadcast %jit3A_1731 : f32 to vector<1x2048xf32>
    %max3A_1734 = arith.maximumf %max3A_1733, %sub3A_1730 : vector<1x2048xf32>
    %min3A_1735 = vector.broadcast %jit3A_1732 : f32 to vector<1x2048xf32>
    %min3A_1736 = arith.minimumf %min3A_1735, %max3A_1734 : vector<1x2048xf32>
    %mul3A_1737 = arith.constant 5.000000e-01 : f32
    %mul3A_1738 = vector.broadcast %mul3A_1737 : f32 to vector<1x2048xf32>
    %mul3A_1739 = arith.mulf %mul3A_1738, %mul3A_1726 : vector<1x2048xf32>
    %sub3A_1740 = arith.subf %add3A_1722, %mul3A_1739 : vector<1x2048xf32>
    %jit3A_1741 = arith.constant 0.000000e+00 : f32
    %jit3A_1742 = arith.constant 8.000000e+02 : f32
    %max3A_1743 = vector.broadcast %jit3A_1741 : f32 to vector<1x2048xf32>
    %max3A_1744 = arith.maximumf %max3A_1743, %sub3A_1740 : vector<1x2048xf32>
    %min3A_1745 = vector.broadcast %jit3A_1742 : f32 to vector<1x2048xf32>
    %min3A_1746 = arith.minimumf %min3A_1745, %max3A_1744 : vector<1x2048xf32>
    %mul3A_1747 = arith.constant 5.000000e-01 : f32
    %mul3A_1748 = vector.broadcast %mul3A_1747 : f32 to vector<1x2048xf32>
    %mul3A_1749 = arith.mulf %mul3A_1748, %mul3A_1724 : vector<1x2048xf32>
    %add3A_1750 = arith.addf %add3A_1720, %mul3A_1749 : vector<1x2048xf32>
    %jit3A_1751 = arith.constant 0.000000e+00 : f32
    %jit3A_1752 = arith.constant 1.216000e+03 : f32
    %max3A_1753 = vector.broadcast %jit3A_1751 : f32 to vector<1x2048xf32>
    %max3A_1754 = arith.maximumf %max3A_1753, %add3A_1750 : vector<1x2048xf32>
    %min3A_1755 = vector.broadcast %jit3A_1752 : f32 to vector<1x2048xf32>
    %min3A_1756 = arith.minimumf %min3A_1755, %max3A_1754 : vector<1x2048xf32>
    %mul3A_1757 = arith.constant 5.000000e-01 : f32
    %mul3A_1758 = vector.broadcast %mul3A_1757 : f32 to vector<1x2048xf32>
    %mul3A_1759 = arith.mulf %mul3A_1758, %mul3A_1726 : vector<1x2048xf32>
    %add3A_1760 = arith.addf %add3A_1722, %mul3A_1759 : vector<1x2048xf32>
    %jit3A_1761 = arith.constant 0.000000e+00 : f32
    %jit3A_1762 = arith.constant 8.000000e+02 : f32
    %max3A_1763 = vector.broadcast %jit3A_1761 : f32 to vector<1x2048xf32>
    %max3A_1764 = arith.maximumf %max3A_1763, %add3A_1760 : vector<1x2048xf32>
    %min3A_1765 = vector.broadcast %jit3A_1762 : f32 to vector<1x2048xf32>
    %min3A_1766 = arith.minimumf %min3A_1765, %max3A_1764 : vector<1x2048xf32>
    %sub3A_1767 = arith.subf %min3A_1756, %min3A_1736 : vector<1x2048xf32>
    %sub3A_1768 = arith.subf %min3A_1766, %min3A_1746 : vector<1x2048xf32>
    %slice3A_1769 = vector.extract_strided_slice %div3A_6 {offsets = [17, 0], sizes = [1, 2048], strides = [1, 1]} : vector<21x2048xf32> to vector<1x2048xf32>
    %ge3A_1770 = arith.constant 5.000000e-02 : f32
    %ge3A_1771 = vector.broadcast %ge3A_1770 : f32 to vector<1x2048xf32>
    %ge3A_1772 = arith.cmpf oge, %slice3A_1769, %ge3A_1771 : vector<1x2048xf32>
    %ge3A_1773 = arith.constant 1.000000e+00 : f32
    %ge3A_1774 = vector.broadcast %ge3A_1773 : f32 to vector<1x2048xf32>
    %ge3A_1775 = arith.cmpf oge, %sub3A_1767, %ge3A_1774 : vector<1x2048xf32>
    %and3A_1776 = arith.andi %ge3A_1772, %ge3A_1775 : vector<1x2048xi1>
    %ge3A_1777 = arith.constant 1.000000e+00 : f32
    %ge3A_1778 = vector.broadcast %ge3A_1777 : f32 to vector<1x2048xf32>
    %ge3A_1779 = arith.cmpf oge, %sub3A_1768, %ge3A_1778 : vector<1x2048xf32>
    %and3A_1780 = arith.andi %and3A_1776, %ge3A_1779 : vector<1x2048xi1>
    %jit3A_1781 = arith.constant -1.000000e+00 : f32
    %broadcast_in_dim3A_1782 = vector.broadcast %jit3A_1781 : f32 to vector<1x2048xf32>
    %select_n3A_1783 = arith.select %and3A_1780, %slice3A_1769, %broadcast_in_dim3A_1782 : vector<1x2048xi1>, vector<1x2048xf32>
    %squeeze3A_1784 = vector.shape_cast %select_n3A_1783 : vector<1x2048xf32> to vector<2048xf32>
    %swap3A_1785 = arith.constant 16 : index
    %swap3A_1786 = arith.constant 0 : index
    %swap3A_1787 = vector.load %arg4[%swap3A_1785, %swap3A_1786] : memref<20x2048xf32, #tpu.memory_space<vmem>>, vector<1x2048xf32>
    %swap3A_1788 = vector.shape_cast %swap3A_1787 : vector<1x2048xf32> to vector<2048xf32>
    %swap3A_1789 = vector.shape_cast %squeeze3A_1784 : vector<2048xf32> to vector<1x2048xf32>
    tpu.vector_store %arg4[%swap3A_1785, %swap3A_1786], %swap3A_1789 {strides = array<i32>} : memref<20x2048xf32, #tpu.memory_space<vmem>>, vector<1x2048xf32>,
    %concatenate3A_1790 = tpu.concatenate %min3A_1736, %min3A_1746, %min3A_1756, %min3A_1766 in 0 : vector<1x2048xf32>, vector<1x2048xf32>, vector<1x2048xf32>, vector<1x2048xf32> -> vector<4x2048xf32>
    %swap3A_1791 = arith.constant 16 : index
    %swap3A_1792 = arith.constant 0 : index
    %swap3A_1793 = arith.constant 0 : index
    %swap3A_1794 = vector.load %arg5[%swap3A_1791, %swap3A_1792, %swap3A_1793] : memref<20x4x2048xf32, #tpu.memory_space<vmem>>, vector<1x4x2048xf32>
    %swap3A_1795 = vector.shape_cast %swap3A_1794 : vector<1x4x2048xf32> to vector<4x2048xf32>
    %swap3A_1796 = vector.shape_cast %concatenate3A_1790 : vector<4x2048xf32> to vector<1x4x2048xf32>
    tpu.vector_store %arg5[%swap3A_1791, %swap3A_1792, %swap3A_1793], %swap3A_1796 {strides = array<i32>} : memref<20x4x2048xf32, #tpu.memory_space<vmem>>, vector<1x4x2048xf32>,
    %get3A_1797 = arith.constant 18 : index
    %get3A_1798 = arith.constant 0 : index
    %get3A_1799 = arith.constant 0 : index
    %get3A_1800 = vector.load %arg2[%get3A_1797, %get3A_1798, %get3A_1799] : memref<21x4x2048xf32, #tpu.memory_space<vmem>>, vector<1x4x2048xf32>
    %get3A_1801 = vector.shape_cast %get3A_1800 : vector<1x4x2048xf32> to vector<4x2048xf32>
    %slice3A_1802 = vector.extract_strided_slice %get3A_1801 {offsets = [0, 0], sizes = [1, 2048], strides = [1, 1]} : vector<4x2048xf32> to vector<1x2048xf32>
    %div3A_1803 = arith.constant 1.000000e+01 : f32
    %div3A_1804 = vector.broadcast %div3A_1803 : f32 to vector<1x2048xf32>
    %div3A_1805 = arith.divf %slice3A_1802, %div3A_1804 : vector<1x2048xf32>
    %slice3A_1806 = vector.extract_strided_slice %get3A_1801 {offsets = [1, 0], sizes = [1, 2048], strides = [1, 1]} : vector<4x2048xf32> to vector<1x2048xf32>
    %div3A_1807 = arith.constant 1.000000e+01 : f32
    %div3A_1808 = vector.broadcast %div3A_1807 : f32 to vector<1x2048xf32>
    %div3A_1809 = arith.divf %slice3A_1806, %div3A_1808 : vector<1x2048xf32>
    %slice3A_1810 = vector.extract_strided_slice %get3A_1801 {offsets = [2, 0], sizes = [1, 2048], strides = [1, 1]} : vector<4x2048xf32> to vector<1x2048xf32>
    %div3A_1811 = arith.constant 5.000000e+00 : f32
    %div3A_1812 = vector.broadcast %div3A_1811 : f32 to vector<1x2048xf32>
    %div3A_1813 = arith.divf %slice3A_1810, %div3A_1812 : vector<1x2048xf32>
    %min3A_1814 = arith.constant 4.13516665 : f32
    %min3A_1815 = vector.broadcast %min3A_1814 : f32 to vector<1x2048xf32>
    %min3A_1816 = arith.minimumf %div3A_1813, %min3A_1815 : vector<1x2048xf32>
    %slice3A_1817 = vector.extract_strided_slice %get3A_1801 {offsets = [3, 0], sizes = [1, 2048], strides = [1, 1]} : vector<4x2048xf32> to vector<1x2048xf32>
    %div3A_1818 = arith.constant 5.000000e+00 : f32
    %div3A_1819 = vector.broadcast %div3A_1818 : f32 to vector<1x2048xf32>
    %div3A_1820 = arith.divf %slice3A_1817, %div3A_1819 : vector<1x2048xf32>
    %min3A_1821 = arith.constant 4.13516665 : f32
    %min3A_1822 = vector.broadcast %min3A_1821 : f32 to vector<1x2048xf32>
    %min3A_1823 = arith.minimumf %div3A_1820, %min3A_1822 : vector<1x2048xf32>
    %mul3A_1824 = arith.mulf %div3A_1805, %sub3A_13 : vector<1x2048xf32>
    %add3A_1825 = arith.addf %mul3A_1824, %add3A : vector<1x2048xf32>
    %mul3A_1826 = arith.mulf %div3A_1809, %sub3A_14 : vector<1x2048xf32>
    %add3A_1827 = arith.addf %mul3A_1826, %add3A_20 : vector<1x2048xf32>
    %exp3A_1828 = math.exp %min3A_1816 : vector<1x2048xf32>
    %mul3A_1829 = arith.mulf %exp3A_1828, %sub3A_13 : vector<1x2048xf32>
    %exp3A_1830 = math.exp %min3A_1823 : vector<1x2048xf32>
    %mul3A_1831 = arith.mulf %exp3A_1830, %sub3A_14 : vector<1x2048xf32>
    %mul3A_1832 = arith.constant 5.000000e-01 : f32
    %mul3A_1833 = vector.broadcast %mul3A_1832 : f32 to vector<1x2048xf32>
    %mul3A_1834 = arith.mulf %mul3A_1833, %mul3A_1829 : vector<1x2048xf32>
    %sub3A_1835 = arith.subf %add3A_1825, %mul3A_1834 : vector<1x2048xf32>
    %jit3A_1836 = arith.constant 0.000000e+00 : f32
    %jit3A_1837 = arith.constant 1.216000e+03 : f32
    %max3A_1838 = vector.broadcast %jit3A_1836 : f32 to vector<1x2048xf32>
    %max3A_1839 = arith.maximumf %max3A_1838, %sub3A_1835 : vector<1x2048xf32>
    %min3A_1840 = vector.broadcast %jit3A_1837 : f32 to vector<1x2048xf32>
    %min3A_1841 = arith.minimumf %min3A_1840, %max3A_1839 : vector<1x2048xf32>
    %mul3A_1842 = arith.constant 5.000000e-01 : f32
    %mul3A_1843 = vector.broadcast %mul3A_1842 : f32 to vector<1x2048xf32>
    %mul3A_1844 = arith.mulf %mul3A_1843, %mul3A_1831 : vector<1x2048xf32>
    %sub3A_1845 = arith.subf %add3A_1827, %mul3A_1844 : vector<1x2048xf32>
    %jit3A_1846 = arith.constant 0.000000e+00 : f32
    %jit3A_1847 = arith.constant 8.000000e+02 : f32
    %max3A_1848 = vector.broadcast %jit3A_1846 : f32 to vector<1x2048xf32>
    %max3A_1849 = arith.maximumf %max3A_1848, %sub3A_1845 : vector<1x2048xf32>
    %min3A_1850 = vector.broadcast %jit3A_1847 : f32 to vector<1x2048xf32>
    %min3A_1851 = arith.minimumf %min3A_1850, %max3A_1849 : vector<1x2048xf32>
    %mul3A_1852 = arith.constant 5.000000e-01 : f32
    %mul3A_1853 = vector.broadcast %mul3A_1852 : f32 to vector<1x2048xf32>
    %mul3A_1854 = arith.mulf %mul3A_1853, %mul3A_1829 : vector<1x2048xf32>
    %add3A_1855 = arith.addf %add3A_1825, %mul3A_1854 : vector<1x2048xf32>
    %jit3A_1856 = arith.constant 0.000000e+00 : f32
    %jit3A_1857 = arith.constant 1.216000e+03 : f32
    %max3A_1858 = vector.broadcast %jit3A_1856 : f32 to vector<1x2048xf32>
    %max3A_1859 = arith.maximumf %max3A_1858, %add3A_1855 : vector<1x2048xf32>
    %min3A_1860 = vector.broadcast %jit3A_1857 : f32 to vector<1x2048xf32>
    %min3A_1861 = arith.minimumf %min3A_1860, %max3A_1859 : vector<1x2048xf32>
    %mul3A_1862 = arith.constant 5.000000e-01 : f32
    %mul3A_1863 = vector.broadcast %mul3A_1862 : f32 to vector<1x2048xf32>
    %mul3A_1864 = arith.mulf %mul3A_1863, %mul3A_1831 : vector<1x2048xf32>
    %add3A_1865 = arith.addf %add3A_1827, %mul3A_1864 : vector<1x2048xf32>
    %jit3A_1866 = arith.constant 0.000000e+00 : f32
    %jit3A_1867 = arith.constant 8.000000e+02 : f32
    %max3A_1868 = vector.broadcast %jit3A_1866 : f32 to vector<1x2048xf32>
    %max3A_1869 = arith.maximumf %max3A_1868, %add3A_1865 : vector<1x2048xf32>
    %min3A_1870 = vector.broadcast %jit3A_1867 : f32 to vector<1x2048xf32>
    %min3A_1871 = arith.minimumf %min3A_1870, %max3A_1869 : vector<1x2048xf32>
    %sub3A_1872 = arith.subf %min3A_1861, %min3A_1841 : vector<1x2048xf32>
    %sub3A_1873 = arith.subf %min3A_1871, %min3A_1851 : vector<1x2048xf32>
    %slice3A_1874 = vector.extract_strided_slice %div3A_6 {offsets = [18, 0], sizes = [1, 2048], strides = [1, 1]} : vector<21x2048xf32> to vector<1x2048xf32>
    %ge3A_1875 = arith.constant 5.000000e-02 : f32
    %ge3A_1876 = vector.broadcast %ge3A_1875 : f32 to vector<1x2048xf32>
    %ge3A_1877 = arith.cmpf oge, %slice3A_1874, %ge3A_1876 : vector<1x2048xf32>
    %ge3A_1878 = arith.constant 1.000000e+00 : f32
    %ge3A_1879 = vector.broadcast %ge3A_1878 : f32 to vector<1x2048xf32>
    %ge3A_1880 = arith.cmpf oge, %sub3A_1872, %ge3A_1879 : vector<1x2048xf32>
    %and3A_1881 = arith.andi %ge3A_1877, %ge3A_1880 : vector<1x2048xi1>
    %ge3A_1882 = arith.constant 1.000000e+00 : f32
    %ge3A_1883 = vector.broadcast %ge3A_1882 : f32 to vector<1x2048xf32>
    %ge3A_1884 = arith.cmpf oge, %sub3A_1873, %ge3A_1883 : vector<1x2048xf32>
    %and3A_1885 = arith.andi %and3A_1881, %ge3A_1884 : vector<1x2048xi1>
    %jit3A_1886 = arith.constant -1.000000e+00 : f32
    %broadcast_in_dim3A_1887 = vector.broadcast %jit3A_1886 : f32 to vector<1x2048xf32>
    %select_n3A_1888 = arith.select %and3A_1885, %slice3A_1874, %broadcast_in_dim3A_1887 : vector<1x2048xi1>, vector<1x2048xf32>
    %squeeze3A_1889 = vector.shape_cast %select_n3A_1888 : vector<1x2048xf32> to vector<2048xf32>
    %swap3A_1890 = arith.constant 17 : index
    %swap3A_1891 = arith.constant 0 : index
    %swap3A_1892 = vector.load %arg4[%swap3A_1890, %swap3A_1891] : memref<20x2048xf32, #tpu.memory_space<vmem>>, vector<1x2048xf32>
    %swap3A_1893 = vector.shape_cast %swap3A_1892 : vector<1x2048xf32> to vector<2048xf32>
    %swap3A_1894 = vector.shape_cast %squeeze3A_1889 : vector<2048xf32> to vector<1x2048xf32>
    tpu.vector_store %arg4[%swap3A_1890, %swap3A_1891], %swap3A_1894 {strides = array<i32>} : memref<20x2048xf32, #tpu.memory_space<vmem>>, vector<1x2048xf32>,
    %concatenate3A_1895 = tpu.concatenate %min3A_1841, %min3A_1851, %min3A_1861, %min3A_1871 in 0 : vector<1x2048xf32>, vector<1x2048xf32>, vector<1x2048xf32>, vector<1x2048xf32> -> vector<4x2048xf32>
    %swap3A_1896 = arith.constant 17 : index
    %swap3A_1897 = arith.constant 0 : index
    %swap3A_1898 = arith.constant 0 : index
    %swap3A_1899 = vector.load %arg5[%swap3A_1896, %swap3A_1897, %swap3A_1898] : memref<20x4x2048xf32, #tpu.memory_space<vmem>>, vector<1x4x2048xf32>
    %swap3A_1900 = vector.shape_cast %swap3A_1899 : vector<1x4x2048xf32> to vector<4x2048xf32>
    %swap3A_1901 = vector.shape_cast %concatenate3A_1895 : vector<4x2048xf32> to vector<1x4x2048xf32>
    tpu.vector_store %arg5[%swap3A_1896, %swap3A_1897, %swap3A_1898], %swap3A_1901 {strides = array<i32>} : memref<20x4x2048xf32, #tpu.memory_space<vmem>>, vector<1x4x2048xf32>,
    %get3A_1902 = arith.constant 19 : index
    %get3A_1903 = arith.constant 0 : index
    %get3A_1904 = arith.constant 0 : index
    %get3A_1905 = vector.load %arg2[%get3A_1902, %get3A_1903, %get3A_1904] : memref<21x4x2048xf32, #tpu.memory_space<vmem>>, vector<1x4x2048xf32>
    %get3A_1906 = vector.shape_cast %get3A_1905 : vector<1x4x2048xf32> to vector<4x2048xf32>
    %slice3A_1907 = vector.extract_strided_slice %get3A_1906 {offsets = [0, 0], sizes = [1, 2048], strides = [1, 1]} : vector<4x2048xf32> to vector<1x2048xf32>
    %div3A_1908 = arith.constant 1.000000e+01 : f32
    %div3A_1909 = vector.broadcast %div3A_1908 : f32 to vector<1x2048xf32>
    %div3A_1910 = arith.divf %slice3A_1907, %div3A_1909 : vector<1x2048xf32>
    %slice3A_1911 = vector.extract_strided_slice %get3A_1906 {offsets = [1, 0], sizes = [1, 2048], strides = [1, 1]} : vector<4x2048xf32> to vector<1x2048xf32>
    %div3A_1912 = arith.constant 1.000000e+01 : f32
    %div3A_1913 = vector.broadcast %div3A_1912 : f32 to vector<1x2048xf32>
    %div3A_1914 = arith.divf %slice3A_1911, %div3A_1913 : vector<1x2048xf32>
    %slice3A_1915 = vector.extract_strided_slice %get3A_1906 {offsets = [2, 0], sizes = [1, 2048], strides = [1, 1]} : vector<4x2048xf32> to vector<1x2048xf32>
    %div3A_1916 = arith.constant 5.000000e+00 : f32
    %div3A_1917 = vector.broadcast %div3A_1916 : f32 to vector<1x2048xf32>
    %div3A_1918 = arith.divf %slice3A_1915, %div3A_1917 : vector<1x2048xf32>
    %min3A_1919 = arith.constant 4.13516665 : f32
    %min3A_1920 = vector.broadcast %min3A_1919 : f32 to vector<1x2048xf32>
    %min3A_1921 = arith.minimumf %div3A_1918, %min3A_1920 : vector<1x2048xf32>
    %slice3A_1922 = vector.extract_strided_slice %get3A_1906 {offsets = [3, 0], sizes = [1, 2048], strides = [1, 1]} : vector<4x2048xf32> to vector<1x2048xf32>
    %div3A_1923 = arith.constant 5.000000e+00 : f32
    %div3A_1924 = vector.broadcast %div3A_1923 : f32 to vector<1x2048xf32>
    %div3A_1925 = arith.divf %slice3A_1922, %div3A_1924 : vector<1x2048xf32>
    %min3A_1926 = arith.constant 4.13516665 : f32
    %min3A_1927 = vector.broadcast %min3A_1926 : f32 to vector<1x2048xf32>
    %min3A_1928 = arith.minimumf %div3A_1925, %min3A_1927 : vector<1x2048xf32>
    %mul3A_1929 = arith.mulf %div3A_1910, %sub3A_13 : vector<1x2048xf32>
    %add3A_1930 = arith.addf %mul3A_1929, %add3A : vector<1x2048xf32>
    %mul3A_1931 = arith.mulf %div3A_1914, %sub3A_14 : vector<1x2048xf32>
    %add3A_1932 = arith.addf %mul3A_1931, %add3A_20 : vector<1x2048xf32>
    %exp3A_1933 = math.exp %min3A_1921 : vector<1x2048xf32>
    %mul3A_1934 = arith.mulf %exp3A_1933, %sub3A_13 : vector<1x2048xf32>
    %exp3A_1935 = math.exp %min3A_1928 : vector<1x2048xf32>
    %mul3A_1936 = arith.mulf %exp3A_1935, %sub3A_14 : vector<1x2048xf32>
    %mul3A_1937 = arith.constant 5.000000e-01 : f32
    %mul3A_1938 = vector.broadcast %mul3A_1937 : f32 to vector<1x2048xf32>
    %mul3A_1939 = arith.mulf %mul3A_1938, %mul3A_1934 : vector<1x2048xf32>
    %sub3A_1940 = arith.subf %add3A_1930, %mul3A_1939 : vector<1x2048xf32>
    %jit3A_1941 = arith.constant 0.000000e+00 : f32
    %jit3A_1942 = arith.constant 1.216000e+03 : f32
    %max3A_1943 = vector.broadcast %jit3A_1941 : f32 to vector<1x2048xf32>
    %max3A_1944 = arith.maximumf %max3A_1943, %sub3A_1940 : vector<1x2048xf32>
    %min3A_1945 = vector.broadcast %jit3A_1942 : f32 to vector<1x2048xf32>
    %min3A_1946 = arith.minimumf %min3A_1945, %max3A_1944 : vector<1x2048xf32>
    %mul3A_1947 = arith.constant 5.000000e-01 : f32
    %mul3A_1948 = vector.broadcast %mul3A_1947 : f32 to vector<1x2048xf32>
    %mul3A_1949 = arith.mulf %mul3A_1948, %mul3A_1936 : vector<1x2048xf32>
    %sub3A_1950 = arith.subf %add3A_1932, %mul3A_1949 : vector<1x2048xf32>
    %jit3A_1951 = arith.constant 0.000000e+00 : f32
    %jit3A_1952 = arith.constant 8.000000e+02 : f32
    %max3A_1953 = vector.broadcast %jit3A_1951 : f32 to vector<1x2048xf32>
    %max3A_1954 = arith.maximumf %max3A_1953, %sub3A_1950 : vector<1x2048xf32>
    %min3A_1955 = vector.broadcast %jit3A_1952 : f32 to vector<1x2048xf32>
    %min3A_1956 = arith.minimumf %min3A_1955, %max3A_1954 : vector<1x2048xf32>
    %mul3A_1957 = arith.constant 5.000000e-01 : f32
    %mul3A_1958 = vector.broadcast %mul3A_1957 : f32 to vector<1x2048xf32>
    %mul3A_1959 = arith.mulf %mul3A_1958, %mul3A_1934 : vector<1x2048xf32>
    %add3A_1960 = arith.addf %add3A_1930, %mul3A_1959 : vector<1x2048xf32>
    %jit3A_1961 = arith.constant 0.000000e+00 : f32
    %jit3A_1962 = arith.constant 1.216000e+03 : f32
    %max3A_1963 = vector.broadcast %jit3A_1961 : f32 to vector<1x2048xf32>
    %max3A_1964 = arith.maximumf %max3A_1963, %add3A_1960 : vector<1x2048xf32>
    %min3A_1965 = vector.broadcast %jit3A_1962 : f32 to vector<1x2048xf32>
    %min3A_1966 = arith.minimumf %min3A_1965, %max3A_1964 : vector<1x2048xf32>
    %mul3A_1967 = arith.constant 5.000000e-01 : f32
    %mul3A_1968 = vector.broadcast %mul3A_1967 : f32 to vector<1x2048xf32>
    %mul3A_1969 = arith.mulf %mul3A_1968, %mul3A_1936 : vector<1x2048xf32>
    %add3A_1970 = arith.addf %add3A_1932, %mul3A_1969 : vector<1x2048xf32>
    %jit3A_1971 = arith.constant 0.000000e+00 : f32
    %jit3A_1972 = arith.constant 8.000000e+02 : f32
    %max3A_1973 = vector.broadcast %jit3A_1971 : f32 to vector<1x2048xf32>
    %max3A_1974 = arith.maximumf %max3A_1973, %add3A_1970 : vector<1x2048xf32>
    %min3A_1975 = vector.broadcast %jit3A_1972 : f32 to vector<1x2048xf32>
    %min3A_1976 = arith.minimumf %min3A_1975, %max3A_1974 : vector<1x2048xf32>
    %sub3A_1977 = arith.subf %min3A_1966, %min3A_1946 : vector<1x2048xf32>
    %sub3A_1978 = arith.subf %min3A_1976, %min3A_1956 : vector<1x2048xf32>
    %slice3A_1979 = vector.extract_strided_slice %div3A_6 {offsets = [19, 0], sizes = [1, 2048], strides = [1, 1]} : vector<21x2048xf32> to vector<1x2048xf32>
    %ge3A_1980 = arith.constant 5.000000e-02 : f32
    %ge3A_1981 = vector.broadcast %ge3A_1980 : f32 to vector<1x2048xf32>
    %ge3A_1982 = arith.cmpf oge, %slice3A_1979, %ge3A_1981 : vector<1x2048xf32>
    %ge3A_1983 = arith.constant 1.000000e+00 : f32
    %ge3A_1984 = vector.broadcast %ge3A_1983 : f32 to vector<1x2048xf32>
    %ge3A_1985 = arith.cmpf oge, %sub3A_1977, %ge3A_1984 : vector<1x2048xf32>
    %and3A_1986 = arith.andi %ge3A_1982, %ge3A_1985 : vector<1x2048xi1>
    %ge3A_1987 = arith.constant 1.000000e+00 : f32
    %ge3A_1988 = vector.broadcast %ge3A_1987 : f32 to vector<1x2048xf32>
    %ge3A_1989 = arith.cmpf oge, %sub3A_1978, %ge3A_1988 : vector<1x2048xf32>
    %and3A_1990 = arith.andi %and3A_1986, %ge3A_1989 : vector<1x2048xi1>
    %jit3A_1991 = arith.constant -1.000000e+00 : f32
    %broadcast_in_dim3A_1992 = vector.broadcast %jit3A_1991 : f32 to vector<1x2048xf32>
    %select_n3A_1993 = arith.select %and3A_1990, %slice3A_1979, %broadcast_in_dim3A_1992 : vector<1x2048xi1>, vector<1x2048xf32>
    %squeeze3A_1994 = vector.shape_cast %select_n3A_1993 : vector<1x2048xf32> to vector<2048xf32>
    %swap3A_1995 = arith.constant 18 : index
    %swap3A_1996 = arith.constant 0 : index
    %swap3A_1997 = vector.load %arg4[%swap3A_1995, %swap3A_1996] : memref<20x2048xf32, #tpu.memory_space<vmem>>, vector<1x2048xf32>
    %swap3A_1998 = vector.shape_cast %swap3A_1997 : vector<1x2048xf32> to vector<2048xf32>
    %swap3A_1999 = vector.shape_cast %squeeze3A_1994 : vector<2048xf32> to vector<1x2048xf32>
    tpu.vector_store %arg4[%swap3A_1995, %swap3A_1996], %swap3A_1999 {strides = array<i32>} : memref<20x2048xf32, #tpu.memory_space<vmem>>, vector<1x2048xf32>,
    %concatenate3A_2000 = tpu.concatenate %min3A_1946, %min3A_1956, %min3A_1966, %min3A_1976 in 0 : vector<1x2048xf32>, vector<1x2048xf32>, vector<1x2048xf32>, vector<1x2048xf32> -> vector<4x2048xf32>
    %swap3A_2001 = arith.constant 18 : index
    %swap3A_2002 = arith.constant 0 : index
    %swap3A_2003 = arith.constant 0 : index
    %swap3A_2004 = vector.load %arg5[%swap3A_2001, %swap3A_2002, %swap3A_2003] : memref<20x4x2048xf32, #tpu.memory_space<vmem>>, vector<1x4x2048xf32>
    %swap3A_2005 = vector.shape_cast %swap3A_2004 : vector<1x4x2048xf32> to vector<4x2048xf32>
    %swap3A_2006 = vector.shape_cast %concatenate3A_2000 : vector<4x2048xf32> to vector<1x4x2048xf32>
    tpu.vector_store %arg5[%swap3A_2001, %swap3A_2002, %swap3A_2003], %swap3A_2006 {strides = array<i32>} : memref<20x4x2048xf32, #tpu.memory_space<vmem>>, vector<1x4x2048xf32>,
    %get3A_2007 = arith.constant 20 : index
    %get3A_2008 = arith.constant 0 : index
    %get3A_2009 = arith.constant 0 : index
    %get3A_2010 = vector.load %arg2[%get3A_2007, %get3A_2008, %get3A_2009] : memref<21x4x2048xf32, #tpu.memory_space<vmem>>, vector<1x4x2048xf32>
    %get3A_2011 = vector.shape_cast %get3A_2010 : vector<1x4x2048xf32> to vector<4x2048xf32>
    %slice3A_2012 = vector.extract_strided_slice %get3A_2011 {offsets = [0, 0], sizes = [1, 2048], strides = [1, 1]} : vector<4x2048xf32> to vector<1x2048xf32>
    %div3A_2013 = arith.constant 1.000000e+01 : f32
    %div3A_2014 = vector.broadcast %div3A_2013 : f32 to vector<1x2048xf32>
    %div3A_2015 = arith.divf %slice3A_2012, %div3A_2014 : vector<1x2048xf32>
    %slice3A_2016 = vector.extract_strided_slice %get3A_2011 {offsets = [1, 0], sizes = [1, 2048], strides = [1, 1]} : vector<4x2048xf32> to vector<1x2048xf32>
    %div3A_2017 = arith.constant 1.000000e+01 : f32
    %div3A_2018 = vector.broadcast %div3A_2017 : f32 to vector<1x2048xf32>
    %div3A_2019 = arith.divf %slice3A_2016, %div3A_2018 : vector<1x2048xf32>
    %slice3A_2020 = vector.extract_strided_slice %get3A_2011 {offsets = [2, 0], sizes = [1, 2048], strides = [1, 1]} : vector<4x2048xf32> to vector<1x2048xf32>
    %div3A_2021 = arith.constant 5.000000e+00 : f32
    %div3A_2022 = vector.broadcast %div3A_2021 : f32 to vector<1x2048xf32>
    %div3A_2023 = arith.divf %slice3A_2020, %div3A_2022 : vector<1x2048xf32>
    %min3A_2024 = arith.constant 4.13516665 : f32
    %min3A_2025 = vector.broadcast %min3A_2024 : f32 to vector<1x2048xf32>
    %min3A_2026 = arith.minimumf %div3A_2023, %min3A_2025 : vector<1x2048xf32>
    %slice3A_2027 = vector.extract_strided_slice %get3A_2011 {offsets = [3, 0], sizes = [1, 2048], strides = [1, 1]} : vector<4x2048xf32> to vector<1x2048xf32>
    %div3A_2028 = arith.constant 5.000000e+00 : f32
    %div3A_2029 = vector.broadcast %div3A_2028 : f32 to vector<1x2048xf32>
    %div3A_2030 = arith.divf %slice3A_2027, %div3A_2029 : vector<1x2048xf32>
    %min3A_2031 = arith.constant 4.13516665 : f32
    %min3A_2032 = vector.broadcast %min3A_2031 : f32 to vector<1x2048xf32>
    %min3A_2033 = arith.minimumf %div3A_2030, %min3A_2032 : vector<1x2048xf32>
    %mul3A_2034 = arith.mulf %div3A_2015, %sub3A_13 : vector<1x2048xf32>
    %add3A_2035 = arith.addf %mul3A_2034, %add3A : vector<1x2048xf32>
    %mul3A_2036 = arith.mulf %div3A_2019, %sub3A_14 : vector<1x2048xf32>
    %add3A_2037 = arith.addf %mul3A_2036, %add3A_20 : vector<1x2048xf32>
    %exp3A_2038 = math.exp %min3A_2026 : vector<1x2048xf32>
    %mul3A_2039 = arith.mulf %exp3A_2038, %sub3A_13 : vector<1x2048xf32>
    %exp3A_2040 = math.exp %min3A_2033 : vector<1x2048xf32>
    %mul3A_2041 = arith.mulf %exp3A_2040, %sub3A_14 : vector<1x2048xf32>
    %mul3A_2042 = arith.constant 5.000000e-01 : f32
    %mul3A_2043 = vector.broadcast %mul3A_2042 : f32 to vector<1x2048xf32>
    %mul3A_2044 = arith.mulf %mul3A_2043, %mul3A_2039 : vector<1x2048xf32>
    %sub3A_2045 = arith.subf %add3A_2035, %mul3A_2044 : vector<1x2048xf32>
    %jit3A_2046 = arith.constant 0.000000e+00 : f32
    %jit3A_2047 = arith.constant 1.216000e+03 : f32
    %max3A_2048 = vector.broadcast %jit3A_2046 : f32 to vector<1x2048xf32>
    %max3A_2049 = arith.maximumf %max3A_2048, %sub3A_2045 : vector<1x2048xf32>
    %min3A_2050 = vector.broadcast %jit3A_2047 : f32 to vector<1x2048xf32>
    %min3A_2051 = arith.minimumf %min3A_2050, %max3A_2049 : vector<1x2048xf32>
    %mul3A_2052 = arith.constant 5.000000e-01 : f32
    %mul3A_2053 = vector.broadcast %mul3A_2052 : f32 to vector<1x2048xf32>
    %mul3A_2054 = arith.mulf %mul3A_2053, %mul3A_2041 : vector<1x2048xf32>
    %sub3A_2055 = arith.subf %add3A_2037, %mul3A_2054 : vector<1x2048xf32>
    %jit3A_2056 = arith.constant 0.000000e+00 : f32
    %jit3A_2057 = arith.constant 8.000000e+02 : f32
    %max3A_2058 = vector.broadcast %jit3A_2056 : f32 to vector<1x2048xf32>
    %max3A_2059 = arith.maximumf %max3A_2058, %sub3A_2055 : vector<1x2048xf32>
    %min3A_2060 = vector.broadcast %jit3A_2057 : f32 to vector<1x2048xf32>
    %min3A_2061 = arith.minimumf %min3A_2060, %max3A_2059 : vector<1x2048xf32>
    %mul3A_2062 = arith.constant 5.000000e-01 : f32
    %mul3A_2063 = vector.broadcast %mul3A_2062 : f32 to vector<1x2048xf32>
    %mul3A_2064 = arith.mulf %mul3A_2063, %mul3A_2039 : vector<1x2048xf32>
    %add3A_2065 = arith.addf %add3A_2035, %mul3A_2064 : vector<1x2048xf32>
    %jit3A_2066 = arith.constant 0.000000e+00 : f32
    %jit3A_2067 = arith.constant 1.216000e+03 : f32
    %max3A_2068 = vector.broadcast %jit3A_2066 : f32 to vector<1x2048xf32>
    %max3A_2069 = arith.maximumf %max3A_2068, %add3A_2065 : vector<1x2048xf32>
    %min3A_2070 = vector.broadcast %jit3A_2067 : f32 to vector<1x2048xf32>
    %min3A_2071 = arith.minimumf %min3A_2070, %max3A_2069 : vector<1x2048xf32>
    %mul3A_2072 = arith.constant 5.000000e-01 : f32
    %mul3A_2073 = vector.broadcast %mul3A_2072 : f32 to vector<1x2048xf32>
    %mul3A_2074 = arith.mulf %mul3A_2073, %mul3A_2041 : vector<1x2048xf32>
    %add3A_2075 = arith.addf %add3A_2037, %mul3A_2074 : vector<1x2048xf32>
    %jit3A_2076 = arith.constant 0.000000e+00 : f32
    %jit3A_2077 = arith.constant 8.000000e+02 : f32
    %max3A_2078 = vector.broadcast %jit3A_2076 : f32 to vector<1x2048xf32>
    %max3A_2079 = arith.maximumf %max3A_2078, %add3A_2075 : vector<1x2048xf32>
    %min3A_2080 = vector.broadcast %jit3A_2077 : f32 to vector<1x2048xf32>
    %min3A_2081 = arith.minimumf %min3A_2080, %max3A_2079 : vector<1x2048xf32>
    %sub3A_2082 = arith.subf %min3A_2071, %min3A_2051 : vector<1x2048xf32>
    %sub3A_2083 = arith.subf %min3A_2081, %min3A_2061 : vector<1x2048xf32>
    %slice3A_2084 = vector.extract_strided_slice %div3A_6 {offsets = [20, 0], sizes = [1, 2048], strides = [1, 1]} : vector<21x2048xf32> to vector<1x2048xf32>
    %ge3A_2085 = arith.constant 5.000000e-02 : f32
    %ge3A_2086 = vector.broadcast %ge3A_2085 : f32 to vector<1x2048xf32>
    %ge3A_2087 = arith.cmpf oge, %slice3A_2084, %ge3A_2086 : vector<1x2048xf32>
    %ge3A_2088 = arith.constant 1.000000e+00 : f32
    %ge3A_2089 = vector.broadcast %ge3A_2088 : f32 to vector<1x2048xf32>
    %ge3A_2090 = arith.cmpf oge, %sub3A_2082, %ge3A_2089 : vector<1x2048xf32>
    %and3A_2091 = arith.andi %ge3A_2087, %ge3A_2090 : vector<1x2048xi1>
    %ge3A_2092 = arith.constant 1.000000e+00 : f32
    %ge3A_2093 = vector.broadcast %ge3A_2092 : f32 to vector<1x2048xf32>
    %ge3A_2094 = arith.cmpf oge, %sub3A_2083, %ge3A_2093 : vector<1x2048xf32>
    %and3A_2095 = arith.andi %and3A_2091, %ge3A_2094 : vector<1x2048xi1>
    %jit3A_2096 = arith.constant -1.000000e+00 : f32
    %broadcast_in_dim3A_2097 = vector.broadcast %jit3A_2096 : f32 to vector<1x2048xf32>
    %select_n3A_2098 = arith.select %and3A_2095, %slice3A_2084, %broadcast_in_dim3A_2097 : vector<1x2048xi1>, vector<1x2048xf32>
    %squeeze3A_2099 = vector.shape_cast %select_n3A_2098 : vector<1x2048xf32> to vector<2048xf32>
    %swap3A_2100 = arith.constant 19 : index
    %swap3A_2101 = arith.constant 0 : index
    %swap3A_2102 = vector.load %arg4[%swap3A_2100, %swap3A_2101] : memref<20x2048xf32, #tpu.memory_space<vmem>>, vector<1x2048xf32>
    %swap3A_2103 = vector.shape_cast %swap3A_2102 : vector<1x2048xf32> to vector<2048xf32>
    %swap3A_2104 = vector.shape_cast %squeeze3A_2099 : vector<2048xf32> to vector<1x2048xf32>
    tpu.vector_store %arg4[%swap3A_2100, %swap3A_2101], %swap3A_2104 {strides = array<i32>} : memref<20x2048xf32, #tpu.memory_space<vmem>>, vector<1x2048xf32>,
    %concatenate3A_2105 = tpu.concatenate %min3A_2051, %min3A_2061, %min3A_2071, %min3A_2081 in 0 : vector<1x2048xf32>, vector<1x2048xf32>, vector<1x2048xf32>, vector<1x2048xf32> -> vector<4x2048xf32>
    %swap3A_2106 = arith.constant 19 : index
    %swap3A_2107 = arith.constant 0 : index
    %swap3A_2108 = arith.constant 0 : index
    %swap3A_2109 = vector.load %arg5[%swap3A_2106, %swap3A_2107, %swap3A_2108] : memref<20x4x2048xf32, #tpu.memory_space<vmem>>, vector<1x4x2048xf32>
    %swap3A_2110 = vector.shape_cast %swap3A_2109 : vector<1x4x2048xf32> to vector<4x2048xf32>
    %swap3A_2111 = vector.shape_cast %concatenate3A_2105 : vector<4x2048xf32> to vector<1x4x2048xf32>
    tpu.vector_store %arg5[%swap3A_2106, %swap3A_2107, %swap3A_2108], %swap3A_2111 {strides = array<i32>} : memref<20x4x2048xf32, #tpu.memory_space<vmem>>, vector<1x4x2048xf32>,
    return
  }
  func.func @transform_0(%arg0: i32) -> (i32, i32) {
    %c0_i32 = arith.constant 0 : i32
    %c0_i32_0 = arith.constant 0 : i32
    return %c0_i32, %arg0 : i32, i32
  }
  func.func @transform_1(%arg0: i32) -> (i32, i32, i32) {
    %c0_i32 = arith.constant 0 : i32
    %c0_i32_0 = arith.constant 0 : i32
    %c0_i32_1 = arith.constant 0 : i32
    return %c0_i32, %c0_i32_0, %arg0 : i32, i32, i32
  }
  func.func @transform_2(%arg0: i32) -> (i32, i32) {
    %c0_i32 = arith.constant 0 : i32
    %c0_i32_0 = arith.constant 0 : i32
    return %c0_i32, %arg0 : i32, i32
  }
  func.func @transform_3(%arg0: i32) -> (i32, i32) {
    %c0_i32 = arith.constant 0 : i32
    %c0_i32_0 = arith.constant 0 : i32
    return %c0_i32, %arg0 : i32, i32
  }
  func.func @transform_4(%arg0: i32) -> (i32, i32, i32) {
    %c0_i32 = arith.constant 0 : i32
    %c0_i32_0 = arith.constant 0 : i32
    %c0_i32_1 = arith.constant 0 : i32
    return %c0_i32, %c0_i32_0, %arg0 : i32, i32, i32
  }
}

module attributes {stable_mosaic.version = 14 : i64} {
  func.func @_nms_body(%arg0: i32, %arg1: memref<1x1024x4xf32, #tpu.memory_space<vmem>>, %arg2: memref<1x4x1024xf32, #tpu.memory_space<vmem>>, %arg3: memref<1x1x1024xf32, #tpu.memory_space<vmem>>, %arg4: memref<1x128x4xf32, #tpu.memory_space<vmem>>, %arg5: memref<1x128x1xf32, #tpu.memory_space<vmem>>) attributes {dimension_semantics = [#tpu.dimension_semantics<arbitrary>], iteration_bounds = array<i64: 20>, scalar_prefetch = 0 : i64, scratch_operands = 0 : i64, tpu.core_type = #tpu.core_type<tc>, window_params = [{transform_indices = @transform_0, window_bounds = array<i64: 1, 1024, 4>}, {transform_indices = @transform_1, window_bounds = array<i64: 1, 4, 1024>}, {transform_indices = @transform_2, window_bounds = array<i64: 1, 1, 1024>}, {transform_indices = @transform_3, window_bounds = array<i64: 1, 128, 4>}, {transform_indices = @transform_4, window_bounds = array<i64: 1, 128, 1>}]} {
    %get3A = arith.constant 0 : index
    %get3A_0 = arith.constant 0 : index
    %get3A_1 = arith.constant 0 : index
    %get3A_2 = vector.load %arg1[%get3A, %get3A_0, %get3A_1] : memref<1x1024x4xf32, #tpu.memory_space<vmem>>, vector<1x1024x4xf32>
    %get3A_3 = vector.shape_cast %get3A_2 : vector<1x1024x4xf32> to vector<1024x4xf32>
    %get3A_4 = arith.constant 0 : index
    %get3A_5 = arith.constant 0 : index
    %get3A_6 = arith.constant 0 : index
    %get3A_7 = vector.load %arg2[%get3A_4, %get3A_5, %get3A_6] : memref<1x4x1024xf32, #tpu.memory_space<vmem>>, vector<1x4x1024xf32>
    %get3A_8 = vector.shape_cast %get3A_7 : vector<1x4x1024xf32> to vector<4x1024xf32>
    %get3A_9 = arith.constant 0 : index
    %get3A_10 = arith.constant 0 : index
    %get3A_11 = arith.constant 0 : index
    %get3A_12 = vector.load %arg3[%get3A_9, %get3A_10, %get3A_11] : memref<1x1x1024xf32, #tpu.memory_space<vmem>>, vector<1x1x1024xf32>
    %get3A_13 = vector.shape_cast %get3A_12 : vector<1x1x1024xf32> to vector<1x1024xf32>
    %slice3A = vector.extract_strided_slice %get3A_3 {offsets = [0, 0], sizes = [1024, 1], strides = [1, 1]} : vector<1024x4xf32> to vector<1024x1xf32>
    %slice3A_14 = vector.extract_strided_slice %get3A_3 {offsets = [0, 1], sizes = [1024, 1], strides = [1, 1]} : vector<1024x4xf32> to vector<1024x1xf32>
    %slice3A_15 = vector.extract_strided_slice %get3A_3 {offsets = [0, 2], sizes = [1024, 1], strides = [1, 1]} : vector<1024x4xf32> to vector<1024x1xf32>
    %slice3A_16 = vector.extract_strided_slice %get3A_3 {offsets = [0, 3], sizes = [1024, 1], strides = [1, 1]} : vector<1024x4xf32> to vector<1024x1xf32>
    %slice3A_17 = vector.extract_strided_slice %get3A_8 {offsets = [0, 0], sizes = [1, 1024], strides = [1, 1]} : vector<4x1024xf32> to vector<1x1024xf32>
    %slice3A_18 = vector.extract_strided_slice %get3A_8 {offsets = [1, 0], sizes = [1, 1024], strides = [1, 1]} : vector<4x1024xf32> to vector<1x1024xf32>
    %slice3A_19 = vector.extract_strided_slice %get3A_8 {offsets = [2, 0], sizes = [1, 1024], strides = [1, 1]} : vector<4x1024xf32> to vector<1x1024xf32>
    %slice3A_20 = vector.extract_strided_slice %get3A_8 {offsets = [3, 0], sizes = [1, 1024], strides = [1, 1]} : vector<4x1024xf32> to vector<1x1024xf32>
    %sub3A = arith.subf %slice3A_15, %slice3A : vector<1024x1xf32>
    %sub3A_21 = arith.subf %slice3A_16, %slice3A_14 : vector<1024x1xf32>
    %mul3A = arith.mulf %sub3A, %sub3A_21 : vector<1024x1xf32>
    %sub3A_22 = arith.subf %slice3A_19, %slice3A_17 : vector<1x1024xf32>
    %sub3A_23 = arith.subf %slice3A_20, %slice3A_18 : vector<1x1024xf32>
    %mul3A_24 = arith.mulf %sub3A_22, %sub3A_23 : vector<1x1024xf32>
    %min3A = vector.broadcast %slice3A_15 : vector<1024x1xf32> to vector<1024x1024xf32>
    %min3A_25 = vector.broadcast %slice3A_19 : vector<1x1024xf32> to vector<1024x1024xf32>
    %min3A_26 = arith.minimumf %min3A, %min3A_25 : vector<1024x1024xf32>
    %max3A = vector.broadcast %slice3A : vector<1024x1xf32> to vector<1024x1024xf32>
    %max3A_27 = vector.broadcast %slice3A_17 : vector<1x1024xf32> to vector<1024x1024xf32>
    %max3A_28 = arith.maximumf %max3A, %max3A_27 : vector<1024x1024xf32>
    %sub3A_29 = arith.subf %min3A_26, %max3A_28 : vector<1024x1024xf32>
    %max3A_30 = arith.constant 0.000000e+00 : f32
    %max3A_31 = vector.broadcast %max3A_30 : f32 to vector<1024x1024xf32>
    %max3A_32 = arith.maximumf %sub3A_29, %max3A_31 : vector<1024x1024xf32>
    %min3A_33 = vector.broadcast %slice3A_16 : vector<1024x1xf32> to vector<1024x1024xf32>
    %min3A_34 = vector.broadcast %slice3A_20 : vector<1x1024xf32> to vector<1024x1024xf32>
    %min3A_35 = arith.minimumf %min3A_33, %min3A_34 : vector<1024x1024xf32>
    %max3A_36 = vector.broadcast %slice3A_14 : vector<1024x1xf32> to vector<1024x1024xf32>
    %max3A_37 = vector.broadcast %slice3A_18 : vector<1x1024xf32> to vector<1024x1024xf32>
    %max3A_38 = arith.maximumf %max3A_36, %max3A_37 : vector<1024x1024xf32>
    %sub3A_39 = arith.subf %min3A_35, %max3A_38 : vector<1024x1024xf32>
    %max3A_40 = arith.constant 0.000000e+00 : f32
    %max3A_41 = vector.broadcast %max3A_40 : f32 to vector<1024x1024xf32>
    %max3A_42 = arith.maximumf %sub3A_39, %max3A_41 : vector<1024x1024xf32>
    %mul3A_43 = arith.mulf %max3A_32, %max3A_42 : vector<1024x1024xf32>
    %add3A = vector.broadcast %mul3A : vector<1024x1xf32> to vector<1024x1024xf32>
    %add3A_44 = vector.broadcast %mul3A_24 : vector<1x1024xf32> to vector<1024x1024xf32>
    %add3A_45 = arith.addf %add3A, %add3A_44 : vector<1024x1024xf32>
    %sub3A_46 = arith.subf %add3A_45, %mul3A_43 : vector<1024x1024xf32>
    %max3A_47 = arith.constant 9.99999971E-10 : f32
    %max3A_48 = vector.broadcast %max3A_47 : f32 to vector<1024x1024xf32>
    %max3A_49 = arith.maximumf %sub3A_46, %max3A_48 : vector<1024x1024xf32>
    %div3A = arith.divf %mul3A_43, %max3A_49 : vector<1024x1024xf32>
    %iota3A = tpu.iota {dimensions = array<i32: 0>} : vector<1024x1024xi32>
    %iota3A_50 = tpu.iota {dimensions = array<i32: 1>} : vector<1024x1024xi32>
    %lt3A = arith.cmpi slt, %iota3A, %iota3A_50 : vector<1024x1024xi32>
    %gt3A = arith.constant 5.000000e-01 : f32
    %gt3A_51 = vector.broadcast %gt3A : f32 to vector<1024x1024xf32>
    %gt3A_52 = arith.cmpf ogt, %div3A, %gt3A_51 : vector<1024x1024xf32>
    %and3A = arith.andi %gt3A_52, %lt3A : vector<1024x1024xi1>
    %jit3A = arith.constant 1.000000e+00 : f32
    %jit3A_53 = arith.constant 0.000000e+00 : f32
    %broadcast_in_dim3A = vector.broadcast %jit3A : f32 to vector<1024x1024xf32>
    %broadcast_in_dim3A_54 = vector.broadcast %jit3A_53 : f32 to vector<1024x1024xf32>
    %select_n3A = arith.select %and3A, %broadcast_in_dim3A, %broadcast_in_dim3A_54 : vector<1024x1024xi1>, vector<1024x1024xf32>
    %broadcast_in_dim3A_55 = arith.constant 1.000000e+00 : f32
    %broadcast_in_dim3A_56 = vector.broadcast %broadcast_in_dim3A_55 : f32 to vector<1x1024xf32>
    %while3A = arith.constant true
    %while3A_57:2 = scf.while (%while3A_124 = %broadcast_in_dim3A_56, %while3A_125 = %while3A) : (vector<1x1024xf32>, i1) -> (vector<1x1024xf32>, i1) {
      scf.condition(%while3A_125) %while3A_124, %while3A_125 : vector<1x1024xf32>, i1
    } do {
    ^bb0(%while3A_124: vector<1x1024xf32>, %while3A_125: i1):
      %dot_general3A_126 = arith.constant dense<0.000000e+00> : vector<1x1024xf32>
      %dot_general3A_127 = tpu.matmul %while3A_124, %select_n3A, %dot_general3A_126 {dimension_numbers = #tpu.dot_dimension_numbers<[1], [0], [0], [1], [0, 0, 1, 1], [], []>, precision = #tpu.contract_precision<fp32>, transpose_lhs_hint = false} : vector<1x1024xf32>, vector<1024x1024xf32>, vector<1x1024xf32> -> vector<1x1024xf32>
      %gt3A_128 = arith.constant 5.000000e-01 : f32
      %gt3A_129 = vector.broadcast %gt3A_128 : f32 to vector<1x1024xf32>
      %gt3A_130 = arith.cmpf ogt, %dot_general3A_127, %gt3A_129 : vector<1x1024xf32>
      %jit3A_131 = arith.constant 0.000000e+00 : f32
      %jit3A_132 = arith.constant 1.000000e+00 : f32
      %broadcast_in_dim3A_133 = vector.broadcast %jit3A_131 : f32 to vector<1x1024xf32>
      %broadcast_in_dim3A_134 = vector.broadcast %jit3A_132 : f32 to vector<1x1024xf32>
      %select_n3A_135 = arith.select %gt3A_130, %broadcast_in_dim3A_133, %broadcast_in_dim3A_134 : vector<1x1024xi1>, vector<1x1024xf32>
      %ne3A = arith.cmpf one, %select_n3A_135, %while3A_124 : vector<1x1024xf32>
      %reduce_or3A = arith.constant 1.000000e+00 : f32
      %reduce_or3A_136 = arith.constant 0.000000e+00 : f32
      %reduce_or3A_137 = vector.broadcast %reduce_or3A : f32 to vector<1x1024xf32>
      %reduce_or3A_138 = vector.broadcast %reduce_or3A_136 : f32 to vector<1x1024xf32>
      %reduce_or3A_139 = arith.select %ne3A, %reduce_or3A_137, %reduce_or3A_138 : vector<1x1024xi1>, vector<1x1024xf32>
      %reduce_or3A_140 = vector.shape_cast %reduce_or3A_139 : vector<1x1024xf32> to vector<1x1x1024xf32>
      %reduce_or3A_141 = arith.constant dense<0xFF800000> : vector<1xf32>
      %reduce_or3A_142 = vector.multi_reduction <maximumf>, %reduce_or3A_140, %reduce_or3A_141 [1, 2] : vector<1x1x1024xf32> to vector<1xf32>
      %reduce_or3A_143 = vector.shape_cast %reduce_or3A_142 : vector<1xf32> to vector<1x1x1xf32>
      %reduce_or3A_144 = vector.extract %reduce_or3A_143[0, 0, 0] : f32 from vector<1x1x1xf32>
      %reduce_or3A_145 = arith.constant 0.000000e+00 : f32
      %reduce_or3A_146 = arith.cmpf ogt, %reduce_or3A_144, %reduce_or3A_145 : f32
      scf.yield %select_n3A_135, %reduce_or3A_146 : vector<1x1024xf32>, i1
    }
    %gt3A_58 = arith.constant 5.000000e-01 : f32
    %gt3A_59 = vector.broadcast %gt3A_58 : f32 to vector<1x1024xf32>
    %gt3A_60 = arith.cmpf ogt, %while3A_57#0, %gt3A_59 : vector<1x1024xf32>
    %gt3A_61 = arith.constant 0.000000e+00 : f32
    %gt3A_62 = vector.broadcast %gt3A_61 : f32 to vector<1x1024xf32>
    %gt3A_63 = arith.cmpf ogt, %get3A_13, %gt3A_62 : vector<1x1024xf32>
    %and3A_64 = arith.andi %gt3A_60, %gt3A_63 : vector<1x1024xi1>
    %jit3A_65 = arith.constant -1.000000e+00 : f32
    %broadcast_in_dim3A_66 = vector.broadcast %jit3A_65 : f32 to vector<1x1024xf32>
    %select_n3A_67 = arith.select %and3A_64, %get3A_13, %broadcast_in_dim3A_66 : vector<1x1024xi1>, vector<1x1024xf32>
    %eq3A = arith.cmpi eq, %iota3A, %iota3A_50 : vector<1024x1024xi32>
    %jit3A_68 = arith.constant 1.000000e+00 : f32
    %jit3A_69 = arith.constant 0.000000e+00 : f32
    %broadcast_in_dim3A_70 = vector.broadcast %jit3A_68 : f32 to vector<1024x1024xf32>
    %broadcast_in_dim3A_71 = vector.broadcast %jit3A_69 : f32 to vector<1024x1024xf32>
    %select_n3A_72 = arith.select %eq3A, %broadcast_in_dim3A_70, %broadcast_in_dim3A_71 : vector<1024x1024xi1>, vector<1024x1024xf32>
    %dot_general3A = arith.constant dense<0.000000e+00> : vector<1024x1xf32>
    %dot_general3A_73 = tpu.matmul %select_n3A_72, %select_n3A_67, %dot_general3A {dimension_numbers = #tpu.dot_dimension_numbers<[1], [1], [0], [0], [0, 0, 1, 0], [], []>, precision = #tpu.contract_precision<fp32>, transpose_lhs_hint = false} : vector<1024x1024xf32>, vector<1x1024xf32>, vector<1024x1xf32> -> vector<1024x1xf32>
    %gt3A_74 = vector.broadcast %dot_general3A_73 : vector<1024x1xf32> to vector<1024x1024xf32>
    %gt3A_75 = vector.broadcast %select_n3A_67 : vector<1x1024xf32> to vector<1024x1024xf32>
    %gt3A_76 = arith.cmpf ogt, %gt3A_74, %gt3A_75 : vector<1024x1024xf32>
    %eq3A_77 = vector.broadcast %dot_general3A_73 : vector<1024x1xf32> to vector<1024x1024xf32>
    %eq3A_78 = vector.broadcast %select_n3A_67 : vector<1x1024xf32> to vector<1024x1024xf32>
    %eq3A_79 = arith.cmpf oeq, %eq3A_77, %eq3A_78 : vector<1024x1024xf32>
    %and3A_80 = arith.andi %eq3A_79, %lt3A : vector<1024x1024xi1>
    %or3A = arith.ori %gt3A_76, %and3A_80 : vector<1024x1024xi1>
    %jit3A_81 = arith.constant 1.000000e+00 : f32
    %jit3A_82 = arith.constant 0.000000e+00 : f32
    %broadcast_in_dim3A_83 = vector.broadcast %jit3A_81 : f32 to vector<1024x1024xf32>
    %broadcast_in_dim3A_84 = vector.broadcast %jit3A_82 : f32 to vector<1024x1024xf32>
    %select_n3A_85 = arith.select %or3A, %broadcast_in_dim3A_83, %broadcast_in_dim3A_84 : vector<1024x1024xi1>, vector<1024x1024xf32>
    %broadcast_in_dim3A_86 = arith.constant 1.000000e+00 : f32
    %broadcast_in_dim3A_87 = vector.broadcast %broadcast_in_dim3A_86 : f32 to vector<1x1024xf32>
    %dot_general3A_88 = arith.constant dense<0.000000e+00> : vector<1x1024xf32>
    %dot_general3A_89 = tpu.matmul %broadcast_in_dim3A_87, %select_n3A_85, %dot_general3A_88 {dimension_numbers = #tpu.dot_dimension_numbers<[1], [0], [0], [1], [0, 0, 1, 1], [], []>, precision = #tpu.contract_precision<fp32>, transpose_lhs_hint = false} : vector<1x1024xf32>, vector<1024x1024xf32>, vector<1x1024xf32> -> vector<1x1024xf32>
    %convert_element_type3A = arith.fptosi %dot_general3A_89 : vector<1x1024xf32> to vector<1x1024xi32>
    %iota3A_90 = tpu.iota {dimensions = array<i32: 0>} : vector<128x1024xi32>
    %eq3A_91 = vector.broadcast %convert_element_type3A : vector<1x1024xi32> to vector<128x1024xi32>
    %eq3A_92 = arith.cmpi eq, %eq3A_91, %iota3A_90 : vector<128x1024xi32>
    %jit3A_93 = arith.constant 1.000000e+00 : f32
    %jit3A_94 = arith.constant 0.000000e+00 : f32
    %broadcast_in_dim3A_95 = vector.broadcast %jit3A_93 : f32 to vector<128x1024xf32>
    %broadcast_in_dim3A_96 = vector.broadcast %jit3A_94 : f32 to vector<128x1024xf32>
    %select_n3A_97 = arith.select %eq3A_92, %broadcast_in_dim3A_95, %broadcast_in_dim3A_96 : vector<128x1024xi1>, vector<128x1024xf32>
    %dot_general3A_98 = arith.constant dense<0.000000e+00> : vector<128x4xf32>
    %dot_general3A_99 = tpu.matmul %select_n3A_97, %get3A_3, %dot_general3A_98 {dimension_numbers = #tpu.dot_dimension_numbers<[1], [0], [0], [1], [0, 0, 1, 1], [], []>, precision = #tpu.contract_precision<fp32>, transpose_lhs_hint = false} : vector<128x1024xf32>, vector<1024x4xf32>, vector<128x4xf32> -> vector<128x4xf32>
    %dot_general3A_100 = arith.constant dense<0.000000e+00> : vector<128x1xf32>
    %dot_general3A_101 = tpu.matmul %select_n3A_97, %dot_general3A_73, %dot_general3A_100 {dimension_numbers = #tpu.dot_dimension_numbers<[1], [0], [0], [1], [0, 0, 1, 1], [], []>, precision = #tpu.contract_precision<fp32>, transpose_lhs_hint = false} : vector<128x1024xf32>, vector<1024x1xf32>, vector<128x1xf32> -> vector<128x1xf32>
    %gt3A_102 = arith.constant 0.000000e+00 : f32
    %gt3A_103 = vector.broadcast %gt3A_102 : f32 to vector<128x1xf32>
    %gt3A_104 = arith.cmpf ogt, %dot_general3A_101, %gt3A_103 : vector<128x1xf32>
    %jit3A_105 = arith.constant 0.000000e+00 : f32
    %broadcast_in_dim3A_106 = vector.shape_cast %gt3A_104 : vector<128x1xi1> to vector<128x1xi1>
    %broadcast_in_dim3A_107 = vector.broadcast %broadcast_in_dim3A_106 : vector<128x1xi1> to vector<128x4xi1>
    %broadcast_in_dim3A_108 = vector.broadcast %jit3A_105 : f32 to vector<128x4xf32>
    %select_n3A_109 = arith.select %broadcast_in_dim3A_107, %dot_general3A_99, %broadcast_in_dim3A_108 : vector<128x4xi1>, vector<128x4xf32>
    %swap3A = arith.constant 0 : index
    %swap3A_110 = arith.constant 0 : index
    %swap3A_111 = arith.constant 0 : index
    %swap3A_112 = vector.load %arg4[%swap3A, %swap3A_110, %swap3A_111] : memref<1x128x4xf32, #tpu.memory_space<vmem>>, vector<1x128x4xf32>
    %swap3A_113 = vector.shape_cast %swap3A_112 : vector<1x128x4xf32> to vector<128x4xf32>
    %swap3A_114 = vector.shape_cast %select_n3A_109 : vector<128x4xf32> to vector<1x128x4xf32>
    tpu.vector_store %arg4[%swap3A, %swap3A_110, %swap3A_111], %swap3A_114 {strides = array<i32>} : memref<1x128x4xf32, #tpu.memory_space<vmem>>, vector<1x128x4xf32>,
    %jit3A_115 = arith.constant 0.000000e+00 : f32
    %broadcast_in_dim3A_116 = vector.broadcast %jit3A_115 : f32 to vector<128x1xf32>
    %select_n3A_117 = arith.select %gt3A_104, %dot_general3A_101, %broadcast_in_dim3A_116 : vector<128x1xi1>, vector<128x1xf32>
    %swap3A_118 = arith.constant 0 : index
    %swap3A_119 = arith.constant 0 : index
    %swap3A_120 = arith.constant 0 : index
    %swap3A_121 = vector.load %arg5[%swap3A_118, %swap3A_119, %swap3A_120] : memref<1x128x1xf32, #tpu.memory_space<vmem>>, vector<1x128x1xf32>
    %swap3A_122 = vector.shape_cast %swap3A_121 : vector<1x128x1xf32> to vector<128x1xf32>
    %swap3A_123 = vector.shape_cast %select_n3A_117 : vector<128x1xf32> to vector<1x128x1xf32>
    tpu.vector_store %arg5[%swap3A_118, %swap3A_119, %swap3A_120], %swap3A_123 {strides = array<i32>} : memref<1x128x1xf32, #tpu.memory_space<vmem>>, vector<1x128x1xf32>,
    return
  }
  func.func @transform_0(%arg0: i32) -> (i32, i32, i32) {
    %c0_i32 = arith.constant 0 : i32
    %c0_i32_0 = arith.constant 0 : i32
    %c0_i32_1 = arith.constant 0 : i32
    return %arg0, %c0_i32, %c0_i32_0 : i32, i32, i32
  }
  func.func @transform_1(%arg0: i32) -> (i32, i32, i32) {
    %c0_i32 = arith.constant 0 : i32
    %c0_i32_0 = arith.constant 0 : i32
    %c0_i32_1 = arith.constant 0 : i32
    return %arg0, %c0_i32, %c0_i32_0 : i32, i32, i32
  }
  func.func @transform_2(%arg0: i32) -> (i32, i32, i32) {
    %c0_i32 = arith.constant 0 : i32
    %c0_i32_0 = arith.constant 0 : i32
    %c0_i32_1 = arith.constant 0 : i32
    return %arg0, %c0_i32, %c0_i32_0 : i32, i32, i32
  }
  func.func @transform_3(%arg0: i32) -> (i32, i32, i32) {
    %c0_i32 = arith.constant 0 : i32
    %c0_i32_0 = arith.constant 0 : i32
    %c0_i32_1 = arith.constant 0 : i32
    return %arg0, %c0_i32, %c0_i32_0 : i32, i32, i32
  }
  func.func @transform_4(%arg0: i32) -> (i32, i32, i32) {
    %c0_i32 = arith.constant 0 : i32
    %c0_i32_0 = arith.constant 0 : i32
    %c0_i32_1 = arith.constant 0 : i32
    return %arg0, %c0_i32, %c0_i32_0 : i32, i32, i32
  }
}

</mosaic_0001>

<sc_bundles>
// kernel: gather_offload_async_start
scs
__scs_entry_jumppad:
0x0: {  	(pc) =	sbr.rel $0x88, $3  }
0x1: {  	(tag) =	ssettag $0x0;
	lr =	simm.s32 $0x1  }
0x2: {  	[smem:$0x3F9E] =	sst lr;
	_ =	strace $0xD0000000  }
0x3: {  	_ = 	snop  }
0x4: {  	_ = 	snop  }
0x5: {  	_ = 	snop  }
0x6: {  	_ = 	snop  }
0x7: {  	_ = 	snop  }
__scs_overlays_trampoline_lowered:
0x8: {  	[smem:$0x3FAD] =	sst s0  }
0x9: {  	[smem:$0x3FAE] =	sst s1  }
0xa: {  	[smem:$0x3FAF] =	sst s2  }
0xb: {  	[smem:$0x3FB0] =	sst s3  }
0xc: {  	[smem:$0x3FB1] =	sst s4  }
0xd: {  	[smem:$0x3FB2] =	sst s5  }
0xe: {  	[smem:$0x3FB3] =	sst s6  }
0xf: {  	[smem:$0x3FB4] =	sst s7  }
0x10: {  	[smem:$0x3FB5] =	sst s8  }
0x11: {  	[smem:$0x3FB6] =	sst s9;
	s0 =	simm.s32 @!p0 $0x0  }
0x12: {  	s1 =	sld [smem:$0x3F9C];
	s0 =	simm.s32 @p0 $0x1  }
0x13: {  	[smem:$0x3FB7] =	sst s0;
	s0 =	simm.s32 @!p1 $0x0  }
0x14: {  	s2 =	sld [smem:$0x3F9B];
	s0 =	simm.s32 @p1 $0x1  }
0x15: {  	[smem:$0x3FB8] =	sst s0;
	s0 =	simm.s32 @!p2 $0x0  }
0x16: {  	s3 =	sld [smem:$0x3FDB];
	s0 =	simm.s32 @p2 $0x1  }
0x17: {  	s4 =	simm.s32 $0x1BF5;
	[smem:$0x3FBA] =	sst s0  }
0x18: {  	s0 =	sld [smem:$0x3F9D];
	_ =	swait.ge [sflag:s4], $0x0  }
0x19: {  	s7 =	sld [smem:$0x3F9E]  }
0x1a: {  	s8 =	sadd.s32 $0xFFFFE003, lr  }
0x1b: {  	s9 =	sadd.s32 $0xFFFFFEF7, lr;
	s5 =	simm.s32 $0xFFFFFFFF;
	p2 =	slt.u32 s8, $0xFFFFF086  }
0x1c: {  	p1 =	slt.u32 s9, $0xF7A;
	s5 =	simm.s32 @!p2 $0x0  }
0x1d: {  	s5 =	simm.s32 @p1 $0x1;
	p0 =	seq.s32 s7, s2  }
0x1e: {  	s7 =	smul.u32 @!p0 $0xF7A, s2;
	p2 =	seq.s32 @!p0 s5, $0x0  }
0x1f: {  	s9 =	smul.u32 $0xF7A, s1;
	s8 =	simm.s32 @!p0 $0x1BF5;
	p2 =	por !p2, p0  }
0x20: {  	[sflag:s8] =	ssyncset.s32 @!p0 $0xFFFFF086;
	s6 =	sadd.s32 @!p0 s3, s7;
	s7 =	simm.s32 @!p0 $0x108  }
0x21: {  	s3 =	sadd.s32 s3, s9;
	s6 =	sadd.s32 @!p0 $0x88, s6;
	s7 =	simm.s32 @p2 $0x1082  }
0x22: {  	[simem:s7], [sflag:s8] =	dma.local @!p0 [hbm:s6], $0xF7A  }
0x23: {  	s9 =	sor.u32 $0xD0000000, s2;
	s6 =	simm.s32 $0x108;
	_ =	swait.ge @!p0 [sflag:s8], $0x0  }
0x24: {  	s3 =	sadd.s32 $0x88, s3;
	s6 =	simm.s32 @!p1 $0x1082;
	[sflag:s4] =	ssyncset.s32 $0xFFFFF086  }
0x25: {  	[simem:s6], [sflag:s4] =	dma.local [hbm:s3], $0xF7A  }
0x26: {  	[smem:$0x3F9E] =	sst s1;
	(tag) =	ssettag s2;
	_ =	strace s9  }
0x27: {  	s1 =	sld [smem:$0x3FAE]  }
0x28: {  	s2 =	sld [smem:$0x3FAF]  }
0x29: {  	s4 =	sld [smem:$0x3FB1]  }
0x2a: {  	p0 =	seq.s32 s5, $0x0;
	s5 =	sld [smem:$0x3FB2]  }
0x2b: {  	s6 =	sld [smem:$0x3FB3]  }
0x2c: {  	s7 =	sld [smem:$0x3FB4]  }
0x2d: {  	s3 =	simm.s32 $0x108;
	s8 =	sld [smem:$0x3FB5]  }
0x2e: {  	s3 =	simm.s32 @!p0 $0x1082;
	s9 =	sld [smem:$0x3FB6]  }
0x2f: {  	lr =	sadd.s32 s0, s3;
	s0 =	sld [smem:$0x3FAD]  }
0x30: {  	s3 =	sld [smem:$0x3FB0]  }
0x31: {  	[smem:$0x3FB9] =	sst s10  }
0x32: {  	s10 =	sld [smem:$0x3FB7];
	_ =	sdelay $0x3  }
0x33: {  	p0 =	seq.s32 s10, $0x1;
	s10 =	sld [smem:$0x3FB9];
	_ =	sdelay $0x3  }
0x34: {  	[smem:$0x3FB9] =	sst s10  }
0x35: {  	s10 =	sld [smem:$0x3FB8];
	_ =	sdelay $0x3  }
0x36: {  	p1 =	seq.s32 s10, $0x1;
	s10 =	sld [smem:$0x3FB9];
	_ =	sdelay $0x3  }
0x37: {  	[smem:$0x3FB9] =	sst s10  }
0x38: {  	s10 =	sld [smem:$0x3FBA]  }
0x39: {  	_ = 	snop;
	(pc) =	sbr.ind lr, $3  }
0x3a: {  	_ = 	snop  }
0x3b: {  	_ = 	snop  }
0x3c: {  	p2 =	seq.s32 s10, $0x1;
	s10 =	sld [smem:$0x3FB9]  }
0x3d: {  	_ =	shalt  }
0x3e: {  	_ =	shalt  }
0x3f: {  	_ =	shalt  }
0x40: {  	_ =	shalt  }
0x41: {  	_ =	shalt  }
0x42: {  	_ =	shalt  }
0x43: {  	_ =	shalt  }
0x44: {  	_ =	shalt  }
0x45: {  	_ =	shalt  }
0x46: {  	_ =	shalt  }
0x47: {  	_ =	shalt  }
0x48: {  	_ =	shalt  }
0x49: {  	_ =	shalt  }
0x4a: {  	_ =	shalt  }
0x4b: {  	_ =	shalt  }
0x4c: {  	_ =	shalt  }
0x4d: {  	_ =	shalt  }
0x4e: {  	_ =	shalt  }
0x4f: {  	_ =	shalt  }
0x50: {  	_ =	shalt  }
0x51: {  	_ =	shalt  }
0x52: {  	_ =	shalt  }
0x53: {  	_ =	shalt  }
0x54: {  	_ =	shalt  }
0x55: {  	_ =	shalt  }
0x56: {  	_ =	shalt  }
0x57: {  	_ =	shalt  }
0x58: {  	_ =	shalt  }
0x59: {  	_ =	shalt  }
0x5a: {  	_ =	shalt  }
0x5b: {  	_ =	shalt  }
0x5c: {  	_ =	shalt  }
0x5d: {  	_ =	shalt  }
0x5e: {  	_ =	shalt  }
0x5f: {  	_ =	shalt  }
0x60: {  	_ =	shalt  }
0x61: {  	_ =	shalt  }
0x62: {  	_ =	shalt  }
0x63: {  	_ =	shalt  }
0x64: {  	_ =	shalt  }
0x65: {  	_ =	shalt  }
0x66: {  	_ =	shalt  }
0x67: {  	_ =	shalt  }
0x68: {  	_ =	shalt  }
0x69: {  	_ =	shalt  }
0x6a: {  	_ =	shalt  }
0x6b: {  	_ =	shalt  }
0x6c: {  	_ =	shalt  }
0x6d: {  	_ =	shalt  }
0x6e: {  	_ =	shalt  }
0x6f: {  	_ =	shalt  }
0x70: {  	_ =	shalt  }
0x71: {  	_ =	shalt  }
0x72: {  	_ =	shalt  }
0x73: {  	_ =	shalt  }
0x74: {  	_ =	shalt  }
0x75: {  	_ =	shalt  }
0x76: {  	_ =	shalt  }
0x77: {  	_ =	shalt  }
0x78: {  	_ =	shalt  }
0x79: {  	_ =	shalt  }
0x7a: {  	_ =	shalt  }
0x7b: {  	_ =	shalt  }
0x7c: {  	_ =	shalt  }
0x7d: {  	_ =	shalt  }
0x7e: {  	_ =	shalt  }
0x7f: {  	_ =	shalt  }
0x80: {  	_ =	shalt  }
0x81: {  	_ =	shalt  }
0x82: {  	_ =	shalt  }
0x83: {  	_ =	shalt  }
0x84: {  	_ =	shalt  }
0x85: {  	_ =	shalt  }
0x86: {  	_ =	shalt  }
0x87: {  	_ =	shalt  }
.Lfunc_end0:
.L_simem_size_0:
called_computation_lowered:
.L_overlay_start_0:
0x88: {  	s2 =	sld [smem:$0x3FD9]  }
0x89: {  	s3 =	sld [smem:$0x3FFE];
	_ =	sdelay $0x1  }
0x8a: {  	s1 =	srdreg.scid  }
0x8b: {  	s0 =	sand.u32 $0x1, s1  }
0x8c: {  	s16 =	sshll.u32 s0, $0xA;
	s2 =	sadd.s32 s3, s2  }
0x8d: {  	s2 =	sadd.s32 s2, s16  }
0x8e: {  	[smem:$0x3FC5] =	sst s2  }
0x8f: {  	_ = 	snop  }
0x90: {  	(tm) =	ssettm $0x1  }
0x91: {  	s17 =	sld [smem:$0x3FFB];
	_ =	sdelay $0x3  }
0x92: {  	_ =	strace s17  }
0x93: {  	s2 =	sld [smem:$0x3FFC];
	_ =	sdelay $0x3  }
0x94: {  	_ =	strace s2  }
0x95: {  	s2 =	sld [smem:$0x3FFD];
	_ =	sdelay $0x3  }
0x96: {  	_ =	strace s2  }
0x97: {  	_ =	strace $0x8FFFFFFF  }
0x98: {  	s18 =	sld [smem:$0x3FDB];
	_ =	sdelay $0x1  }
0x99: {  	s19 =	simm.s32 $_scs_section_size  }
0x9a: {  	s4 =	simm.s32 $_size__tile_overlayer_lowered;
	s5 =	simm.s32 $_tile_overlayer_lowered  }
0x9b: {  	s22 =	simm.s32 $0x1BFF;
	s21 =	sshll.u32 s5, $0x1;
	s2 =	sadd.s32 s19, s18  }
0x9c: {  	s6 =	simm.s32 $0x0;
	s20 =	sshll.u32 s4, $0x1;
	s4 =	sadd.s32 s21, s2  }
0x9d: {  	[timem:s6], [sflag:s22] =	dma.local [hbm:s4], s20  }
0x9e: {  	_ =	swait.ge [sflag:s22], s20  }
0x9f: {  	s3 =	ssub.s32 $0x0, s20;
	[sflag:s22] =	ssyncset.done $0x0  }
0xa0: {  	[sflag:s22] =	ssyncadd.s32 s3;
	_ =	sdelay $0x1  }
0xa1: {  	s23 =	simm.s32 $0x1B8B  }
0xa2: {  	_ =	swait.ge [sflag:s23], $0x1  }
0xa3: {  	[sflag:s23] =	ssyncset.done $0x0  }
0xa4: {  	s25 =	simm.s32 $0x1B8E;
	s24 =	sld [smem:$0x3FFE];
	[sflag:s23] =	ssyncadd.s32 $0xFFFFFFFF  }
0xa5: {  	s26 =	simm.s32 $execute0_lowered;
	[smem:$0x3FD2] =	sst s25  }
0xa6: {  	s4 =	sshll.u32 s26, $0x1;
	_ =	strace $0x80000046;
	[dreg:$0x1] =	wrdreg $0xFFFFFFFF  }
0xa7: {  	s28 =	simm.s32 $_size_execute0_lowered;
	s2 =	sadd.s32 s2, s4;
	[dreg:$0x0] =	wrdreg $0x0  }
0xa8: {  	s4 =	sshll.u32 s28, $0x1;
	[dreg:$0x2] =	wrdreg s2  }
0xa9: {  	[dreg:$0x3] =	wrdreg s4  }
0xaa: {  	[dreg:$0x4] =	wrdreg $0xC0  }
0xab: {  	_ =	task [dreg:s6], $0x5FFFF  }
0xac: {  	[dreg:$0x1] =	wrdreg $0xFFFFFFFF  }
0xad: {  	[dreg:$0x0] =	wrdreg $0x60  }
0xae: {  	[dreg:$0x2] =	wrdreg s24  }
0xaf: {  	[dreg:$0x3] =	wrdreg $0x9  }
0xb0: {  	_ =	task.clear_ibuf [dreg:s6], $0x4FFFF;
	_ =	strace $0x90000046  }
0xb1: {  	s29 =	simm.s32 $0x9;
	_ =	strace $0x80000048  }
0xb2: {  	_ =	swait.ge [sflag:s29], $0x1  }
0xb3: {  	[sflag:s29] =	ssyncadd.s32 $0xFFFFFFFF  }
0xb4: {  	_ =	strace $0x90000048  }
0xb5: {  	_ =	sfence  }
0xb6: {  	s30 =	sld [smem:$0x0];
	_ =	sdelay $0x2  }
0xb7: {  	s31 =	sshll.u32 s1, $0xD;
	s1 =	sshrl.u32 s1, $0x2  }
0xb8: {  	s3 =	sand.u32 $0x4000, s31;
	s1 =	sadd.s32 s1, s30  }
0xb9: {  	s0 =	sor.u32 s3, s0;
	s1 =	sshll.u32 s1, $0x11  }
0xba: {  	s0 =	sor.u32 s1, s0  }
0xbb: {  	s0 =	sadd.s32 $0x8F2B, s0  }
0xbc: {  	[sflag:s0] =	ssyncadd.remote.s32 $0x1  }
0xbd: {  	_ =	sfence.sel $0xFFFF  }
0xbe: {  	[dreg:$0x0] =	wrdreg $0xFFFFFFFF;
	(pc) =	sbr.abs _section_cstart, $3  }
0xbf: {  	[dreg:$0x1] =	wrdreg $0xFFFFFFFF  }
0xc0: {  	_ =	task.clear_ibuf [dreg:s6], $0x2FFFF;
	_ =	strace $0x9FFFFFFF  }
0xc1: {  	(tm) =	ssettm $0x7FFFFFFF  }
tec
execute0_lowered:
.L_overlay_start_1:
0x0: {  	(tag) =	ssettag $0x1  }
0x1: {  	s1 =	srdreg.scid  }
0x2: {  	s0 =	stileid.u32;
	s2 =	rddreg [dreg:$0x0];
	s6 =	simm.s32 $0x1  }
0x3: {  	s9 =	simm.s32 $0x1;
	s10 =	simm.s32 $0x3;
	s1 =	sshll.u32 s1, $0x7  }
0x4: {  	s13 =	simm.s32 $0x0;
	s3 =	sshll.u32 s0, $0x8;
	s4 =	sand.u32 $0x80, s1  }
0x5: {  	s12 =	simm.s32 $0x0;
	s5 =	sadd.s32 $0x32A00, s2;
	s3 =	sor.u32 s3, s4  }
0x6: {  	s1 =	rddreg [dreg:$0x1];
	_ =	strace $0x80000047;
	s8 =	ssub.s32 $0x4E80, s3  }
.Ltmp0:
0x7: {  	s4 =	sadd.s32 $0x32000, s2;
	s7 =	sand.u32 $0xF80, s8;
	(pc) =	sbr.rel .LBB2_1-.Ltmp0, $4  }
0x8: {  	[sflag:s6] =	ssyncpa.u1 $0x0;
	s11 =	smov.u32 s3;
	p0 =	sne.s32 s7, $0x0  }
0x9: {  	s8 =	sshrl.u32 s8, $0xC;
	s7 =	simm.s32 $0x2;
	s9 =	simm.s32 @!p0 $0x0  }
0xa: {  	[sflag:s7] =	ssyncpa.u1 $0x0;
	p0 =	por $0x0, $0x0;
	s8 =	sadd.s32 s9, s8  }
0xb: {  	vm0 =	vmmov $0xffff;
	v0 =	vlaneseq.u32;
	[sflag:s10] =	ssyncpa.u1 $0x0;
	s10 =	simm.s32 $0x0;
	s9 =	sadd.s32 $0x1, s8  }
.LBB2_4:
0xc: {  	_ =	sdelay $0x3  }
0xd: {  	[tilespmem:s21], [sflag:$0x1] =	stream.indirect_vreg.gather [hbm4b:s2+s10], $0x1, v1, vm0, $0x4038;
	[tilespmem:$0x500] =	vst v63  }
0xe: {  	s15 =	sadd.s32 s17, s15  }
0xf: {  	v1 =	vld.msk [tilespmem:s15+$0x0 ss:$0x1], $0xffff;
	_ =	sdelay $0x4  }
0x10: {  	v2 =	vshrl.u32 v1, $0x5  }
0x11: {  	v3 =	vand.u32 $0x1F, v1;
	vm1 =	veq.s32 v1, $0x80000000;
	v1 =	vand.u32 $0x7FFF, v2  }
0x12: {  	p1 =	sgt.s32 s18, $0x0;
	v2 =	vmul.u32 $0x14000, v3;
	v1 =	vsel vm1, $0xFFFFFFFF, v1  }
0x13: {  	s18 =	simm.s32 @!p1 $0x0;
	v3 =	vshll.u32 v1, $0x2  }
0x14: {  	s26 =	smin.u32 s18, $0x10;
	v2 =	vsel vm1, $0xFFFEC000, v2;
	v3 =	vand.u32 $0xFFFFFE00, v3  }
0x15: {  	v1 =	vand.u32 $0x7F, v1;
	v2 =	vadd.s32 v2, v3;
	v3 =	vmov s26  }
0x16: {  	v1 =	vor.u32 v1, v2;
	vm1 =	vgt.u32 v3, v0  }
0x17: {  	v2 =	vnsel vm1, $0x7FFFFFFF, v1;
	_ =	sdelay $0x1  }
0x18: {  	v3 =	vor.u32 $0x80, v1  }
0x19: {  	(ifvalue) =	ssetifvalue $0x7FFFFFFF;
	v3 =	vnsel vm1, $0x7FFFFFFF, v3  }
0x1a: {  	s28 =	sadd.s32 s17, s16;
	(ifvalue) =	ssetifvalue $0x7FFFFFFF  }
0x1b: {  	v4 =	vor.u32 $0x100, v1;
	[tilespmem:s28], [sflag:$0x1] =	stream.indirect_vreg.gather [hbm4b:s2+s10], $0x1, v2, vm0, $0x4038;
	[tilespmem:$0x500] =	vst v63  }
0x1c: {  	(ifvalue) =	ssetifvalue $0x7FFFFFFF;
	v2 =	vnsel vm1, $0x7FFFFFFF, v4  }
0x1d: {  	s16 =	sadd.s32 $0x80, s28;
	(ifvalue) =	ssetifvalue $0x7FFFFFFF  }
0x1e: {  	v1 =	vor.u32 $0x180, v1;
	[tilespmem:s16], [sflag:$0x1] =	stream.indirect_vreg.gather [hbm4b:s2+s10], $0x1, v3, vm0, $0x4038;
	[tilespmem:$0x500] =	vst v63  }
0x1f: {  	v1 =	vnsel vm1, $0x7FFFFFFF, v1;
	(ifvalue) =	ssetifvalue $0x7FFFFFFF  }
0x20: {  	s29 =	sadd.s32 $0x100, s28;
	(ifvalue) =	ssetifvalue $0x7FFFFFFF  }
0x21: {  	[tilespmem:s29], [sflag:$0x1] =	stream.indirect_vreg.gather [hbm4b:s2+s10], $0x1, v2, vm0, $0x4038;
	[tilespmem:$0x500] =	vst v63  }
0x22: {  	(ifvalue) =	ssetifvalue $0x7FFFFFFF  }
0x23: {  	s30 =	sshll.u32 s13, $0x2;
	s15 =	sadd.s32 $0x180, s28;
	(ifvalue) =	ssetifvalue $0x7FFFFFFF  }
0x24: {  	[tilespmem:s15], [sflag:$0x1] =	stream.indirect_vreg.gather [hbm4b:s2+s10], $0x1, v1, vm0, $0x4038;
	[tilespmem:$0x500] =	vst v63  }
0x25: {  	s31 =	sand.u32 $0x78, s13;
	s15 =	sand.u32 $0xFFFFFE00, s30  }
0x26: {  	_ =	swait.ge [sflag:s6], $0x200;
	s13 =	sor.u32 s31, s15  }
0x27: {  	[sflag:s6] =	ssyncset.done $0x0;
	s13 =	sshrl.u32 s13, $0x3  }
0x28: {  	[sflag:s6] =	ssyncadd.s32 $0xFFFFFE00;
	s13 =	sadd.s32 s5, s13  }
0x29: {  	[hbm:s13] =	stream.linear.scatter [tilespmem:s14], [sflag:$0x3], $0x200, $0x38;
	[tilespmem:$0x500] =	vst v63  }
.LBB2_5:
0x2a: {  	s15 =	sadd.s32 $0x1000, s11  }
0x2b: {  	p2 =	sgt.s32 s15, $0x4E7F  }
0x2c: {  	s15 =	smov.u32 @p2 s3;
	p2 =	sne.s32 s12, s9  }
.Ltmp1:
0x2d: {  	p1 =	slt.u32 s12, $0x2;
	(pc) =	sbr.rel @!p2 .LBB2_6-.Ltmp1, $4  }
0x2e: {  	s14 =	simm.s32 @!p1 $0x3  }
0x2f: {  	s16 =	sadd.s32 $0x1, s12;
	_ =	swait.ge @!p1 [sflag:s14], $0x200  }
0x30: {  	s13 =	smov.u32 s11;
	p0 =	por !p0, !p0;
	[sflag:s14] =	ssyncset.done @!p1 $0x0  }
0x31: {  	s12 =	smov.u32 s16;
	s11 =	smov.u32 s15;
	[sflag:s14] =	ssyncadd.s32 @!p1 $0xFFFFFE00  }
.LBB2_1:
0x32: {  	p1 =	sge.u32 s12, s8  }
0x33: {  	s14 =	sxor.u32 @!p1 $0xFFFFFFFF, s12  }
0x34: {  	s31 =	sadd.s32 $0xFFFFFFFF, s12;
	s15 =	sshrl.u32 @!p1 s11, $0x3;
	s14 =	sshll.u32 @!p1 s14, $0x7  }
0x35: {  	s16 =	sand.u32 @!p1 $0x7, s11;
	s15 =	sadd.s32 @!p1 s4, s15;
	s14 =	sand.u32 @!p1 $0x80, s14  }
0x36: {  	[tilespmem:s14], [sflag:$0x2] =	stream.linear.gather @!p1 [hbm4b:s15+s16], $0x80, $0x38;
	[tilespmem:$0x500] =	vst v63  }
0x37: {  	p1 =	sge.u32 s31, s8  }
.Ltmp2:
0x38: {  	_ = 	snop;
	(pc) =	sbr.rel @p1 .LBB2_5-.Ltmp2, $1  }
0x39: {  	_ =	sdelay $0x3  }
0x3a: {  	s14 =	simm.s32 $0x1  }
0x3b: {  	_ =	swait.ge [sflag:s7], $0x80;
	s14 =	simm.s32 @!p0 $0x0  }
0x3c: {  	[sflag:s7] =	ssyncset.done $0x0;
	s15 =	sshll.u32 s14, $0x7  }
0x3d: {  	[sflag:s7] =	ssyncadd.s32 $0xFFFFFF80;
	s16 =	sadd.s32 $0x0, s15  }
0x3e: {  	v1 =	vld.msk [tilespmem:s16+$0x0 ss:$0x1], $0xffff;
	_ =	sdelay $0x3  }
0x3f: {  	s18 =	ssub.s32 $0x4E20, s13  }
0x40: {  	p1 =	slt.s32 s18, $0x80;
	v2 =	vshrl.u32 v1, $0x5  }
0x41: {  	s18 =	simm.s32 @!p1 $0x80;
	v3 =	vand.u32 $0x1F, v1;
	vm1 =	veq.s32 v1, $0x80000000;
	v1 =	vand.u32 $0x7FFF, v2  }
0x42: {  	p1 =	sgt.s32 s18, $0x0;
	s16 =	smov.u32 s18;
	v2 =	vmul.u32 $0x14000, v3;
	v1 =	vsel vm1, $0xFFFFFFFF, v1  }
0x43: {  	s16 =	simm.s32 @!p1 $0x0;
	v3 =	vshll.u32 v1, $0x2  }
0x44: {  	s16 =	smin.u32 s16, $0x10;
	v2 =	vsel vm1, $0xFFFEC000, v2;
	v3 =	vand.u32 $0xFFFFFE00, v3  }
0x45: {  	v1 =	vand.u32 $0x7F, v1;
	v2 =	vadd.s32 v2, v3;
	v3 =	vmov s16  }
0x46: {  	v1 =	vor.u32 v1, v2;
	vm1 =	vgt.u32 v3, v0  }
0x47: {  	v2 =	vnsel vm1, $0x7FFFFFFF, v1;
	_ =	sdelay $0x1  }
0x48: {  	s14 =	sshll.u32 s14, $0x9;
	v3 =	vor.u32 $0x80, v1  }
0x49: {  	(ifvalue) =	ssetifvalue $0x7FFFFFFF;
	s16 =	sor.u32 $0x100, s14;
	v3 =	vnsel vm1, $0x7FFFFFFF, v3  }
0x4a: {  	(ifvalue) =	ssetifvalue $0x7FFFFFFF;
	s19 =	sadd.s32 $0x0, s16  }
0x4b: {  	v4 =	vor.u32 $0x100, v1;
	[tilespmem:s19], [sflag:$0x1] =	stream.indirect_vreg.gather [hbm4b:s2+s10], $0x1, v2, vm0, $0x4038;
	[tilespmem:$0x500] =	vst v63  }
0x4c: {  	(ifvalue) =	ssetifvalue $0x7FFFFFFF;
	v2 =	vnsel vm1, $0x7FFFFFFF, v4  }
0x4d: {  	s17 =	sadd.s32 $0x80, s19;
	(ifvalue) =	ssetifvalue $0x7FFFFFFF  }
0x4e: {  	v1 =	vor.u32 $0x180, v1;
	[tilespmem:s17], [sflag:$0x1] =	stream.indirect_vreg.gather [hbm4b:s2+s10], $0x1, v3, vm0, $0x4038;
	[tilespmem:$0x500] =	vst v63  }
0x4f: {  	s30 =	sshll.u32 s12, $0x9;
	s20 =	simm.s32 $0x80;
	v1 =	vnsel vm1, $0x7FFFFFFF, v1;
	(ifvalue) =	ssetifvalue $0x7FFFFFFF  }
0x50: {  	s14 =	sand.u32 $0x200, s30;
	s31 =	sadd.s32 $0x100, s19;
	(ifvalue) =	ssetifvalue $0x7FFFFFFF  }
0x51: {  	[tilespmem:s31], [sflag:$0x1] =	stream.indirect_vreg.gather [hbm4b:s2+s10], $0x1, v2, vm0, $0x4038;
	[tilespmem:$0x500] =	vst v63  }
0x52: {  	s18 =	sadd.s32 $0xFFFFFFF0, s18;
	s14 =	sor.u32 $0x100, s14;
	(ifvalue) =	ssetifvalue $0x7FFFFFFF  }
0x53: {  	s21 =	sadd.s32 $0x180, s19;
	s17 =	simm.s32 $0x10;
	(ifvalue) =	ssetifvalue $0x7FFFFFFF  }
.LBB2_3:
0x54: {  	[tilespmem:s21], [sflag:$0x1] =	stream.indirect_vreg.gather [hbm4b:s2+s10], $0x1, v1, vm0, $0x4038;
	[tilespmem:$0x500] =	vst v63  }
0x55: {  	s19 =	smov.u32 s20  }
0x56: {  	s22 =	sadd.s32 s17, s15;
	s21 =	sshra.s32 s19, $0x2;
	s19 =	sadd.s32 $0x40, s20  }
0x57: {  	p1 =	sne.s32 s20, $0x1C0;
	v1 =	vld.msk [tilespmem:s22+$0x0 ss:$0x1], $0xffff  }
0x58: {  	(ifvalue) =	ssetifvalue $0x7FFFFFFF;
	_ =	sdelay $0x4  }
0x59: {  	v2 =	vand.u32 $0x1F, v1;
	v3 =	vshrl.u32 v1, $0x5  }
0x5a: {  	vm1 =	veq.s32 v1, $0x80000000;
	v1 =	vand.u32 $0x7FFF, v3;
	v2 =	vmul.u32 $0x14000, v2  }
0x5b: {  	p2 =	sgt.s32 s18, $0x0;
	s20 =	smov.u32 s18;
	v1 =	vsel vm1, $0xFFFFFFFF, v1  }
0x5c: {  	s20 =	simm.s32 @!p2 $0x0;
	v2 =	vsel vm1, $0xFFFEC000, v2;
	v3 =	vshll.u32 v1, $0x2  }
0x5d: {  	s20 =	smin.u32 s20, $0x10;
	v3 =	vand.u32 $0xFFFFFE00, v3  }
0x5e: {  	v1 =	vand.u32 $0x7F, v1;
	v2 =	vadd.s32 v2, v3;
	v3 =	vmov s20  }
0x5f: {  	v1 =	vor.u32 v1, v2;
	vm1 =	vgt.u32 v3, v0  }
0x60: {  	v2 =	vnsel vm1, $0x7FFFFFFF, v1;
	v3 =	vor.u32 $0x80, v1;
	v4 =	vor.u32 $0x100, v1  }
0x61: {  	v1 =	vor.u32 $0x180, v1;
	_ =	sdelay $0x1  }
0x62: {  	v3 =	vnsel vm1, $0x7FFFFFFF, v3  }
0x63: {  	s20 =	sadd.s32 s17, s16;
	s17 =	smov.u32 s21;
	(ifvalue) =	ssetifvalue $0x7FFFFFFF  }
0x64: {  	[tilespmem:s20], [sflag:$0x1] =	stream.indirect_vreg.gather [hbm4b:s2+s10], $0x1, v2, vm0, $0x4038;
	[tilespmem:$0x500] =	vst v63  }
0x65: {  	v2 =	vnsel vm1, $0x7FFFFFFF, v4;
	(ifvalue) =	ssetifvalue $0x7FFFFFFF  }
0x66: {  	s21 =	sadd.s32 $0x80, s20;
	(ifvalue) =	ssetifvalue $0x7FFFFFFF  }
0x67: {  	[tilespmem:s21], [sflag:$0x1] =	stream.indirect_vreg.gather [hbm4b:s2+s10], $0x1, v3, vm0, $0x4038;
	[tilespmem:$0x500] =	vst v63  }
.Ltmp3:
0x68: {  	v1 =	vnsel vm1, $0x7FFFFFFF, v1;
	(ifvalue) =	ssetifvalue $0x7FFFFFFF;
	(pc) =	sbr.rel @p1 .LBB2_3-.Ltmp3, $4  }
0x69: {  	s21 =	sadd.s32 $0x100, s20;
	(ifvalue) =	ssetifvalue $0x7FFFFFFF  }
0x6a: {  	[tilespmem:s21], [sflag:$0x1] =	stream.indirect_vreg.gather [hbm4b:s2+s10], $0x1, v2, vm0, $0x4038;
	[tilespmem:$0x500] =	vst v63  }
0x6b: {  	s18 =	sadd.s32 $0xFFFFFFF0, s18;
	(ifvalue) =	ssetifvalue $0x7FFFFFFF  }
0x6c: {  	s21 =	sadd.s32 $0x180, s20;
	s20 =	smov.u32 s19;
	(ifvalue) =	ssetifvalue $0x7FFFFFFF  }
.Ltmp4:
0x6d: {  	_ = 	snop;
	(pc) =	sbr.rel .LBB2_4-.Ltmp4, $1  }
0x6e: {  	_ =	sdelay $0x3  }
.LBB2_6:
0x6f: {  	_ =	sfence.sel $0x180000  }
0x70: {  	s2 =	simm.s32 $0x2;
	[bflag:$0x0] =	sbarrier.arrive $0xFFFF  }
0x71: {  	s30 =	simm.s32 $0x3;
	[sflag:s2] =	ssyncpa.u1 $0x1  }
0x72: {  	s31 =	simm.s32 $0x1;
	[sflag:s30] =	ssyncpa.u1 $0x1  }
0x73: {  	[sflag:s31] =	ssyncpa.u1 $0x1  }
0x74: {  	p0 =	sne.s32 s0, $0x0;
	_ =	strace $0x90000047  }
0x75: {  	s0 =	sadd.s32 @!p0 $0x100000, s1;
	[bflag:$0x2] =	sbarrier.arrive $0xFFFF  }
0x76: {  	[sflag:s0] =	ssyncadd.tile.s32 @!p0 $0x1;
	_ =	shalt  }
.Lfunc_end2:
_tile_overlayer_lowered:
.L_overlay_start_2:
0x77: {  	(tag) =	ssettag $0x2  }
0x78: {  	s0 =	rddreg [dreg:$0x0];
	s2 =	stileid.u32  }
0x79: {  	s1 =	rddreg [dreg:$0x1];
	p0 =	sne.s32 s2, $0x0  }
0x7a: {  	s3 =	rddreg [dreg:$0x2];
	[bflag:$0x3] =	sbarrier.arrive $0xFFFF;
	s2 =	simm.s32 @!p0 $0x1C01  }
0x7b: {  	[timem:s3], [sflag:s2] =	dma.local @!p0 [hbm:s0], s1  }
0x7c: {  	s0 =	simm.s32 @!p0 $0x1  }
0x7d: {  	_ =	swait.ge @!p0 [sflag:s0], s1  }
0x7e: {  	s1 =	ssub.s32 @!p0 $0x0, s1;
	[sflag:s0] =	ssyncset.done @!p0 $0x0  }
0x7f: {  	[sflag:s0] =	ssyncadd.s32 @!p0 s1  }
0x80: {  	[bflag:$0x3] =	sbarrier.arrive $0xFFFF  }
0x81: {  	_ =	shalt  }

</sc_bundles>
